<compile_context>
chip_gen: v7x
topology: tpu7x:2x2x1
jax: 0.10.2.dev20260603
libtpu: 0.0.44.dev20260713+nightly
codegen_flags: <defaults>
</compile_context>

<pallas_src>
import functools

import jax
import jax.numpy as jnp
from jax import lax
from jax.experimental import pallas as pl
from jax.experimental.pallas import tpu as pltpu
from jax.experimental.pallas import tpu_sc as plsc

B, Q, V, NY, D = 4096, 200, 100000, 14, 16
NW = 32
BPW = B // NW


def _prep_body(tabT, w, b, g, lb, yt, qt, al, be, lntab_o, vtab_o, qe_o):
    x = tabT[...]
    cid = (lax.broadcasted_iota(jnp.int32, x.shape, 1)
           + pl.program_id(0) * _VBLK)
    x = jnp.where(cid == 0, b[...], jnp.where(cid == 1, w[...] + b[...], x))
    mu = jnp.mean(x, axis=0, keepdims=True)
    var = jnp.mean((x - mu) ** 2, axis=0, keepdims=True)
    y = (x - mu) * lax.rsqrt(var + 1e-5) * g[...]
    lntab_o[...] = jnp.transpose(y)
    vtab_o[...] = yt[...] * al[0, 0]
    qe_o[...] = jnp.transpose(qt[...] * be[0, 0] + lb[...])


VP = 102400
_VBLK = 4096
_fixed = lambda i: (0, 0)
_prep = pl.pallas_call(
    _prep_body,
    grid=(VP // _VBLK,),
    in_specs=[
        pl.BlockSpec((D, _VBLK), lambda i: (0, i)),
        pl.BlockSpec((D, 1), _fixed), pl.BlockSpec((D, 1), _fixed),
        pl.BlockSpec((D, 1), _fixed), pl.BlockSpec((D, 1), _fixed),
        pl.BlockSpec((NY, D), _fixed), pl.BlockSpec((D, Q), _fixed),
        pl.BlockSpec((1, 1), _fixed), pl.BlockSpec((1, 1), _fixed),
    ],
    out_specs=(
        pl.BlockSpec((_VBLK, D), lambda i: (i, 0)),
        pl.BlockSpec((NY, D), _fixed),
        pl.BlockSpec((Q, D), _fixed),
    ),
    out_shape=(
        jax.ShapeDtypeStruct((VP, D), jnp.float32),
        jax.ShapeDtypeStruct((NY, D), jnp.float32),
        jax.ShapeDtypeStruct((Q, D), jnp.float32),
    ),
)


_NB = 4


def _sc_body(lntab, ansT, year, vtab, qe, out, idx_v, year_v, v_v, qe_v,
             vt_v, rbufs, obufs, gsems, osems, vsem):
    wid = lax.axis_index("s") * 2 + lax.axis_index("c")
    bbase = wid * BPW
    pltpu.sync_copy(ansT.at[:, pl.ds(bbase, BPW)], idx_v)
    pltpu.sync_copy(year.at[pl.ds(bbase, BPW)], year_v)
    pltpu.sync_copy(qe, qe_v)
    pltpu.async_copy(vtab.at[year_v], v_v, vsem).wait()

    lane = lax.broadcasted_iota(jnp.int32, (16,), 0)
    zerov = lane * 0
    cols_d = [jnp.full((16,), d, jnp.int32) for d in range(D)]

    for d in range(D):
        for c in range(BPW // 16):
            vt_v[pl.ds(d * BPW + c * 16, 16)] = plsc.load_gather(
                v_v, [lane + c * 16, cols_d[d]])

    def g_start(s, buf, sem):
        pltpu.make_async_copy(
            lntab.at[idx_v.at[2 * s]], buf.at[pl.ds(0, BPW)], sem).start()
        pltpu.make_async_copy(
            lntab.at[idx_v.at[2 * s + 1]], buf.at[pl.ds(BPW, BPW)],
            sem).start()

    def g_wait(buf, sem):
        pltpu.make_async_copy(
            lntab.at[pl.ds(0, 2 * BPW)], buf, sem).wait()

    def o_start(s, buf, sem):
        for j in range(2):
            for dh in range(2):
                pltpu.make_async_copy(
                    buf.at[pl.ds(j * 2048 + dh * 1024, 1024)],
                    out.at[pl.ds(
                        (((2 * s + j) * 2 + dh) * NW + wid) * 1024, 1024)],
                    sem).start()

    def o_wait(buf, sem):
        pltpu.make_async_copy(buf, out.at[pl.ds(0, 4096)], sem).wait()

    NS = Q // 2

    for s0 in range(_NB - 1):
        g_start(s0, rbufs[s0], gsems[s0])

    def body(i, carry):
        for k in range(_NB):
            s = i * _NB + k
            kn = (k + 1) % _NB
            rcur = rbufs[k]
            ocur = obufs[k]

            @pl.when(s + _NB - 1 < NS)
            def _():
                g_start(s + _NB - 1, rbufs[(k + _NB - 1) % _NB],
                        gsems[(k + _NB - 1) % _NB])

            @pl.when(s >= _NB)
            def _():
                o_wait(ocur, osems[k])

            g_wait(rcur, gsems[k])
            q2 = 2 * s

            @plsc.parallel_loop(0, 2 * 8 * D, 1, unroll=16)
            def _(jj):
                jq = jj >> 7
                d = (jj >> 3) & 15
                c = jj & 7
                rows = lane + ((jq << 7) + (c << 4))
                cold = zerov + d
                qidx = zerov + (q2 + jq)
                tv = plsc.load_gather(rcur, [rows, cold])
                qv = plsc.load_gather(qe_v, [qidx, cold])
                vv = vt_v[pl.ds((jj & 127) * 16, 16)]
                ocur[pl.ds(jj * 16, 16)] = tv + qv + vv
            o_start(s, ocur, osems[k])
        return carry

    lax.fori_loop(0, NS // _NB, body, 0)
    for k in range(_NB):
        o_wait(obufs[k], osems[k])


_sc_main = functools.partial(
    pl.kernel,
    out_type=jax.ShapeDtypeStruct((Q * 2 * NW * 8 * BPW,), jnp.float32),
    mesh=plsc.VectorSubcoreMesh(core_axis_name="c", subcore_axis_name="s"),
    scratch_types=[
        pltpu.VMEM((Q, BPW), jnp.int32),
        pltpu.VMEM((BPW,), jnp.int32),
        pltpu.VMEM((BPW, D), jnp.float32),
        pltpu.VMEM((Q, D), jnp.float32),
        pltpu.VMEM((D * BPW,), jnp.float32),
        [pltpu.VMEM((2 * BPW, D), jnp.float32)] * _NB,
        [pltpu.VMEM((2 * D * BPW,), jnp.float32)] * _NB,
        [pltpu.SemaphoreType.DMA] * _NB,
        [pltpu.SemaphoreType.DMA] * _NB,
        pltpu.SemaphoreType.DMA,
    ],
    compiler_params=pltpu.CompilerParams(use_tc_tiling_on_sc=False,
                                         needs_layout_passes=False),
)(_sc_body)


def kernel(year, answer, answer_table, w_cont, b_cont, ln_gamma, ln_beta,
           yearly_table, question_table, alpha, beta):
    year = year.astype(jnp.int32)
    ansT = answer.T.astype(jnp.int32)
    tabT = jnp.pad(answer_table.T, ((0, 0), (0, VP - V)))
    qtT = question_table.T
    lntab, vtab, qe = _prep(
        tabT,
        w_cont.reshape(D, 1), b_cont.reshape(D, 1),
        ln_gamma.reshape(D, 1), ln_beta.reshape(D, 1),
        yearly_table, qtT,
        alpha.reshape(1, 1), beta.reshape(1, 1),
    )
    out5 = _sc_main(lntab, ansT, year, vtab, qe).reshape(Q, 2, NW, 8, BPW)
    return out5.transpose(2, 4, 0, 1, 3).reshape(B, Q, D)

# --- scband reference (transcript-rebuilt; emitter-appended) ---
"""Pipeline reference for scband-survey-embeddings-24988119728796 (READ-ONLY COPY).

The authoritative reference and input builder live on the scoring server;
editing this copy changes nothing except your own understanding.
"""

import jax, jax.numpy as jnp
import numpy as np

B, Q, V, NY, D = 4096, 200, 100000, 14, 16


def setup_inputs(seed: int = 0):
    key = jax.random.key(seed)
    ks = jax.random.split(key, 8)
    year = jax.random.randint(ks[0], (B,), 0, NY, dtype=jnp.int64) if jax.config.jax_enable_x64 else jax.random.randint(ks[0], (B,), 0, NY)
    answer = jax.random.randint(ks[1], (B, Q), 0, V)
    answer_table = jax.random.normal(ks[2], (V, D), dtype=jnp.float32) * float(np.sqrt(2.0 / D))
    w_cont = jax.random.normal(ks[3], (D,), dtype=jnp.float32) * 0.5
    b_cont = jax.random.normal(ks[4], (D,), dtype=jnp.float32) * 0.1
    ln_gamma = jnp.ones((D,), jnp.float32)
    ln_beta = jnp.zeros((D,), jnp.float32)
    yearly_table = jax.random.normal(ks[5], (NY, D), dtype=jnp.float32) * float(np.sqrt(2.0 / D))
    question_table = jax.random.normal(ks[6], (Q, D), dtype=jnp.float32) * float(np.sqrt(2.0 / D))
    alpha = jnp.array([0.01], jnp.float32)
    beta = jnp.array([0.2], jnp.float32)
    return {"year": year, "answer": answer, "answer_table": answer_table,
            "w_cont": w_cont, "b_cont": b_cont, "ln_gamma": ln_gamma, "ln_beta": ln_beta,
            "yearly_table": yearly_table, "question_table": question_table,
            "alpha": alpha, "beta": beta}


def _layernorm(x, g, b, eps=1e-5):
    mu = jnp.mean(x, axis=-1, keepdims=True)
    var = jnp.mean((x - mu) ** 2, axis=-1, keepdims=True)
    return (x - mu) / jnp.sqrt(var + eps) * g + b


def reference(year, answer, answer_table, w_cont, b_cont, ln_gamma, ln_beta,
              yearly_table, question_table, alpha, beta):
    # answer <= 1 -> continuous path through Linear(1, D); else embedding lookup
    is_cont = answer <= 1
    cont_emb = answer.astype(jnp.float32)[..., None] * w_cont + b_cont  # [B, Q, D]
    cat_emb = jnp.take(answer_table, answer, axis=0)                    # [B, Q, D] gather
    placeholder = jnp.where(is_cont[..., None], cont_emb, cat_emb)
    a = _layernorm(placeholder, ln_gamma, ln_beta)
    # dropout layers are identity in eval mode
    y = jnp.take(yearly_table, year, axis=0)[:, None, :]                # [B, 1, D]
    emb = a + alpha * y
    qe = jnp.take(question_table, jnp.arange(Q), axis=0)                # [Q, D]
    emb = emb + beta * qe
    return emb

if __name__ == "__main__":
    import jax
    _d = setup_inputs()
    print(jax.jit(kernel)(*tuple(_d.values())))

</pallas_src>

<mosaic_0001>
#map = affine_map<(d0, d1) -> (0, 0)>
#map1 = affine_map<(d0, d1) -> (0)>
module attributes {stable_mosaic.version = 14 : i64} {
  func.func @_sc_body(%arg0: i32, %arg1: i32, %arg2: memref<102400x16xf32, #tpu.memory_space<hbm>>, %arg3: memref<200x4096xi32, #tpu.memory_space<hbm>>, %arg4: memref<4096xi32, #tpu.memory_space<hbm>>, %arg5: memref<14x16xf32, #tpu.memory_space<hbm>>, %arg6: memref<200x16xf32, #tpu.memory_space<hbm>>, %arg7: memref<13107200xf32, #tpu.memory_space<hbm>>, %arg8: memref<200x128xi32, #tpu.memory_space<vmem>>, %arg9: memref<128xi32, #tpu.memory_space<vmem>>, %arg10: memref<128x16xf32, #tpu.memory_space<vmem>>, %arg11: memref<200x16xf32, #tpu.memory_space<vmem>>, %arg12: memref<2048xf32, #tpu.memory_space<vmem>>, %arg13: memref<256x16xf32, #tpu.memory_space<vmem>>, %arg14: memref<256x16xf32, #tpu.memory_space<vmem>>, %arg15: memref<256x16xf32, #tpu.memory_space<vmem>>, %arg16: memref<256x16xf32, #tpu.memory_space<vmem>>, %arg17: memref<4096xf32, #tpu.memory_space<vmem>>, %arg18: memref<4096xf32, #tpu.memory_space<vmem>>, %arg19: memref<4096xf32, #tpu.memory_space<vmem>>, %arg20: memref<4096xf32, #tpu.memory_space<vmem>>, %arg21: memref<!tpu.dma_semaphore, #tpu.memory_space<semaphore_mem>>, %arg22: memref<!tpu.dma_semaphore, #tpu.memory_space<semaphore_mem>>, %arg23: memref<!tpu.dma_semaphore, #tpu.memory_space<semaphore_mem>>, %arg24: memref<!tpu.dma_semaphore, #tpu.memory_space<semaphore_mem>>, %arg25: memref<!tpu.dma_semaphore, #tpu.memory_space<semaphore_mem>>, %arg26: memref<!tpu.dma_semaphore, #tpu.memory_space<semaphore_mem>>, %arg27: memref<!tpu.dma_semaphore, #tpu.memory_space<semaphore_mem>>, %arg28: memref<!tpu.dma_semaphore, #tpu.memory_space<semaphore_mem>>, %arg29: memref<!tpu.dma_semaphore, #tpu.memory_space<semaphore_mem>>) attributes {dimension_semantics = [#tpu.dimension_semantics<core_parallel>, #tpu.dimension_semantics<subcore_parallel>], iteration_bounds = array<i64: 2, 16>, scalar_prefetch = 0 : i64, scratch_operands = 22 : i64, tpu.core_type = #tpu.core_type<sc_vector_subcore>, window_params = [{transform_indices = #map}, {transform_indices = #map}, {transform_indices = #map1}, {transform_indices = #map}, {transform_indices = #map}, {transform_indices = #map1}]} {
    %mul3A = arith.constant 2 : i32
    %mul3A_0 = arith.muli %arg1, %mul3A : i32
    %add3A = arith.addi %mul3A_0, %arg0 : i32
    %mul3A_1 = arith.constant 128 : i32
    %mul3A_2 = arith.muli %add3A, %mul3A_1 : i32
    "tpu.region"() ({
      %run_scoped3A = tpu.sem_alloc : memref<!tpu.dma_semaphore, #tpu.memory_space<semaphore_mem>>
      %dma_start3A_888 = arith.constant 0 : i32
      %dma_start3A_889 = tpu.memref_slice %arg3[%dma_start3A_888, %mul3A_2] : memref<200x4096xi32, #tpu.memory_space<hbm>> -> memref<200x128xi32, #tpu.memory_space<hbm>>
      %dma_start3A_890 = arith.constant 0 : i32
      %dma_start3A_891 = tpu.memref_slice %arg3[%dma_start3A_890, %mul3A_2] : memref<200x4096xi32, #tpu.memory_space<hbm>> -> memref<200x128xi32, #tpu.memory_space<hbm>>
      tpu.enqueue_dma source(%dma_start3A_891 : memref<200x128xi32, #tpu.memory_space<hbm>>) target(%arg8 : memref<200x128xi32, #tpu.memory_space<vmem>>) target_semaphore(%run_scoped3A : memref<!tpu.dma_semaphore, #tpu.memory_space<semaphore_mem>>)
      %dma_wait3A_892 = arith.constant 0 : i32
      %dma_wait3A_893 = tpu.memref_slice %arg3[%dma_wait3A_892, %mul3A_2] : memref<200x4096xi32, #tpu.memory_space<hbm>> -> memref<200x128xi32, #tpu.memory_space<hbm>>
      %dma_wait3A_894 = arith.constant 0 : i32
      %dma_wait3A_895 = tpu.memref_slice %arg3[%dma_wait3A_894, %mul3A_2] : memref<200x4096xi32, #tpu.memory_space<hbm>> -> memref<200x128xi32, #tpu.memory_space<hbm>>
      tpu.wait_dma2 semaphore(%run_scoped3A : memref<!tpu.dma_semaphore, #tpu.memory_space<semaphore_mem>>) src(%dma_wait3A_895 : memref<200x128xi32, #tpu.memory_space<hbm>>) dst(%arg8 : memref<200x128xi32, #tpu.memory_space<vmem>>)
      tpu.yield
    }) : () -> ()
    "tpu.region"() ({
      %run_scoped3A = tpu.sem_alloc : memref<!tpu.dma_semaphore, #tpu.memory_space<semaphore_mem>>
      %dma_start3A_888 = tpu.memref_slice %arg4[%mul3A_2] : memref<4096xi32, #tpu.memory_space<hbm>> -> memref<128xi32, #tpu.memory_space<hbm>>
      %dma_start3A_889 = tpu.memref_slice %arg4[%mul3A_2] : memref<4096xi32, #tpu.memory_space<hbm>> -> memref<128xi32, #tpu.memory_space<hbm>>
      tpu.enqueue_dma source(%dma_start3A_889 : memref<128xi32, #tpu.memory_space<hbm>>) target(%arg9 : memref<128xi32, #tpu.memory_space<vmem>>) target_semaphore(%run_scoped3A : memref<!tpu.dma_semaphore, #tpu.memory_space<semaphore_mem>>)
      %dma_wait3A_890 = tpu.memref_slice %arg4[%mul3A_2] : memref<4096xi32, #tpu.memory_space<hbm>> -> memref<128xi32, #tpu.memory_space<hbm>>
      %dma_wait3A_891 = tpu.memref_slice %arg4[%mul3A_2] : memref<4096xi32, #tpu.memory_space<hbm>> -> memref<128xi32, #tpu.memory_space<hbm>>
      tpu.wait_dma2 semaphore(%run_scoped3A : memref<!tpu.dma_semaphore, #tpu.memory_space<semaphore_mem>>) src(%dma_wait3A_891 : memref<128xi32, #tpu.memory_space<hbm>>) dst(%arg9 : memref<128xi32, #tpu.memory_space<vmem>>)
      tpu.yield
    }) : () -> ()
    "tpu.region"() ({
      %run_scoped3A = tpu.sem_alloc : memref<!tpu.dma_semaphore, #tpu.memory_space<semaphore_mem>>
      tpu.enqueue_dma source(%arg6 : memref<200x16xf32, #tpu.memory_space<hbm>>) target(%arg11 : memref<200x16xf32, #tpu.memory_space<vmem>>) target_semaphore(%run_scoped3A : memref<!tpu.dma_semaphore, #tpu.memory_space<semaphore_mem>>)
      tpu.wait_dma2 semaphore(%run_scoped3A : memref<!tpu.dma_semaphore, #tpu.memory_space<semaphore_mem>>) src(%arg6 : memref<200x16xf32, #tpu.memory_space<hbm>>) dst(%arg11 : memref<200x16xf32, #tpu.memory_space<vmem>>)
      tpu.yield
    }) : () -> ()
    %dma_start3A = arith.constant 0 : i32
    %dma_start3A_3 = arith.constant 0 : i32
    %dma_start3A_4 = tpu.memref_slice %arg5[%dma_start3A, %dma_start3A_3] : memref<14x16xf32, #tpu.memory_space<hbm>> -> memref<14x16xf32, #tpu.memory_space<hbm>>
    tpu.enqueue_indirect_dma source(%dma_start3A_4 : memref<14x16xf32, #tpu.memory_space<hbm>>) target(%arg10 : memref<128x16xf32, #tpu.memory_space<vmem>>) offsets(%arg9 : memref<128xi32, #tpu.memory_space<vmem>>) semaphore(%arg29 : memref<!tpu.dma_semaphore, #tpu.memory_space<semaphore_mem>>)
    %dma_wait3A = arith.constant 0 : i32
    %dma_wait3A_5 = arith.constant 0 : i32
    %dma_wait3A_6 = tpu.memref_slice %arg5[%dma_wait3A, %dma_wait3A_5] : memref<14x16xf32, #tpu.memory_space<hbm>> -> memref<14x16xf32, #tpu.memory_space<hbm>>
    tpu.wait_indirect_dma semaphore(%arg29 : memref<!tpu.dma_semaphore, #tpu.memory_space<semaphore_mem>>) src(%dma_wait3A_6 : memref<14x16xf32, #tpu.memory_space<hbm>>) dst(%arg10 : memref<128x16xf32, #tpu.memory_space<vmem>>)
    %iota3A = tpu.iota {dimensions = array<i32: 0>} : vector<16xi32>
    %mul3A_7 = arith.constant 0 : i32
    %mul3A_8 = vector.broadcast %mul3A_7 : i32 to vector<16xi32>
    %mul3A_9 = arith.muli %iota3A, %mul3A_8 : vector<16xi32>
    %broadcast_in_dim3A = arith.constant 0 : i32
    %broadcast_in_dim3A_10 = vector.broadcast %broadcast_in_dim3A : i32 to vector<16xi32>
    %broadcast_in_dim3A_11 = arith.constant 1 : i32
    %broadcast_in_dim3A_12 = vector.broadcast %broadcast_in_dim3A_11 : i32 to vector<16xi32>
    %broadcast_in_dim3A_13 = arith.constant 2 : i32
    %broadcast_in_dim3A_14 = vector.broadcast %broadcast_in_dim3A_13 : i32 to vector<16xi32>
    %broadcast_in_dim3A_15 = arith.constant 3 : i32
    %broadcast_in_dim3A_16 = vector.broadcast %broadcast_in_dim3A_15 : i32 to vector<16xi32>
    %broadcast_in_dim3A_17 = arith.constant 4 : i32
    %broadcast_in_dim3A_18 = vector.broadcast %broadcast_in_dim3A_17 : i32 to vector<16xi32>
    %broadcast_in_dim3A_19 = arith.constant 5 : i32
    %broadcast_in_dim3A_20 = vector.broadcast %broadcast_in_dim3A_19 : i32 to vector<16xi32>
    %broadcast_in_dim3A_21 = arith.constant 6 : i32
    %broadcast_in_dim3A_22 = vector.broadcast %broadcast_in_dim3A_21 : i32 to vector<16xi32>
    %broadcast_in_dim3A_23 = arith.constant 7 : i32
    %broadcast_in_dim3A_24 = vector.broadcast %broadcast_in_dim3A_23 : i32 to vector<16xi32>
    %broadcast_in_dim3A_25 = arith.constant 8 : i32
    %broadcast_in_dim3A_26 = vector.broadcast %broadcast_in_dim3A_25 : i32 to vector<16xi32>
    %broadcast_in_dim3A_27 = arith.constant 9 : i32
    %broadcast_in_dim3A_28 = vector.broadcast %broadcast_in_dim3A_27 : i32 to vector<16xi32>
    %broadcast_in_dim3A_29 = arith.constant 10 : i32
    %broadcast_in_dim3A_30 = vector.broadcast %broadcast_in_dim3A_29 : i32 to vector<16xi32>
    %broadcast_in_dim3A_31 = arith.constant 11 : i32
    %broadcast_in_dim3A_32 = vector.broadcast %broadcast_in_dim3A_31 : i32 to vector<16xi32>
    %broadcast_in_dim3A_33 = arith.constant 12 : i32
    %broadcast_in_dim3A_34 = vector.broadcast %broadcast_in_dim3A_33 : i32 to vector<16xi32>
    %broadcast_in_dim3A_35 = arith.constant 13 : i32
    %broadcast_in_dim3A_36 = vector.broadcast %broadcast_in_dim3A_35 : i32 to vector<16xi32>
    %broadcast_in_dim3A_37 = arith.constant 14 : i32
    %broadcast_in_dim3A_38 = vector.broadcast %broadcast_in_dim3A_37 : i32 to vector<16xi32>
    %broadcast_in_dim3A_39 = arith.constant 15 : i32
    %broadcast_in_dim3A_40 = vector.broadcast %broadcast_in_dim3A_39 : i32 to vector<16xi32>
    %add3A_41 = arith.constant 0 : i32
    %add3A_42 = vector.broadcast %add3A_41 : i32 to vector<16xi32>
    %add3A_43 = arith.addi %iota3A, %add3A_42 : vector<16xi32>
    %gather3A = tpu.vector_load_idx %arg10[%add3A_43, %broadcast_in_dim3A_10] : memref<128x16xf32, #tpu.memory_space<vmem>>[vector<16xi32>, vector<16xi32>], vector<16xf32>,
    %swap3A = arith.constant 0 : index
    %swap3A_44 = tpu.vector_load %arg12[%swap3A] {strides = array<i32>} : memref<2048xf32, #tpu.memory_space<vmem>>, vector<16xf32>,
    tpu.vector_store %arg12[%swap3A], %gather3A {strides = array<i32>} : memref<2048xf32, #tpu.memory_space<vmem>>, vector<16xf32>,
    %add3A_45 = arith.constant 16 : i32
    %add3A_46 = vector.broadcast %add3A_45 : i32 to vector<16xi32>
    %add3A_47 = arith.addi %iota3A, %add3A_46 : vector<16xi32>
    %gather3A_48 = tpu.vector_load_idx %arg10[%add3A_47, %broadcast_in_dim3A_10] : memref<128x16xf32, #tpu.memory_space<vmem>>[vector<16xi32>, vector<16xi32>], vector<16xf32>,
    %swap3A_49 = arith.constant 16 : index
    %swap3A_50 = tpu.vector_load %arg12[%swap3A_49] {strides = array<i32>} : memref<2048xf32, #tpu.memory_space<vmem>>, vector<16xf32>,
    tpu.vector_store %arg12[%swap3A_49], %gather3A_48 {strides = array<i32>} : memref<2048xf32, #tpu.memory_space<vmem>>, vector<16xf32>,
    %add3A_51 = arith.constant 32 : i32
    %add3A_52 = vector.broadcast %add3A_51 : i32 to vector<16xi32>
    %add3A_53 = arith.addi %iota3A, %add3A_52 : vector<16xi32>
    %gather3A_54 = tpu.vector_load_idx %arg10[%add3A_53, %broadcast_in_dim3A_10] : memref<128x16xf32, #tpu.memory_space<vmem>>[vector<16xi32>, vector<16xi32>], vector<16xf32>,
    %swap3A_55 = arith.constant 32 : index
    %swap3A_56 = tpu.vector_load %arg12[%swap3A_55] {strides = array<i32>} : memref<2048xf32, #tpu.memory_space<vmem>>, vector<16xf32>,
    tpu.vector_store %arg12[%swap3A_55], %gather3A_54 {strides = array<i32>} : memref<2048xf32, #tpu.memory_space<vmem>>, vector<16xf32>,
    %add3A_57 = arith.constant 48 : i32
    %add3A_58 = vector.broadcast %add3A_57 : i32 to vector<16xi32>
    %add3A_59 = arith.addi %iota3A, %add3A_58 : vector<16xi32>
    %gather3A_60 = tpu.vector_load_idx %arg10[%add3A_59, %broadcast_in_dim3A_10] : memref<128x16xf32, #tpu.memory_space<vmem>>[vector<16xi32>, vector<16xi32>], vector<16xf32>,
    %swap3A_61 = arith.constant 48 : index
    %swap3A_62 = tpu.vector_load %arg12[%swap3A_61] {strides = array<i32>} : memref<2048xf32, #tpu.memory_space<vmem>>, vector<16xf32>,
    tpu.vector_store %arg12[%swap3A_61], %gather3A_60 {strides = array<i32>} : memref<2048xf32, #tpu.memory_space<vmem>>, vector<16xf32>,
    %add3A_63 = arith.constant 64 : i32
    %add3A_64 = vector.broadcast %add3A_63 : i32 to vector<16xi32>
    %add3A_65 = arith.addi %iota3A, %add3A_64 : vector<16xi32>
    %gather3A_66 = tpu.vector_load_idx %arg10[%add3A_65, %broadcast_in_dim3A_10] : memref<128x16xf32, #tpu.memory_space<vmem>>[vector<16xi32>, vector<16xi32>], vector<16xf32>,
    %swap3A_67 = arith.constant 64 : index
    %swap3A_68 = tpu.vector_load %arg12[%swap3A_67] {strides = array<i32>} : memref<2048xf32, #tpu.memory_space<vmem>>, vector<16xf32>,
    tpu.vector_store %arg12[%swap3A_67], %gather3A_66 {strides = array<i32>} : memref<2048xf32, #tpu.memory_space<vmem>>, vector<16xf32>,
    %add3A_69 = arith.constant 80 : i32
    %add3A_70 = vector.broadcast %add3A_69 : i32 to vector<16xi32>
    %add3A_71 = arith.addi %iota3A, %add3A_70 : vector<16xi32>
    %gather3A_72 = tpu.vector_load_idx %arg10[%add3A_71, %broadcast_in_dim3A_10] : memref<128x16xf32, #tpu.memory_space<vmem>>[vector<16xi32>, vector<16xi32>], vector<16xf32>,
    %swap3A_73 = arith.constant 80 : index
    %swap3A_74 = tpu.vector_load %arg12[%swap3A_73] {strides = array<i32>} : memref<2048xf32, #tpu.memory_space<vmem>>, vector<16xf32>,
    tpu.vector_store %arg12[%swap3A_73], %gather3A_72 {strides = array<i32>} : memref<2048xf32, #tpu.memory_space<vmem>>, vector<16xf32>,
    %add3A_75 = arith.constant 96 : i32
    %add3A_76 = vector.broadcast %add3A_75 : i32 to vector<16xi32>
    %add3A_77 = arith.addi %iota3A, %add3A_76 : vector<16xi32>
    %gather3A_78 = tpu.vector_load_idx %arg10[%add3A_77, %broadcast_in_dim3A_10] : memref<128x16xf32, #tpu.memory_space<vmem>>[vector<16xi32>, vector<16xi32>], vector<16xf32>,
    %swap3A_79 = arith.constant 96 : index
    %swap3A_80 = tpu.vector_load %arg12[%swap3A_79] {strides = array<i32>} : memref<2048xf32, #tpu.memory_space<vmem>>, vector<16xf32>,
    tpu.vector_store %arg12[%swap3A_79], %gather3A_78 {strides = array<i32>} : memref<2048xf32, #tpu.memory_space<vmem>>, vector<16xf32>,
    %add3A_81 = arith.constant 112 : i32
    %add3A_82 = vector.broadcast %add3A_81 : i32 to vector<16xi32>
    %add3A_83 = arith.addi %iota3A, %add3A_82 : vector<16xi32>
    %gather3A_84 = tpu.vector_load_idx %arg10[%add3A_83, %broadcast_in_dim3A_10] : memref<128x16xf32, #tpu.memory_space<vmem>>[vector<16xi32>, vector<16xi32>], vector<16xf32>,
    %swap3A_85 = arith.constant 112 : index
    %swap3A_86 = tpu.vector_load %arg12[%swap3A_85] {strides = array<i32>} : memref<2048xf32, #tpu.memory_space<vmem>>, vector<16xf32>,
    tpu.vector_store %arg12[%swap3A_85], %gather3A_84 {strides = array<i32>} : memref<2048xf32, #tpu.memory_space<vmem>>, vector<16xf32>,
    %add3A_87 = arith.constant 0 : i32
    %add3A_88 = vector.broadcast %add3A_87 : i32 to vector<16xi32>
    %add3A_89 = arith.addi %iota3A, %add3A_88 : vector<16xi32>
    %gather3A_90 = tpu.vector_load_idx %arg10[%add3A_89, %broadcast_in_dim3A_12] : memref<128x16xf32, #tpu.memory_space<vmem>>[vector<16xi32>, vector<16xi32>], vector<16xf32>,
    %swap3A_91 = arith.constant 128 : index
    %swap3A_92 = tpu.vector_load %arg12[%swap3A_91] {strides = array<i32>} : memref<2048xf32, #tpu.memory_space<vmem>>, vector<16xf32>,
    tpu.vector_store %arg12[%swap3A_91], %gather3A_90 {strides = array<i32>} : memref<2048xf32, #tpu.memory_space<vmem>>, vector<16xf32>,
    %add3A_93 = arith.constant 16 : i32
    %add3A_94 = vector.broadcast %add3A_93 : i32 to vector<16xi32>
    %add3A_95 = arith.addi %iota3A, %add3A_94 : vector<16xi32>
    %gather3A_96 = tpu.vector_load_idx %arg10[%add3A_95, %broadcast_in_dim3A_12] : memref<128x16xf32, #tpu.memory_space<vmem>>[vector<16xi32>, vector<16xi32>], vector<16xf32>,
    %swap3A_97 = arith.constant 144 : index
    %swap3A_98 = tpu.vector_load %arg12[%swap3A_97] {strides = array<i32>} : memref<2048xf32, #tpu.memory_space<vmem>>, vector<16xf32>,
    tpu.vector_store %arg12[%swap3A_97], %gather3A_96 {strides = array<i32>} : memref<2048xf32, #tpu.memory_space<vmem>>, vector<16xf32>,
    %add3A_99 = arith.constant 32 : i32
    %add3A_100 = vector.broadcast %add3A_99 : i32 to vector<16xi32>
    %add3A_101 = arith.addi %iota3A, %add3A_100 : vector<16xi32>
    %gather3A_102 = tpu.vector_load_idx %arg10[%add3A_101, %broadcast_in_dim3A_12] : memref<128x16xf32, #tpu.memory_space<vmem>>[vector<16xi32>, vector<16xi32>], vector<16xf32>,
    %swap3A_103 = arith.constant 160 : index
    %swap3A_104 = tpu.vector_load %arg12[%swap3A_103] {strides = array<i32>} : memref<2048xf32, #tpu.memory_space<vmem>>, vector<16xf32>,
    tpu.vector_store %arg12[%swap3A_103], %gather3A_102 {strides = array<i32>} : memref<2048xf32, #tpu.memory_space<vmem>>, vector<16xf32>,
    %add3A_105 = arith.constant 48 : i32
    %add3A_106 = vector.broadcast %add3A_105 : i32 to vector<16xi32>
    %add3A_107 = arith.addi %iota3A, %add3A_106 : vector<16xi32>
    %gather3A_108 = tpu.vector_load_idx %arg10[%add3A_107, %broadcast_in_dim3A_12] : memref<128x16xf32, #tpu.memory_space<vmem>>[vector<16xi32>, vector<16xi32>], vector<16xf32>,
    %swap3A_109 = arith.constant 176 : index
    %swap3A_110 = tpu.vector_load %arg12[%swap3A_109] {strides = array<i32>} : memref<2048xf32, #tpu.memory_space<vmem>>, vector<16xf32>,
    tpu.vector_store %arg12[%swap3A_109], %gather3A_108 {strides = array<i32>} : memref<2048xf32, #tpu.memory_space<vmem>>, vector<16xf32>,
    %add3A_111 = arith.constant 64 : i32
    %add3A_112 = vector.broadcast %add3A_111 : i32 to vector<16xi32>
    %add3A_113 = arith.addi %iota3A, %add3A_112 : vector<16xi32>
    %gather3A_114 = tpu.vector_load_idx %arg10[%add3A_113, %broadcast_in_dim3A_12] : memref<128x16xf32, #tpu.memory_space<vmem>>[vector<16xi32>, vector<16xi32>], vector<16xf32>,
    %swap3A_115 = arith.constant 192 : index
    %swap3A_116 = tpu.vector_load %arg12[%swap3A_115] {strides = array<i32>} : memref<2048xf32, #tpu.memory_space<vmem>>, vector<16xf32>,
    tpu.vector_store %arg12[%swap3A_115], %gather3A_114 {strides = array<i32>} : memref<2048xf32, #tpu.memory_space<vmem>>, vector<16xf32>,
    %add3A_117 = arith.constant 80 : i32
    %add3A_118 = vector.broadcast %add3A_117 : i32 to vector<16xi32>
    %add3A_119 = arith.addi %iota3A, %add3A_118 : vector<16xi32>
    %gather3A_120 = tpu.vector_load_idx %arg10[%add3A_119, %broadcast_in_dim3A_12] : memref<128x16xf32, #tpu.memory_space<vmem>>[vector<16xi32>, vector<16xi32>], vector<16xf32>,
    %swap3A_121 = arith.constant 208 : index
    %swap3A_122 = tpu.vector_load %arg12[%swap3A_121] {strides = array<i32>} : memref<2048xf32, #tpu.memory_space<vmem>>, vector<16xf32>,
    tpu.vector_store %arg12[%swap3A_121], %gather3A_120 {strides = array<i32>} : memref<2048xf32, #tpu.memory_space<vmem>>, vector<16xf32>,
    %add3A_123 = arith.constant 96 : i32
    %add3A_124 = vector.broadcast %add3A_123 : i32 to vector<16xi32>
    %add3A_125 = arith.addi %iota3A, %add3A_124 : vector<16xi32>
    %gather3A_126 = tpu.vector_load_idx %arg10[%add3A_125, %broadcast_in_dim3A_12] : memref<128x16xf32, #tpu.memory_space<vmem>>[vector<16xi32>, vector<16xi32>], vector<16xf32>,
    %swap3A_127 = arith.constant 224 : index
    %swap3A_128 = tpu.vector_load %arg12[%swap3A_127] {strides = array<i32>} : memref<2048xf32, #tpu.memory_space<vmem>>, vector<16xf32>,
    tpu.vector_store %arg12[%swap3A_127], %gather3A_126 {strides = array<i32>} : memref<2048xf32, #tpu.memory_space<vmem>>, vector<16xf32>,
    %add3A_129 = arith.constant 112 : i32
    %add3A_130 = vector.broadcast %add3A_129 : i32 to vector<16xi32>
    %add3A_131 = arith.addi %iota3A, %add3A_130 : vector<16xi32>
    %gather3A_132 = tpu.vector_load_idx %arg10[%add3A_131, %broadcast_in_dim3A_12] : memref<128x16xf32, #tpu.memory_space<vmem>>[vector<16xi32>, vector<16xi32>], vector<16xf32>,
    %swap3A_133 = arith.constant 240 : index
    %swap3A_134 = tpu.vector_load %arg12[%swap3A_133] {strides = array<i32>} : memref<2048xf32, #tpu.memory_space<vmem>>, vector<16xf32>,
    tpu.vector_store %arg12[%swap3A_133], %gather3A_132 {strides = array<i32>} : memref<2048xf32, #tpu.memory_space<vmem>>, vector<16xf32>,
    %add3A_135 = arith.constant 0 : i32
    %add3A_136 = vector.broadcast %add3A_135 : i32 to vector<16xi32>
    %add3A_137 = arith.addi %iota3A, %add3A_136 : vector<16xi32>
    %gather3A_138 = tpu.vector_load_idx %arg10[%add3A_137, %broadcast_in_dim3A_14] : memref<128x16xf32, #tpu.memory_space<vmem>>[vector<16xi32>, vector<16xi32>], vector<16xf32>,
    %swap3A_139 = arith.constant 256 : index
    %swap3A_140 = tpu.vector_load %arg12[%swap3A_139] {strides = array<i32>} : memref<2048xf32, #tpu.memory_space<vmem>>, vector<16xf32>,
    tpu.vector_store %arg12[%swap3A_139], %gather3A_138 {strides = array<i32>} : memref<2048xf32, #tpu.memory_space<vmem>>, vector<16xf32>,
    %add3A_141 = arith.constant 16 : i32
    %add3A_142 = vector.broadcast %add3A_141 : i32 to vector<16xi32>
    %add3A_143 = arith.addi %iota3A, %add3A_142 : vector<16xi32>
    %gather3A_144 = tpu.vector_load_idx %arg10[%add3A_143, %broadcast_in_dim3A_14] : memref<128x16xf32, #tpu.memory_space<vmem>>[vector<16xi32>, vector<16xi32>], vector<16xf32>,
    %swap3A_145 = arith.constant 272 : index
    %swap3A_146 = tpu.vector_load %arg12[%swap3A_145] {strides = array<i32>} : memref<2048xf32, #tpu.memory_space<vmem>>, vector<16xf32>,
    tpu.vector_store %arg12[%swap3A_145], %gather3A_144 {strides = array<i32>} : memref<2048xf32, #tpu.memory_space<vmem>>, vector<16xf32>,
    %add3A_147 = arith.constant 32 : i32
    %add3A_148 = vector.broadcast %add3A_147 : i32 to vector<16xi32>
    %add3A_149 = arith.addi %iota3A, %add3A_148 : vector<16xi32>
    %gather3A_150 = tpu.vector_load_idx %arg10[%add3A_149, %broadcast_in_dim3A_14] : memref<128x16xf32, #tpu.memory_space<vmem>>[vector<16xi32>, vector<16xi32>], vector<16xf32>,
    %swap3A_151 = arith.constant 288 : index
    %swap3A_152 = tpu.vector_load %arg12[%swap3A_151] {strides = array<i32>} : memref<2048xf32, #tpu.memory_space<vmem>>, vector<16xf32>,
    tpu.vector_store %arg12[%swap3A_151], %gather3A_150 {strides = array<i32>} : memref<2048xf32, #tpu.memory_space<vmem>>, vector<16xf32>,
    %add3A_153 = arith.constant 48 : i32
    %add3A_154 = vector.broadcast %add3A_153 : i32 to vector<16xi32>
    %add3A_155 = arith.addi %iota3A, %add3A_154 : vector<16xi32>
    %gather3A_156 = tpu.vector_load_idx %arg10[%add3A_155, %broadcast_in_dim3A_14] : memref<128x16xf32, #tpu.memory_space<vmem>>[vector<16xi32>, vector<16xi32>], vector<16xf32>,
    %swap3A_157 = arith.constant 304 : index
    %swap3A_158 = tpu.vector_load %arg12[%swap3A_157] {strides = array<i32>} : memref<2048xf32, #tpu.memory_space<vmem>>, vector<16xf32>,
    tpu.vector_store %arg12[%swap3A_157], %gather3A_156 {strides = array<i32>} : memref<2048xf32, #tpu.memory_space<vmem>>, vector<16xf32>,
    %add3A_159 = arith.constant 64 : i32
    %add3A_160 = vector.broadcast %add3A_159 : i32 to vector<16xi32>
    %add3A_161 = arith.addi %iota3A, %add3A_160 : vector<16xi32>
    %gather3A_162 = tpu.vector_load_idx %arg10[%add3A_161, %broadcast_in_dim3A_14] : memref<128x16xf32, #tpu.memory_space<vmem>>[vector<16xi32>, vector<16xi32>], vector<16xf32>,
    %swap3A_163 = arith.constant 320 : index
    %swap3A_164 = tpu.vector_load %arg12[%swap3A_163] {strides = array<i32>} : memref<2048xf32, #tpu.memory_space<vmem>>, vector<16xf32>,
    tpu.vector_store %arg12[%swap3A_163], %gather3A_162 {strides = array<i32>} : memref<2048xf32, #tpu.memory_space<vmem>>, vector<16xf32>,
    %add3A_165 = arith.constant 80 : i32
    %add3A_166 = vector.broadcast %add3A_165 : i32 to vector<16xi32>
    %add3A_167 = arith.addi %iota3A, %add3A_166 : vector<16xi32>
    %gather3A_168 = tpu.vector_load_idx %arg10[%add3A_167, %broadcast_in_dim3A_14] : memref<128x16xf32, #tpu.memory_space<vmem>>[vector<16xi32>, vector<16xi32>], vector<16xf32>,
    %swap3A_169 = arith.constant 336 : index
    %swap3A_170 = tpu.vector_load %arg12[%swap3A_169] {strides = array<i32>} : memref<2048xf32, #tpu.memory_space<vmem>>, vector<16xf32>,
    tpu.vector_store %arg12[%swap3A_169], %gather3A_168 {strides = array<i32>} : memref<2048xf32, #tpu.memory_space<vmem>>, vector<16xf32>,
    %add3A_171 = arith.constant 96 : i32
    %add3A_172 = vector.broadcast %add3A_171 : i32 to vector<16xi32>
    %add3A_173 = arith.addi %iota3A, %add3A_172 : vector<16xi32>
    %gather3A_174 = tpu.vector_load_idx %arg10[%add3A_173, %broadcast_in_dim3A_14] : memref<128x16xf32, #tpu.memory_space<vmem>>[vector<16xi32>, vector<16xi32>], vector<16xf32>,
    %swap3A_175 = arith.constant 352 : index
    %swap3A_176 = tpu.vector_load %arg12[%swap3A_175] {strides = array<i32>} : memref<2048xf32, #tpu.memory_space<vmem>>, vector<16xf32>,
    tpu.vector_store %arg12[%swap3A_175], %gather3A_174 {strides = array<i32>} : memref<2048xf32, #tpu.memory_space<vmem>>, vector<16xf32>,
    %add3A_177 = arith.constant 112 : i32
    %add3A_178 = vector.broadcast %add3A_177 : i32 to vector<16xi32>
    %add3A_179 = arith.addi %iota3A, %add3A_178 : vector<16xi32>
    %gather3A_180 = tpu.vector_load_idx %arg10[%add3A_179, %broadcast_in_dim3A_14] : memref<128x16xf32, #tpu.memory_space<vmem>>[vector<16xi32>, vector<16xi32>], vector<16xf32>,
    %swap3A_181 = arith.constant 368 : index
    %swap3A_182 = tpu.vector_load %arg12[%swap3A_181] {strides = array<i32>} : memref<2048xf32, #tpu.memory_space<vmem>>, vector<16xf32>,
    tpu.vector_store %arg12[%swap3A_181], %gather3A_180 {strides = array<i32>} : memref<2048xf32, #tpu.memory_space<vmem>>, vector<16xf32>,
    %add3A_183 = arith.constant 0 : i32
    %add3A_184 = vector.broadcast %add3A_183 : i32 to vector<16xi32>
    %add3A_185 = arith.addi %iota3A, %add3A_184 : vector<16xi32>
    %gather3A_186 = tpu.vector_load_idx %arg10[%add3A_185, %broadcast_in_dim3A_16] : memref<128x16xf32, #tpu.memory_space<vmem>>[vector<16xi32>, vector<16xi32>], vector<16xf32>,
    %swap3A_187 = arith.constant 384 : index
    %swap3A_188 = tpu.vector_load %arg12[%swap3A_187] {strides = array<i32>} : memref<2048xf32, #tpu.memory_space<vmem>>, vector<16xf32>,
    tpu.vector_store %arg12[%swap3A_187], %gather3A_186 {strides = array<i32>} : memref<2048xf32, #tpu.memory_space<vmem>>, vector<16xf32>,
    %add3A_189 = arith.constant 16 : i32
    %add3A_190 = vector.broadcast %add3A_189 : i32 to vector<16xi32>
    %add3A_191 = arith.addi %iota3A, %add3A_190 : vector<16xi32>
    %gather3A_192 = tpu.vector_load_idx %arg10[%add3A_191, %broadcast_in_dim3A_16] : memref<128x16xf32, #tpu.memory_space<vmem>>[vector<16xi32>, vector<16xi32>], vector<16xf32>,
    %swap3A_193 = arith.constant 400 : index
    %swap3A_194 = tpu.vector_load %arg12[%swap3A_193] {strides = array<i32>} : memref<2048xf32, #tpu.memory_space<vmem>>, vector<16xf32>,
    tpu.vector_store %arg12[%swap3A_193], %gather3A_192 {strides = array<i32>} : memref<2048xf32, #tpu.memory_space<vmem>>, vector<16xf32>,
    %add3A_195 = arith.constant 32 : i32
    %add3A_196 = vector.broadcast %add3A_195 : i32 to vector<16xi32>
    %add3A_197 = arith.addi %iota3A, %add3A_196 : vector<16xi32>
    %gather3A_198 = tpu.vector_load_idx %arg10[%add3A_197, %broadcast_in_dim3A_16] : memref<128x16xf32, #tpu.memory_space<vmem>>[vector<16xi32>, vector<16xi32>], vector<16xf32>,
    %swap3A_199 = arith.constant 416 : index
    %swap3A_200 = tpu.vector_load %arg12[%swap3A_199] {strides = array<i32>} : memref<2048xf32, #tpu.memory_space<vmem>>, vector<16xf32>,
    tpu.vector_store %arg12[%swap3A_199], %gather3A_198 {strides = array<i32>} : memref<2048xf32, #tpu.memory_space<vmem>>, vector<16xf32>,
    %add3A_201 = arith.constant 48 : i32
    %add3A_202 = vector.broadcast %add3A_201 : i32 to vector<16xi32>
    %add3A_203 = arith.addi %iota3A, %add3A_202 : vector<16xi32>
    %gather3A_204 = tpu.vector_load_idx %arg10[%add3A_203, %broadcast_in_dim3A_16] : memref<128x16xf32, #tpu.memory_space<vmem>>[vector<16xi32>, vector<16xi32>], vector<16xf32>,
    %swap3A_205 = arith.constant 432 : index
    %swap3A_206 = tpu.vector_load %arg12[%swap3A_205] {strides = array<i32>} : memref<2048xf32, #tpu.memory_space<vmem>>, vector<16xf32>,
    tpu.vector_store %arg12[%swap3A_205], %gather3A_204 {strides = array<i32>} : memref<2048xf32, #tpu.memory_space<vmem>>, vector<16xf32>,
    %add3A_207 = arith.constant 64 : i32
    %add3A_208 = vector.broadcast %add3A_207 : i32 to vector<16xi32>
    %add3A_209 = arith.addi %iota3A, %add3A_208 : vector<16xi32>
    %gather3A_210 = tpu.vector_load_idx %arg10[%add3A_209, %broadcast_in_dim3A_16] : memref<128x16xf32, #tpu.memory_space<vmem>>[vector<16xi32>, vector<16xi32>], vector<16xf32>,
    %swap3A_211 = arith.constant 448 : index
    %swap3A_212 = tpu.vector_load %arg12[%swap3A_211] {strides = array<i32>} : memref<2048xf32, #tpu.memory_space<vmem>>, vector<16xf32>,
    tpu.vector_store %arg12[%swap3A_211], %gather3A_210 {strides = array<i32>} : memref<2048xf32, #tpu.memory_space<vmem>>, vector<16xf32>,
    %add3A_213 = arith.constant 80 : i32
    %add3A_214 = vector.broadcast %add3A_213 : i32 to vector<16xi32>
    %add3A_215 = arith.addi %iota3A, %add3A_214 : vector<16xi32>
    %gather3A_216 = tpu.vector_load_idx %arg10[%add3A_215, %broadcast_in_dim3A_16] : memref<128x16xf32, #tpu.memory_space<vmem>>[vector<16xi32>, vector<16xi32>], vector<16xf32>,
    %swap3A_217 = arith.constant 464 : index
    %swap3A_218 = tpu.vector_load %arg12[%swap3A_217] {strides = array<i32>} : memref<2048xf32, #tpu.memory_space<vmem>>, vector<16xf32>,
    tpu.vector_store %arg12[%swap3A_217], %gather3A_216 {strides = array<i32>} : memref<2048xf32, #tpu.memory_space<vmem>>, vector<16xf32>,
    %add3A_219 = arith.constant 96 : i32
    %add3A_220 = vector.broadcast %add3A_219 : i32 to vector<16xi32>
    %add3A_221 = arith.addi %iota3A, %add3A_220 : vector<16xi32>
    %gather3A_222 = tpu.vector_load_idx %arg10[%add3A_221, %broadcast_in_dim3A_16] : memref<128x16xf32, #tpu.memory_space<vmem>>[vector<16xi32>, vector<16xi32>], vector<16xf32>,
    %swap3A_223 = arith.constant 480 : index
    %swap3A_224 = tpu.vector_load %arg12[%swap3A_223] {strides = array<i32>} : memref<2048xf32, #tpu.memory_space<vmem>>, vector<16xf32>,
    tpu.vector_store %arg12[%swap3A_223], %gather3A_222 {strides = array<i32>} : memref<2048xf32, #tpu.memory_space<vmem>>, vector<16xf32>,
    %add3A_225 = arith.constant 112 : i32
    %add3A_226 = vector.broadcast %add3A_225 : i32 to vector<16xi32>
    %add3A_227 = arith.addi %iota3A, %add3A_226 : vector<16xi32>
    %gather3A_228 = tpu.vector_load_idx %arg10[%add3A_227, %broadcast_in_dim3A_16] : memref<128x16xf32, #tpu.memory_space<vmem>>[vector<16xi32>, vector<16xi32>], vector<16xf32>,
    %swap3A_229 = arith.constant 496 : index
    %swap3A_230 = tpu.vector_load %arg12[%swap3A_229] {strides = array<i32>} : memref<2048xf32, #tpu.memory_space<vmem>>, vector<16xf32>,
    tpu.vector_store %arg12[%swap3A_229], %gather3A_228 {strides = array<i32>} : memref<2048xf32, #tpu.memory_space<vmem>>, vector<16xf32>,
    %add3A_231 = arith.constant 0 : i32
    %add3A_232 = vector.broadcast %add3A_231 : i32 to vector<16xi32>
    %add3A_233 = arith.addi %iota3A, %add3A_232 : vector<16xi32>
    %gather3A_234 = tpu.vector_load_idx %arg10[%add3A_233, %broadcast_in_dim3A_18] : memref<128x16xf32, #tpu.memory_space<vmem>>[vector<16xi32>, vector<16xi32>], vector<16xf32>,
    %swap3A_235 = arith.constant 512 : index
    %swap3A_236 = tpu.vector_load %arg12[%swap3A_235] {strides = array<i32>} : memref<2048xf32, #tpu.memory_space<vmem>>, vector<16xf32>,
    tpu.vector_store %arg12[%swap3A_235], %gather3A_234 {strides = array<i32>} : memref<2048xf32, #tpu.memory_space<vmem>>, vector<16xf32>,
    %add3A_237 = arith.constant 16 : i32
    %add3A_238 = vector.broadcast %add3A_237 : i32 to vector<16xi32>
    %add3A_239 = arith.addi %iota3A, %add3A_238 : vector<16xi32>
    %gather3A_240 = tpu.vector_load_idx %arg10[%add3A_239, %broadcast_in_dim3A_18] : memref<128x16xf32, #tpu.memory_space<vmem>>[vector<16xi32>, vector<16xi32>], vector<16xf32>,
    %swap3A_241 = arith.constant 528 : index
    %swap3A_242 = tpu.vector_load %arg12[%swap3A_241] {strides = array<i32>} : memref<2048xf32, #tpu.memory_space<vmem>>, vector<16xf32>,
    tpu.vector_store %arg12[%swap3A_241], %gather3A_240 {strides = array<i32>} : memref<2048xf32, #tpu.memory_space<vmem>>, vector<16xf32>,
    %add3A_243 = arith.constant 32 : i32
    %add3A_244 = vector.broadcast %add3A_243 : i32 to vector<16xi32>
    %add3A_245 = arith.addi %iota3A, %add3A_244 : vector<16xi32>
    %gather3A_246 = tpu.vector_load_idx %arg10[%add3A_245, %broadcast_in_dim3A_18] : memref<128x16xf32, #tpu.memory_space<vmem>>[vector<16xi32>, vector<16xi32>], vector<16xf32>,
    %swap3A_247 = arith.constant 544 : index
    %swap3A_248 = tpu.vector_load %arg12[%swap3A_247] {strides = array<i32>} : memref<2048xf32, #tpu.memory_space<vmem>>, vector<16xf32>,
    tpu.vector_store %arg12[%swap3A_247], %gather3A_246 {strides = array<i32>} : memref<2048xf32, #tpu.memory_space<vmem>>, vector<16xf32>,
    %add3A_249 = arith.constant 48 : i32
    %add3A_250 = vector.broadcast %add3A_249 : i32 to vector<16xi32>
    %add3A_251 = arith.addi %iota3A, %add3A_250 : vector<16xi32>
    %gather3A_252 = tpu.vector_load_idx %arg10[%add3A_251, %broadcast_in_dim3A_18] : memref<128x16xf32, #tpu.memory_space<vmem>>[vector<16xi32>, vector<16xi32>], vector<16xf32>,
    %swap3A_253 = arith.constant 560 : index
    %swap3A_254 = tpu.vector_load %arg12[%swap3A_253] {strides = array<i32>} : memref<2048xf32, #tpu.memory_space<vmem>>, vector<16xf32>,
    tpu.vector_store %arg12[%swap3A_253], %gather3A_252 {strides = array<i32>} : memref<2048xf32, #tpu.memory_space<vmem>>, vector<16xf32>,
    %add3A_255 = arith.constant 64 : i32
    %add3A_256 = vector.broadcast %add3A_255 : i32 to vector<16xi32>
    %add3A_257 = arith.addi %iota3A, %add3A_256 : vector<16xi32>
    %gather3A_258 = tpu.vector_load_idx %arg10[%add3A_257, %broadcast_in_dim3A_18] : memref<128x16xf32, #tpu.memory_space<vmem>>[vector<16xi32>, vector<16xi32>], vector<16xf32>,
    %swap3A_259 = arith.constant 576 : index
    %swap3A_260 = tpu.vector_load %arg12[%swap3A_259] {strides = array<i32>} : memref<2048xf32, #tpu.memory_space<vmem>>, vector<16xf32>,
    tpu.vector_store %arg12[%swap3A_259], %gather3A_258 {strides = array<i32>} : memref<2048xf32, #tpu.memory_space<vmem>>, vector<16xf32>,
    %add3A_261 = arith.constant 80 : i32
    %add3A_262 = vector.broadcast %add3A_261 : i32 to vector<16xi32>
    %add3A_263 = arith.addi %iota3A, %add3A_262 : vector<16xi32>
    %gather3A_264 = tpu.vector_load_idx %arg10[%add3A_263, %broadcast_in_dim3A_18] : memref<128x16xf32, #tpu.memory_space<vmem>>[vector<16xi32>, vector<16xi32>], vector<16xf32>,
    %swap3A_265 = arith.constant 592 : index
    %swap3A_266 = tpu.vector_load %arg12[%swap3A_265] {strides = array<i32>} : memref<2048xf32, #tpu.memory_space<vmem>>, vector<16xf32>,
    tpu.vector_store %arg12[%swap3A_265], %gather3A_264 {strides = array<i32>} : memref<2048xf32, #tpu.memory_space<vmem>>, vector<16xf32>,
    %add3A_267 = arith.constant 96 : i32
    %add3A_268 = vector.broadcast %add3A_267 : i32 to vector<16xi32>
    %add3A_269 = arith.addi %iota3A, %add3A_268 : vector<16xi32>
    %gather3A_270 = tpu.vector_load_idx %arg10[%add3A_269, %broadcast_in_dim3A_18] : memref<128x16xf32, #tpu.memory_space<vmem>>[vector<16xi32>, vector<16xi32>], vector<16xf32>,
    %swap3A_271 = arith.constant 608 : index
    %swap3A_272 = tpu.vector_load %arg12[%swap3A_271] {strides = array<i32>} : memref<2048xf32, #tpu.memory_space<vmem>>, vector<16xf32>,
    tpu.vector_store %arg12[%swap3A_271], %gather3A_270 {strides = array<i32>} : memref<2048xf32, #tpu.memory_space<vmem>>, vector<16xf32>,
    %add3A_273 = arith.constant 112 : i32
    %add3A_274 = vector.broadcast %add3A_273 : i32 to vector<16xi32>
    %add3A_275 = arith.addi %iota3A, %add3A_274 : vector<16xi32>
    %gather3A_276 = tpu.vector_load_idx %arg10[%add3A_275, %broadcast_in_dim3A_18] : memref<128x16xf32, #tpu.memory_space<vmem>>[vector<16xi32>, vector<16xi32>], vector<16xf32>,
    %swap3A_277 = arith.constant 624 : index
    %swap3A_278 = tpu.vector_load %arg12[%swap3A_277] {strides = array<i32>} : memref<2048xf32, #tpu.memory_space<vmem>>, vector<16xf32>,
    tpu.vector_store %arg12[%swap3A_277], %gather3A_276 {strides = array<i32>} : memref<2048xf32, #tpu.memory_space<vmem>>, vector<16xf32>,
    %add3A_279 = arith.constant 0 : i32
    %add3A_280 = vector.broadcast %add3A_279 : i32 to vector<16xi32>
    %add3A_281 = arith.addi %iota3A, %add3A_280 : vector<16xi32>
    %gather3A_282 = tpu.vector_load_idx %arg10[%add3A_281, %broadcast_in_dim3A_20] : memref<128x16xf32, #tpu.memory_space<vmem>>[vector<16xi32>, vector<16xi32>], vector<16xf32>,
    %swap3A_283 = arith.constant 640 : index
    %swap3A_284 = tpu.vector_load %arg12[%swap3A_283] {strides = array<i32>} : memref<2048xf32, #tpu.memory_space<vmem>>, vector<16xf32>,
    tpu.vector_store %arg12[%swap3A_283], %gather3A_282 {strides = array<i32>} : memref<2048xf32, #tpu.memory_space<vmem>>, vector<16xf32>,
    %add3A_285 = arith.constant 16 : i32
    %add3A_286 = vector.broadcast %add3A_285 : i32 to vector<16xi32>
    %add3A_287 = arith.addi %iota3A, %add3A_286 : vector<16xi32>
    %gather3A_288 = tpu.vector_load_idx %arg10[%add3A_287, %broadcast_in_dim3A_20] : memref<128x16xf32, #tpu.memory_space<vmem>>[vector<16xi32>, vector<16xi32>], vector<16xf32>,
    %swap3A_289 = arith.constant 656 : index
    %swap3A_290 = tpu.vector_load %arg12[%swap3A_289] {strides = array<i32>} : memref<2048xf32, #tpu.memory_space<vmem>>, vector<16xf32>,
    tpu.vector_store %arg12[%swap3A_289], %gather3A_288 {strides = array<i32>} : memref<2048xf32, #tpu.memory_space<vmem>>, vector<16xf32>,
    %add3A_291 = arith.constant 32 : i32
    %add3A_292 = vector.broadcast %add3A_291 : i32 to vector<16xi32>
    %add3A_293 = arith.addi %iota3A, %add3A_292 : vector<16xi32>
    %gather3A_294 = tpu.vector_load_idx %arg10[%add3A_293, %broadcast_in_dim3A_20] : memref<128x16xf32, #tpu.memory_space<vmem>>[vector<16xi32>, vector<16xi32>], vector<16xf32>,
    %swap3A_295 = arith.constant 672 : index
    %swap3A_296 = tpu.vector_load %arg12[%swap3A_295] {strides = array<i32>} : memref<2048xf32, #tpu.memory_space<vmem>>, vector<16xf32>,
    tpu.vector_store %arg12[%swap3A_295], %gather3A_294 {strides = array<i32>} : memref<2048xf32, #tpu.memory_space<vmem>>, vector<16xf32>,
    %add3A_297 = arith.constant 48 : i32
    %add3A_298 = vector.broadcast %add3A_297 : i32 to vector<16xi32>
    %add3A_299 = arith.addi %iota3A, %add3A_298 : vector<16xi32>
    %gather3A_300 = tpu.vector_load_idx %arg10[%add3A_299, %broadcast_in_dim3A_20] : memref<128x16xf32, #tpu.memory_space<vmem>>[vector<16xi32>, vector<16xi32>], vector<16xf32>,
    %swap3A_301 = arith.constant 688 : index
    %swap3A_302 = tpu.vector_load %arg12[%swap3A_301] {strides = array<i32>} : memref<2048xf32, #tpu.memory_space<vmem>>, vector<16xf32>,
    tpu.vector_store %arg12[%swap3A_301], %gather3A_300 {strides = array<i32>} : memref<2048xf32, #tpu.memory_space<vmem>>, vector<16xf32>,
    %add3A_303 = arith.constant 64 : i32
    %add3A_304 = vector.broadcast %add3A_303 : i32 to vector<16xi32>
    %add3A_305 = arith.addi %iota3A, %add3A_304 : vector<16xi32>
    %gather3A_306 = tpu.vector_load_idx %arg10[%add3A_305, %broadcast_in_dim3A_20] : memref<128x16xf32, #tpu.memory_space<vmem>>[vector<16xi32>, vector<16xi32>], vector<16xf32>,
    %swap3A_307 = arith.constant 704 : index
    %swap3A_308 = tpu.vector_load %arg12[%swap3A_307] {strides = array<i32>} : memref<2048xf32, #tpu.memory_space<vmem>>, vector<16xf32>,
    tpu.vector_store %arg12[%swap3A_307], %gather3A_306 {strides = array<i32>} : memref<2048xf32, #tpu.memory_space<vmem>>, vector<16xf32>,
    %add3A_309 = arith.constant 80 : i32
    %add3A_310 = vector.broadcast %add3A_309 : i32 to vector<16xi32>
    %add3A_311 = arith.addi %iota3A, %add3A_310 : vector<16xi32>
    %gather3A_312 = tpu.vector_load_idx %arg10[%add3A_311, %broadcast_in_dim3A_20] : memref<128x16xf32, #tpu.memory_space<vmem>>[vector<16xi32>, vector<16xi32>], vector<16xf32>,
    %swap3A_313 = arith.constant 720 : index
    %swap3A_314 = tpu.vector_load %arg12[%swap3A_313] {strides = array<i32>} : memref<2048xf32, #tpu.memory_space<vmem>>, vector<16xf32>,
    tpu.vector_store %arg12[%swap3A_313], %gather3A_312 {strides = array<i32>} : memref<2048xf32, #tpu.memory_space<vmem>>, vector<16xf32>,
    %add3A_315 = arith.constant 96 : i32
    %add3A_316 = vector.broadcast %add3A_315 : i32 to vector<16xi32>
    %add3A_317 = arith.addi %iota3A, %add3A_316 : vector<16xi32>
    %gather3A_318 = tpu.vector_load_idx %arg10[%add3A_317, %broadcast_in_dim3A_20] : memref<128x16xf32, #tpu.memory_space<vmem>>[vector<16xi32>, vector<16xi32>], vector<16xf32>,
    %swap3A_319 = arith.constant 736 : index
    %swap3A_320 = tpu.vector_load %arg12[%swap3A_319] {strides = array<i32>} : memref<2048xf32, #tpu.memory_space<vmem>>, vector<16xf32>,
    tpu.vector_store %arg12[%swap3A_319], %gather3A_318 {strides = array<i32>} : memref<2048xf32, #tpu.memory_space<vmem>>, vector<16xf32>,
    %add3A_321 = arith.constant 112 : i32
    %add3A_322 = vector.broadcast %add3A_321 : i32 to vector<16xi32>
    %add3A_323 = arith.addi %iota3A, %add3A_322 : vector<16xi32>
    %gather3A_324 = tpu.vector_load_idx %arg10[%add3A_323, %broadcast_in_dim3A_20] : memref<128x16xf32, #tpu.memory_space<vmem>>[vector<16xi32>, vector<16xi32>], vector<16xf32>,
    %swap3A_325 = arith.constant 752 : index
    %swap3A_326 = tpu.vector_load %arg12[%swap3A_325] {strides = array<i32>} : memref<2048xf32, #tpu.memory_space<vmem>>, vector<16xf32>,
    tpu.vector_store %arg12[%swap3A_325], %gather3A_324 {strides = array<i32>} : memref<2048xf32, #tpu.memory_space<vmem>>, vector<16xf32>,
    %add3A_327 = arith.constant 0 : i32
    %add3A_328 = vector.broadcast %add3A_327 : i32 to vector<16xi32>
    %add3A_329 = arith.addi %iota3A, %add3A_328 : vector<16xi32>
    %gather3A_330 = tpu.vector_load_idx %arg10[%add3A_329, %broadcast_in_dim3A_22] : memref<128x16xf32, #tpu.memory_space<vmem>>[vector<16xi32>, vector<16xi32>], vector<16xf32>,
    %swap3A_331 = arith.constant 768 : index
    %swap3A_332 = tpu.vector_load %arg12[%swap3A_331] {strides = array<i32>} : memref<2048xf32, #tpu.memory_space<vmem>>, vector<16xf32>,
    tpu.vector_store %arg12[%swap3A_331], %gather3A_330 {strides = array<i32>} : memref<2048xf32, #tpu.memory_space<vmem>>, vector<16xf32>,
    %add3A_333 = arith.constant 16 : i32
    %add3A_334 = vector.broadcast %add3A_333 : i32 to vector<16xi32>
    %add3A_335 = arith.addi %iota3A, %add3A_334 : vector<16xi32>
    %gather3A_336 = tpu.vector_load_idx %arg10[%add3A_335, %broadcast_in_dim3A_22] : memref<128x16xf32, #tpu.memory_space<vmem>>[vector<16xi32>, vector<16xi32>], vector<16xf32>,
    %swap3A_337 = arith.constant 784 : index
    %swap3A_338 = tpu.vector_load %arg12[%swap3A_337] {strides = array<i32>} : memref<2048xf32, #tpu.memory_space<vmem>>, vector<16xf32>,
    tpu.vector_store %arg12[%swap3A_337], %gather3A_336 {strides = array<i32>} : memref<2048xf32, #tpu.memory_space<vmem>>, vector<16xf32>,
    %add3A_339 = arith.constant 32 : i32
    %add3A_340 = vector.broadcast %add3A_339 : i32 to vector<16xi32>
    %add3A_341 = arith.addi %iota3A, %add3A_340 : vector<16xi32>
    %gather3A_342 = tpu.vector_load_idx %arg10[%add3A_341, %broadcast_in_dim3A_22] : memref<128x16xf32, #tpu.memory_space<vmem>>[vector<16xi32>, vector<16xi32>], vector<16xf32>,
    %swap3A_343 = arith.constant 800 : index
    %swap3A_344 = tpu.vector_load %arg12[%swap3A_343] {strides = array<i32>} : memref<2048xf32, #tpu.memory_space<vmem>>, vector<16xf32>,
    tpu.vector_store %arg12[%swap3A_343], %gather3A_342 {strides = array<i32>} : memref<2048xf32, #tpu.memory_space<vmem>>, vector<16xf32>,
    %add3A_345 = arith.constant 48 : i32
    %add3A_346 = vector.broadcast %add3A_345 : i32 to vector<16xi32>
    %add3A_347 = arith.addi %iota3A, %add3A_346 : vector<16xi32>
    %gather3A_348 = tpu.vector_load_idx %arg10[%add3A_347, %broadcast_in_dim3A_22] : memref<128x16xf32, #tpu.memory_space<vmem>>[vector<16xi32>, vector<16xi32>], vector<16xf32>,
    %swap3A_349 = arith.constant 816 : index
    %swap3A_350 = tpu.vector_load %arg12[%swap3A_349] {strides = array<i32>} : memref<2048xf32, #tpu.memory_space<vmem>>, vector<16xf32>,
    tpu.vector_store %arg12[%swap3A_349], %gather3A_348 {strides = array<i32>} : memref<2048xf32, #tpu.memory_space<vmem>>, vector<16xf32>,
    %add3A_351 = arith.constant 64 : i32
    %add3A_352 = vector.broadcast %add3A_351 : i32 to vector<16xi32>
    %add3A_353 = arith.addi %iota3A, %add3A_352 : vector<16xi32>
    %gather3A_354 = tpu.vector_load_idx %arg10[%add3A_353, %broadcast_in_dim3A_22] : memref<128x16xf32, #tpu.memory_space<vmem>>[vector<16xi32>, vector<16xi32>], vector<16xf32>,
    %swap3A_355 = arith.constant 832 : index
    %swap3A_356 = tpu.vector_load %arg12[%swap3A_355] {strides = array<i32>} : memref<2048xf32, #tpu.memory_space<vmem>>, vector<16xf32>,
    tpu.vector_store %arg12[%swap3A_355], %gather3A_354 {strides = array<i32>} : memref<2048xf32, #tpu.memory_space<vmem>>, vector<16xf32>,
    %add3A_357 = arith.constant 80 : i32
    %add3A_358 = vector.broadcast %add3A_357 : i32 to vector<16xi32>
    %add3A_359 = arith.addi %iota3A, %add3A_358 : vector<16xi32>
    %gather3A_360 = tpu.vector_load_idx %arg10[%add3A_359, %broadcast_in_dim3A_22] : memref<128x16xf32, #tpu.memory_space<vmem>>[vector<16xi32>, vector<16xi32>], vector<16xf32>,
    %swap3A_361 = arith.constant 848 : index
    %swap3A_362 = tpu.vector_load %arg12[%swap3A_361] {strides = array<i32>} : memref<2048xf32, #tpu.memory_space<vmem>>, vector<16xf32>,
    tpu.vector_store %arg12[%swap3A_361], %gather3A_360 {strides = array<i32>} : memref<2048xf32, #tpu.memory_space<vmem>>, vector<16xf32>,
    %add3A_363 = arith.constant 96 : i32
    %add3A_364 = vector.broadcast %add3A_363 : i32 to vector<16xi32>
    %add3A_365 = arith.addi %iota3A, %add3A_364 : vector<16xi32>
    %gather3A_366 = tpu.vector_load_idx %arg10[%add3A_365, %broadcast_in_dim3A_22] : memref<128x16xf32, #tpu.memory_space<vmem>>[vector<16xi32>, vector<16xi32>], vector<16xf32>,
    %swap3A_367 = arith.constant 864 : index
    %swap3A_368 = tpu.vector_load %arg12[%swap3A_367] {strides = array<i32>} : memref<2048xf32, #tpu.memory_space<vmem>>, vector<16xf32>,
    tpu.vector_store %arg12[%swap3A_367], %gather3A_366 {strides = array<i32>} : memref<2048xf32, #tpu.memory_space<vmem>>, vector<16xf32>,
    %add3A_369 = arith.constant 112 : i32
    %add3A_370 = vector.broadcast %add3A_369 : i32 to vector<16xi32>
    %add3A_371 = arith.addi %iota3A, %add3A_370 : vector<16xi32>
    %gather3A_372 = tpu.vector_load_idx %arg10[%add3A_371, %broadcast_in_dim3A_22] : memref<128x16xf32, #tpu.memory_space<vmem>>[vector<16xi32>, vector<16xi32>], vector<16xf32>,
    %swap3A_373 = arith.constant 880 : index
    %swap3A_374 = tpu.vector_load %arg12[%swap3A_373] {strides = array<i32>} : memref<2048xf32, #tpu.memory_space<vmem>>, vector<16xf32>,
    tpu.vector_store %arg12[%swap3A_373], %gather3A_372 {strides = array<i32>} : memref<2048xf32, #tpu.memory_space<vmem>>, vector<16xf32>,
    %add3A_375 = arith.constant 0 : i32
    %add3A_376 = vector.broadcast %add3A_375 : i32 to vector<16xi32>
    %add3A_377 = arith.addi %iota3A, %add3A_376 : vector<16xi32>
    %gather3A_378 = tpu.vector_load_idx %arg10[%add3A_377, %broadcast_in_dim3A_24] : memref<128x16xf32, #tpu.memory_space<vmem>>[vector<16xi32>, vector<16xi32>], vector<16xf32>,
    %swap3A_379 = arith.constant 896 : index
    %swap3A_380 = tpu.vector_load %arg12[%swap3A_379] {strides = array<i32>} : memref<2048xf32, #tpu.memory_space<vmem>>, vector<16xf32>,
    tpu.vector_store %arg12[%swap3A_379], %gather3A_378 {strides = array<i32>} : memref<2048xf32, #tpu.memory_space<vmem>>, vector<16xf32>,
    %add3A_381 = arith.constant 16 : i32
    %add3A_382 = vector.broadcast %add3A_381 : i32 to vector<16xi32>
    %add3A_383 = arith.addi %iota3A, %add3A_382 : vector<16xi32>
    %gather3A_384 = tpu.vector_load_idx %arg10[%add3A_383, %broadcast_in_dim3A_24] : memref<128x16xf32, #tpu.memory_space<vmem>>[vector<16xi32>, vector<16xi32>], vector<16xf32>,
    %swap3A_385 = arith.constant 912 : index
    %swap3A_386 = tpu.vector_load %arg12[%swap3A_385] {strides = array<i32>} : memref<2048xf32, #tpu.memory_space<vmem>>, vector<16xf32>,
    tpu.vector_store %arg12[%swap3A_385], %gather3A_384 {strides = array<i32>} : memref<2048xf32, #tpu.memory_space<vmem>>, vector<16xf32>,
    %add3A_387 = arith.constant 32 : i32
    %add3A_388 = vector.broadcast %add3A_387 : i32 to vector<16xi32>
    %add3A_389 = arith.addi %iota3A, %add3A_388 : vector<16xi32>
    %gather3A_390 = tpu.vector_load_idx %arg10[%add3A_389, %broadcast_in_dim3A_24] : memref<128x16xf32, #tpu.memory_space<vmem>>[vector<16xi32>, vector<16xi32>], vector<16xf32>,
    %swap3A_391 = arith.constant 928 : index
    %swap3A_392 = tpu.vector_load %arg12[%swap3A_391] {strides = array<i32>} : memref<2048xf32, #tpu.memory_space<vmem>>, vector<16xf32>,
    tpu.vector_store %arg12[%swap3A_391], %gather3A_390 {strides = array<i32>} : memref<2048xf32, #tpu.memory_space<vmem>>, vector<16xf32>,
    %add3A_393 = arith.constant 48 : i32
    %add3A_394 = vector.broadcast %add3A_393 : i32 to vector<16xi32>
    %add3A_395 = arith.addi %iota3A, %add3A_394 : vector<16xi32>
    %gather3A_396 = tpu.vector_load_idx %arg10[%add3A_395, %broadcast_in_dim3A_24] : memref<128x16xf32, #tpu.memory_space<vmem>>[vector<16xi32>, vector<16xi32>], vector<16xf32>,
    %swap3A_397 = arith.constant 944 : index
    %swap3A_398 = tpu.vector_load %arg12[%swap3A_397] {strides = array<i32>} : memref<2048xf32, #tpu.memory_space<vmem>>, vector<16xf32>,
    tpu.vector_store %arg12[%swap3A_397], %gather3A_396 {strides = array<i32>} : memref<2048xf32, #tpu.memory_space<vmem>>, vector<16xf32>,
    %add3A_399 = arith.constant 64 : i32
    %add3A_400 = vector.broadcast %add3A_399 : i32 to vector<16xi32>
    %add3A_401 = arith.addi %iota3A, %add3A_400 : vector<16xi32>
    %gather3A_402 = tpu.vector_load_idx %arg10[%add3A_401, %broadcast_in_dim3A_24] : memref<128x16xf32, #tpu.memory_space<vmem>>[vector<16xi32>, vector<16xi32>], vector<16xf32>,
    %swap3A_403 = arith.constant 960 : index
    %swap3A_404 = tpu.vector_load %arg12[%swap3A_403] {strides = array<i32>} : memref<2048xf32, #tpu.memory_space<vmem>>, vector<16xf32>,
    tpu.vector_store %arg12[%swap3A_403], %gather3A_402 {strides = array<i32>} : memref<2048xf32, #tpu.memory_space<vmem>>, vector<16xf32>,
    %add3A_405 = arith.constant 80 : i32
    %add3A_406 = vector.broadcast %add3A_405 : i32 to vector<16xi32>
    %add3A_407 = arith.addi %iota3A, %add3A_406 : vector<16xi32>
    %gather3A_408 = tpu.vector_load_idx %arg10[%add3A_407, %broadcast_in_dim3A_24] : memref<128x16xf32, #tpu.memory_space<vmem>>[vector<16xi32>, vector<16xi32>], vector<16xf32>,
    %swap3A_409 = arith.constant 976 : index
    %swap3A_410 = tpu.vector_load %arg12[%swap3A_409] {strides = array<i32>} : memref<2048xf32, #tpu.memory_space<vmem>>, vector<16xf32>,
    tpu.vector_store %arg12[%swap3A_409], %gather3A_408 {strides = array<i32>} : memref<2048xf32, #tpu.memory_space<vmem>>, vector<16xf32>,
    %add3A_411 = arith.constant 96 : i32
    %add3A_412 = vector.broadcast %add3A_411 : i32 to vector<16xi32>
    %add3A_413 = arith.addi %iota3A, %add3A_412 : vector<16xi32>
    %gather3A_414 = tpu.vector_load_idx %arg10[%add3A_413, %broadcast_in_dim3A_24] : memref<128x16xf32, #tpu.memory_space<vmem>>[vector<16xi32>, vector<16xi32>], vector<16xf32>,
    %swap3A_415 = arith.constant 992 : index
    %swap3A_416 = tpu.vector_load %arg12[%swap3A_415] {strides = array<i32>} : memref<2048xf32, #tpu.memory_space<vmem>>, vector<16xf32>,
    tpu.vector_store %arg12[%swap3A_415], %gather3A_414 {strides = array<i32>} : memref<2048xf32, #tpu.memory_space<vmem>>, vector<16xf32>,
    %add3A_417 = arith.constant 112 : i32
    %add3A_418 = vector.broadcast %add3A_417 : i32 to vector<16xi32>
    %add3A_419 = arith.addi %iota3A, %add3A_418 : vector<16xi32>
    %gather3A_420 = tpu.vector_load_idx %arg10[%add3A_419, %broadcast_in_dim3A_24] : memref<128x16xf32, #tpu.memory_space<vmem>>[vector<16xi32>, vector<16xi32>], vector<16xf32>,
    %swap3A_421 = arith.constant 1008 : index
    %swap3A_422 = tpu.vector_load %arg12[%swap3A_421] {strides = array<i32>} : memref<2048xf32, #tpu.memory_space<vmem>>, vector<16xf32>,
    tpu.vector_store %arg12[%swap3A_421], %gather3A_420 {strides = array<i32>} : memref<2048xf32, #tpu.memory_space<vmem>>, vector<16xf32>,
    %add3A_423 = arith.constant 0 : i32
    %add3A_424 = vector.broadcast %add3A_423 : i32 to vector<16xi32>
    %add3A_425 = arith.addi %iota3A, %add3A_424 : vector<16xi32>
    %gather3A_426 = tpu.vector_load_idx %arg10[%add3A_425, %broadcast_in_dim3A_26] : memref<128x16xf32, #tpu.memory_space<vmem>>[vector<16xi32>, vector<16xi32>], vector<16xf32>,
    %swap3A_427 = arith.constant 1024 : index
    %swap3A_428 = tpu.vector_load %arg12[%swap3A_427] {strides = array<i32>} : memref<2048xf32, #tpu.memory_space<vmem>>, vector<16xf32>,
    tpu.vector_store %arg12[%swap3A_427], %gather3A_426 {strides = array<i32>} : memref<2048xf32, #tpu.memory_space<vmem>>, vector<16xf32>,
    %add3A_429 = arith.constant 16 : i32
    %add3A_430 = vector.broadcast %add3A_429 : i32 to vector<16xi32>
    %add3A_431 = arith.addi %iota3A, %add3A_430 : vector<16xi32>
    %gather3A_432 = tpu.vector_load_idx %arg10[%add3A_431, %broadcast_in_dim3A_26] : memref<128x16xf32, #tpu.memory_space<vmem>>[vector<16xi32>, vector<16xi32>], vector<16xf32>,
    %swap3A_433 = arith.constant 1040 : index
    %swap3A_434 = tpu.vector_load %arg12[%swap3A_433] {strides = array<i32>} : memref<2048xf32, #tpu.memory_space<vmem>>, vector<16xf32>,
    tpu.vector_store %arg12[%swap3A_433], %gather3A_432 {strides = array<i32>} : memref<2048xf32, #tpu.memory_space<vmem>>, vector<16xf32>,
    %add3A_435 = arith.constant 32 : i32
    %add3A_436 = vector.broadcast %add3A_435 : i32 to vector<16xi32>
    %add3A_437 = arith.addi %iota3A, %add3A_436 : vector<16xi32>
    %gather3A_438 = tpu.vector_load_idx %arg10[%add3A_437, %broadcast_in_dim3A_26] : memref<128x16xf32, #tpu.memory_space<vmem>>[vector<16xi32>, vector<16xi32>], vector<16xf32>,
    %swap3A_439 = arith.constant 1056 : index
    %swap3A_440 = tpu.vector_load %arg12[%swap3A_439] {strides = array<i32>} : memref<2048xf32, #tpu.memory_space<vmem>>, vector<16xf32>,
    tpu.vector_store %arg12[%swap3A_439], %gather3A_438 {strides = array<i32>} : memref<2048xf32, #tpu.memory_space<vmem>>, vector<16xf32>,
    %add3A_441 = arith.constant 48 : i32
    %add3A_442 = vector.broadcast %add3A_441 : i32 to vector<16xi32>
    %add3A_443 = arith.addi %iota3A, %add3A_442 : vector<16xi32>
    %gather3A_444 = tpu.vector_load_idx %arg10[%add3A_443, %broadcast_in_dim3A_26] : memref<128x16xf32, #tpu.memory_space<vmem>>[vector<16xi32>, vector<16xi32>], vector<16xf32>,
    %swap3A_445 = arith.constant 1072 : index
    %swap3A_446 = tpu.vector_load %arg12[%swap3A_445] {strides = array<i32>} : memref<2048xf32, #tpu.memory_space<vmem>>, vector<16xf32>,
    tpu.vector_store %arg12[%swap3A_445], %gather3A_444 {strides = array<i32>} : memref<2048xf32, #tpu.memory_space<vmem>>, vector<16xf32>,
    %add3A_447 = arith.constant 64 : i32
    %add3A_448 = vector.broadcast %add3A_447 : i32 to vector<16xi32>
    %add3A_449 = arith.addi %iota3A, %add3A_448 : vector<16xi32>
    %gather3A_450 = tpu.vector_load_idx %arg10[%add3A_449, %broadcast_in_dim3A_26] : memref<128x16xf32, #tpu.memory_space<vmem>>[vector<16xi32>, vector<16xi32>], vector<16xf32>,
    %swap3A_451 = arith.constant 1088 : index
    %swap3A_452 = tpu.vector_load %arg12[%swap3A_451] {strides = array<i32>} : memref<2048xf32, #tpu.memory_space<vmem>>, vector<16xf32>,
    tpu.vector_store %arg12[%swap3A_451], %gather3A_450 {strides = array<i32>} : memref<2048xf32, #tpu.memory_space<vmem>>, vector<16xf32>,
    %add3A_453 = arith.constant 80 : i32
    %add3A_454 = vector.broadcast %add3A_453 : i32 to vector<16xi32>
    %add3A_455 = arith.addi %iota3A, %add3A_454 : vector<16xi32>
    %gather3A_456 = tpu.vector_load_idx %arg10[%add3A_455, %broadcast_in_dim3A_26] : memref<128x16xf32, #tpu.memory_space<vmem>>[vector<16xi32>, vector<16xi32>], vector<16xf32>,
    %swap3A_457 = arith.constant 1104 : index
    %swap3A_458 = tpu.vector_load %arg12[%swap3A_457] {strides = array<i32>} : memref<2048xf32, #tpu.memory_space<vmem>>, vector<16xf32>,
    tpu.vector_store %arg12[%swap3A_457], %gather3A_456 {strides = array<i32>} : memref<2048xf32, #tpu.memory_space<vmem>>, vector<16xf32>,
    %add3A_459 = arith.constant 96 : i32
    %add3A_460 = vector.broadcast %add3A_459 : i32 to vector<16xi32>
    %add3A_461 = arith.addi %iota3A, %add3A_460 : vector<16xi32>
    %gather3A_462 = tpu.vector_load_idx %arg10[%add3A_461, %broadcast_in_dim3A_26] : memref<128x16xf32, #tpu.memory_space<vmem>>[vector<16xi32>, vector<16xi32>], vector<16xf32>,
    %swap3A_463 = arith.constant 1120 : index
    %swap3A_464 = tpu.vector_load %arg12[%swap3A_463] {strides = array<i32>} : memref<2048xf32, #tpu.memory_space<vmem>>, vector<16xf32>,
    tpu.vector_store %arg12[%swap3A_463], %gather3A_462 {strides = array<i32>} : memref<2048xf32, #tpu.memory_space<vmem>>, vector<16xf32>,
    %add3A_465 = arith.constant 112 : i32
    %add3A_466 = vector.broadcast %add3A_465 : i32 to vector<16xi32>
    %add3A_467 = arith.addi %iota3A, %add3A_466 : vector<16xi32>
    %gather3A_468 = tpu.vector_load_idx %arg10[%add3A_467, %broadcast_in_dim3A_26] : memref<128x16xf32, #tpu.memory_space<vmem>>[vector<16xi32>, vector<16xi32>], vector<16xf32>,
    %swap3A_469 = arith.constant 1136 : index
    %swap3A_470 = tpu.vector_load %arg12[%swap3A_469] {strides = array<i32>} : memref<2048xf32, #tpu.memory_space<vmem>>, vector<16xf32>,
    tpu.vector_store %arg12[%swap3A_469], %gather3A_468 {strides = array<i32>} : memref<2048xf32, #tpu.memory_space<vmem>>, vector<16xf32>,
    %add3A_471 = arith.constant 0 : i32
    %add3A_472 = vector.broadcast %add3A_471 : i32 to vector<16xi32>
    %add3A_473 = arith.addi %iota3A, %add3A_472 : vector<16xi32>
    %gather3A_474 = tpu.vector_load_idx %arg10[%add3A_473, %broadcast_in_dim3A_28] : memref<128x16xf32, #tpu.memory_space<vmem>>[vector<16xi32>, vector<16xi32>], vector<16xf32>,
    %swap3A_475 = arith.constant 1152 : index
    %swap3A_476 = tpu.vector_load %arg12[%swap3A_475] {strides = array<i32>} : memref<2048xf32, #tpu.memory_space<vmem>>, vector<16xf32>,
    tpu.vector_store %arg12[%swap3A_475], %gather3A_474 {strides = array<i32>} : memref<2048xf32, #tpu.memory_space<vmem>>, vector<16xf32>,
    %add3A_477 = arith.constant 16 : i32
    %add3A_478 = vector.broadcast %add3A_477 : i32 to vector<16xi32>
    %add3A_479 = arith.addi %iota3A, %add3A_478 : vector<16xi32>
    %gather3A_480 = tpu.vector_load_idx %arg10[%add3A_479, %broadcast_in_dim3A_28] : memref<128x16xf32, #tpu.memory_space<vmem>>[vector<16xi32>, vector<16xi32>], vector<16xf32>,
    %swap3A_481 = arith.constant 1168 : index
    %swap3A_482 = tpu.vector_load %arg12[%swap3A_481] {strides = array<i32>} : memref<2048xf32, #tpu.memory_space<vmem>>, vector<16xf32>,
    tpu.vector_store %arg12[%swap3A_481], %gather3A_480 {strides = array<i32>} : memref<2048xf32, #tpu.memory_space<vmem>>, vector<16xf32>,
    %add3A_483 = arith.constant 32 : i32
    %add3A_484 = vector.broadcast %add3A_483 : i32 to vector<16xi32>
    %add3A_485 = arith.addi %iota3A, %add3A_484 : vector<16xi32>
    %gather3A_486 = tpu.vector_load_idx %arg10[%add3A_485, %broadcast_in_dim3A_28] : memref<128x16xf32, #tpu.memory_space<vmem>>[vector<16xi32>, vector<16xi32>], vector<16xf32>,
    %swap3A_487 = arith.constant 1184 : index
    %swap3A_488 = tpu.vector_load %arg12[%swap3A_487] {strides = array<i32>} : memref<2048xf32, #tpu.memory_space<vmem>>, vector<16xf32>,
    tpu.vector_store %arg12[%swap3A_487], %gather3A_486 {strides = array<i32>} : memref<2048xf32, #tpu.memory_space<vmem>>, vector<16xf32>,
    %add3A_489 = arith.constant 48 : i32
    %add3A_490 = vector.broadcast %add3A_489 : i32 to vector<16xi32>
    %add3A_491 = arith.addi %iota3A, %add3A_490 : vector<16xi32>
    %gather3A_492 = tpu.vector_load_idx %arg10[%add3A_491, %broadcast_in_dim3A_28] : memref<128x16xf32, #tpu.memory_space<vmem>>[vector<16xi32>, vector<16xi32>], vector<16xf32>,
    %swap3A_493 = arith.constant 1200 : index
    %swap3A_494 = tpu.vector_load %arg12[%swap3A_493] {strides = array<i32>} : memref<2048xf32, #tpu.memory_space<vmem>>, vector<16xf32>,
    tpu.vector_store %arg12[%swap3A_493], %gather3A_492 {strides = array<i32>} : memref<2048xf32, #tpu.memory_space<vmem>>, vector<16xf32>,
    %add3A_495 = arith.constant 64 : i32
    %add3A_496 = vector.broadcast %add3A_495 : i32 to vector<16xi32>
    %add3A_497 = arith.addi %iota3A, %add3A_496 : vector<16xi32>
    %gather3A_498 = tpu.vector_load_idx %arg10[%add3A_497, %broadcast_in_dim3A_28] : memref<128x16xf32, #tpu.memory_space<vmem>>[vector<16xi32>, vector<16xi32>], vector<16xf32>,
    %swap3A_499 = arith.constant 1216 : index
    %swap3A_500 = tpu.vector_load %arg12[%swap3A_499] {strides = array<i32>} : memref<2048xf32, #tpu.memory_space<vmem>>, vector<16xf32>,
    tpu.vector_store %arg12[%swap3A_499], %gather3A_498 {strides = array<i32>} : memref<2048xf32, #tpu.memory_space<vmem>>, vector<16xf32>,
    %add3A_501 = arith.constant 80 : i32
    %add3A_502 = vector.broadcast %add3A_501 : i32 to vector<16xi32>
    %add3A_503 = arith.addi %iota3A, %add3A_502 : vector<16xi32>
    %gather3A_504 = tpu.vector_load_idx %arg10[%add3A_503, %broadcast_in_dim3A_28] : memref<128x16xf32, #tpu.memory_space<vmem>>[vector<16xi32>, vector<16xi32>], vector<16xf32>,
    %swap3A_505 = arith.constant 1232 : index
    %swap3A_506 = tpu.vector_load %arg12[%swap3A_505] {strides = array<i32>} : memref<2048xf32, #tpu.memory_space<vmem>>, vector<16xf32>,
    tpu.vector_store %arg12[%swap3A_505], %gather3A_504 {strides = array<i32>} : memref<2048xf32, #tpu.memory_space<vmem>>, vector<16xf32>,
    %add3A_507 = arith.constant 96 : i32
    %add3A_508 = vector.broadcast %add3A_507 : i32 to vector<16xi32>
    %add3A_509 = arith.addi %iota3A, %add3A_508 : vector<16xi32>
    %gather3A_510 = tpu.vector_load_idx %arg10[%add3A_509, %broadcast_in_dim3A_28] : memref<128x16xf32, #tpu.memory_space<vmem>>[vector<16xi32>, vector<16xi32>], vector<16xf32>,
    %swap3A_511 = arith.constant 1248 : index
    %swap3A_512 = tpu.vector_load %arg12[%swap3A_511] {strides = array<i32>} : memref<2048xf32, #tpu.memory_space<vmem>>, vector<16xf32>,
    tpu.vector_store %arg12[%swap3A_511], %gather3A_510 {strides = array<i32>} : memref<2048xf32, #tpu.memory_space<vmem>>, vector<16xf32>,
    %add3A_513 = arith.constant 112 : i32
    %add3A_514 = vector.broadcast %add3A_513 : i32 to vector<16xi32>
    %add3A_515 = arith.addi %iota3A, %add3A_514 : vector<16xi32>
    %gather3A_516 = tpu.vector_load_idx %arg10[%add3A_515, %broadcast_in_dim3A_28] : memref<128x16xf32, #tpu.memory_space<vmem>>[vector<16xi32>, vector<16xi32>], vector<16xf32>,
    %swap3A_517 = arith.constant 1264 : index
    %swap3A_518 = tpu.vector_load %arg12[%swap3A_517] {strides = array<i32>} : memref<2048xf32, #tpu.memory_space<vmem>>, vector<16xf32>,
    tpu.vector_store %arg12[%swap3A_517], %gather3A_516 {strides = array<i32>} : memref<2048xf32, #tpu.memory_space<vmem>>, vector<16xf32>,
    %add3A_519 = arith.constant 0 : i32
    %add3A_520 = vector.broadcast %add3A_519 : i32 to vector<16xi32>
    %add3A_521 = arith.addi %iota3A, %add3A_520 : vector<16xi32>
    %gather3A_522 = tpu.vector_load_idx %arg10[%add3A_521, %broadcast_in_dim3A_30] : memref<128x16xf32, #tpu.memory_space<vmem>>[vector<16xi32>, vector<16xi32>], vector<16xf32>,
    %swap3A_523 = arith.constant 1280 : index
    %swap3A_524 = tpu.vector_load %arg12[%swap3A_523] {strides = array<i32>} : memref<2048xf32, #tpu.memory_space<vmem>>, vector<16xf32>,
    tpu.vector_store %arg12[%swap3A_523], %gather3A_522 {strides = array<i32>} : memref<2048xf32, #tpu.memory_space<vmem>>, vector<16xf32>,
    %add3A_525 = arith.constant 16 : i32
    %add3A_526 = vector.broadcast %add3A_525 : i32 to vector<16xi32>
    %add3A_527 = arith.addi %iota3A, %add3A_526 : vector<16xi32>
    %gather3A_528 = tpu.vector_load_idx %arg10[%add3A_527, %broadcast_in_dim3A_30] : memref<128x16xf32, #tpu.memory_space<vmem>>[vector<16xi32>, vector<16xi32>], vector<16xf32>,
    %swap3A_529 = arith.constant 1296 : index
    %swap3A_530 = tpu.vector_load %arg12[%swap3A_529] {strides = array<i32>} : memref<2048xf32, #tpu.memory_space<vmem>>, vector<16xf32>,
    tpu.vector_store %arg12[%swap3A_529], %gather3A_528 {strides = array<i32>} : memref<2048xf32, #tpu.memory_space<vmem>>, vector<16xf32>,
    %add3A_531 = arith.constant 32 : i32
    %add3A_532 = vector.broadcast %add3A_531 : i32 to vector<16xi32>
    %add3A_533 = arith.addi %iota3A, %add3A_532 : vector<16xi32>
    %gather3A_534 = tpu.vector_load_idx %arg10[%add3A_533, %broadcast_in_dim3A_30] : memref<128x16xf32, #tpu.memory_space<vmem>>[vector<16xi32>, vector<16xi32>], vector<16xf32>,
    %swap3A_535 = arith.constant 1312 : index
    %swap3A_536 = tpu.vector_load %arg12[%swap3A_535] {strides = array<i32>} : memref<2048xf32, #tpu.memory_space<vmem>>, vector<16xf32>,
    tpu.vector_store %arg12[%swap3A_535], %gather3A_534 {strides = array<i32>} : memref<2048xf32, #tpu.memory_space<vmem>>, vector<16xf32>,
    %add3A_537 = arith.constant 48 : i32
    %add3A_538 = vector.broadcast %add3A_537 : i32 to vector<16xi32>
    %add3A_539 = arith.addi %iota3A, %add3A_538 : vector<16xi32>
    %gather3A_540 = tpu.vector_load_idx %arg10[%add3A_539, %broadcast_in_dim3A_30] : memref<128x16xf32, #tpu.memory_space<vmem>>[vector<16xi32>, vector<16xi32>], vector<16xf32>,
    %swap3A_541 = arith.constant 1328 : index
    %swap3A_542 = tpu.vector_load %arg12[%swap3A_541] {strides = array<i32>} : memref<2048xf32, #tpu.memory_space<vmem>>, vector<16xf32>,
    tpu.vector_store %arg12[%swap3A_541], %gather3A_540 {strides = array<i32>} : memref<2048xf32, #tpu.memory_space<vmem>>, vector<16xf32>,
    %add3A_543 = arith.constant 64 : i32
    %add3A_544 = vector.broadcast %add3A_543 : i32 to vector<16xi32>
    %add3A_545 = arith.addi %iota3A, %add3A_544 : vector<16xi32>
    %gather3A_546 = tpu.vector_load_idx %arg10[%add3A_545, %broadcast_in_dim3A_30] : memref<128x16xf32, #tpu.memory_space<vmem>>[vector<16xi32>, vector<16xi32>], vector<16xf32>,
    %swap3A_547 = arith.constant 1344 : index
    %swap3A_548 = tpu.vector_load %arg12[%swap3A_547] {strides = array<i32>} : memref<2048xf32, #tpu.memory_space<vmem>>, vector<16xf32>,
    tpu.vector_store %arg12[%swap3A_547], %gather3A_546 {strides = array<i32>} : memref<2048xf32, #tpu.memory_space<vmem>>, vector<16xf32>,
    %add3A_549 = arith.constant 80 : i32
    %add3A_550 = vector.broadcast %add3A_549 : i32 to vector<16xi32>
    %add3A_551 = arith.addi %iota3A, %add3A_550 : vector<16xi32>
    %gather3A_552 = tpu.vector_load_idx %arg10[%add3A_551, %broadcast_in_dim3A_30] : memref<128x16xf32, #tpu.memory_space<vmem>>[vector<16xi32>, vector<16xi32>], vector<16xf32>,
    %swap3A_553 = arith.constant 1360 : index
    %swap3A_554 = tpu.vector_load %arg12[%swap3A_553] {strides = array<i32>} : memref<2048xf32, #tpu.memory_space<vmem>>, vector<16xf32>,
    tpu.vector_store %arg12[%swap3A_553], %gather3A_552 {strides = array<i32>} : memref<2048xf32, #tpu.memory_space<vmem>>, vector<16xf32>,
    %add3A_555 = arith.constant 96 : i32
    %add3A_556 = vector.broadcast %add3A_555 : i32 to vector<16xi32>
    %add3A_557 = arith.addi %iota3A, %add3A_556 : vector<16xi32>
    %gather3A_558 = tpu.vector_load_idx %arg10[%add3A_557, %broadcast_in_dim3A_30] : memref<128x16xf32, #tpu.memory_space<vmem>>[vector<16xi32>, vector<16xi32>], vector<16xf32>,
    %swap3A_559 = arith.constant 1376 : index
    %swap3A_560 = tpu.vector_load %arg12[%swap3A_559] {strides = array<i32>} : memref<2048xf32, #tpu.memory_space<vmem>>, vector<16xf32>,
    tpu.vector_store %arg12[%swap3A_559], %gather3A_558 {strides = array<i32>} : memref<2048xf32, #tpu.memory_space<vmem>>, vector<16xf32>,
    %add3A_561 = arith.constant 112 : i32
    %add3A_562 = vector.broadcast %add3A_561 : i32 to vector<16xi32>
    %add3A_563 = arith.addi %iota3A, %add3A_562 : vector<16xi32>
    %gather3A_564 = tpu.vector_load_idx %arg10[%add3A_563, %broadcast_in_dim3A_30] : memref<128x16xf32, #tpu.memory_space<vmem>>[vector<16xi32>, vector<16xi32>], vector<16xf32>,
    %swap3A_565 = arith.constant 1392 : index
    %swap3A_566 = tpu.vector_load %arg12[%swap3A_565] {strides = array<i32>} : memref<2048xf32, #tpu.memory_space<vmem>>, vector<16xf32>,
    tpu.vector_store %arg12[%swap3A_565], %gather3A_564 {strides = array<i32>} : memref<2048xf32, #tpu.memory_space<vmem>>, vector<16xf32>,
    %add3A_567 = arith.constant 0 : i32
    %add3A_568 = vector.broadcast %add3A_567 : i32 to vector<16xi32>
    %add3A_569 = arith.addi %iota3A, %add3A_568 : vector<16xi32>
    %gather3A_570 = tpu.vector_load_idx %arg10[%add3A_569, %broadcast_in_dim3A_32] : memref<128x16xf32, #tpu.memory_space<vmem>>[vector<16xi32>, vector<16xi32>], vector<16xf32>,
    %swap3A_571 = arith.constant 1408 : index
    %swap3A_572 = tpu.vector_load %arg12[%swap3A_571] {strides = array<i32>} : memref<2048xf32, #tpu.memory_space<vmem>>, vector<16xf32>,
    tpu.vector_store %arg12[%swap3A_571], %gather3A_570 {strides = array<i32>} : memref<2048xf32, #tpu.memory_space<vmem>>, vector<16xf32>,
    %add3A_573 = arith.constant 16 : i32
    %add3A_574 = vector.broadcast %add3A_573 : i32 to vector<16xi32>
    %add3A_575 = arith.addi %iota3A, %add3A_574 : vector<16xi32>
    %gather3A_576 = tpu.vector_load_idx %arg10[%add3A_575, %broadcast_in_dim3A_32] : memref<128x16xf32, #tpu.memory_space<vmem>>[vector<16xi32>, vector<16xi32>], vector<16xf32>,
    %swap3A_577 = arith.constant 1424 : index
    %swap3A_578 = tpu.vector_load %arg12[%swap3A_577] {strides = array<i32>} : memref<2048xf32, #tpu.memory_space<vmem>>, vector<16xf32>,
    tpu.vector_store %arg12[%swap3A_577], %gather3A_576 {strides = array<i32>} : memref<2048xf32, #tpu.memory_space<vmem>>, vector<16xf32>,
    %add3A_579 = arith.constant 32 : i32
    %add3A_580 = vector.broadcast %add3A_579 : i32 to vector<16xi32>
    %add3A_581 = arith.addi %iota3A, %add3A_580 : vector<16xi32>
    %gather3A_582 = tpu.vector_load_idx %arg10[%add3A_581, %broadcast_in_dim3A_32] : memref<128x16xf32, #tpu.memory_space<vmem>>[vector<16xi32>, vector<16xi32>], vector<16xf32>,
    %swap3A_583 = arith.constant 1440 : index
    %swap3A_584 = tpu.vector_load %arg12[%swap3A_583] {strides = array<i32>} : memref<2048xf32, #tpu.memory_space<vmem>>, vector<16xf32>,
    tpu.vector_store %arg12[%swap3A_583], %gather3A_582 {strides = array<i32>} : memref<2048xf32, #tpu.memory_space<vmem>>, vector<16xf32>,
    %add3A_585 = arith.constant 48 : i32
    %add3A_586 = vector.broadcast %add3A_585 : i32 to vector<16xi32>
    %add3A_587 = arith.addi %iota3A, %add3A_586 : vector<16xi32>
    %gather3A_588 = tpu.vector_load_idx %arg10[%add3A_587, %broadcast_in_dim3A_32] : memref<128x16xf32, #tpu.memory_space<vmem>>[vector<16xi32>, vector<16xi32>], vector<16xf32>,
    %swap3A_589 = arith.constant 1456 : index
    %swap3A_590 = tpu.vector_load %arg12[%swap3A_589] {strides = array<i32>} : memref<2048xf32, #tpu.memory_space<vmem>>, vector<16xf32>,
    tpu.vector_store %arg12[%swap3A_589], %gather3A_588 {strides = array<i32>} : memref<2048xf32, #tpu.memory_space<vmem>>, vector<16xf32>,
    %add3A_591 = arith.constant 64 : i32
    %add3A_592 = vector.broadcast %add3A_591 : i32 to vector<16xi32>
    %add3A_593 = arith.addi %iota3A, %add3A_592 : vector<16xi32>
    %gather3A_594 = tpu.vector_load_idx %arg10[%add3A_593, %broadcast_in_dim3A_32] : memref<128x16xf32, #tpu.memory_space<vmem>>[vector<16xi32>, vector<16xi32>], vector<16xf32>,
    %swap3A_595 = arith.constant 1472 : index
    %swap3A_596 = tpu.vector_load %arg12[%swap3A_595] {strides = array<i32>} : memref<2048xf32, #tpu.memory_space<vmem>>, vector<16xf32>,
    tpu.vector_store %arg12[%swap3A_595], %gather3A_594 {strides = array<i32>} : memref<2048xf32, #tpu.memory_space<vmem>>, vector<16xf32>,
    %add3A_597 = arith.constant 80 : i32
    %add3A_598 = vector.broadcast %add3A_597 : i32 to vector<16xi32>
    %add3A_599 = arith.addi %iota3A, %add3A_598 : vector<16xi32>
    %gather3A_600 = tpu.vector_load_idx %arg10[%add3A_599, %broadcast_in_dim3A_32] : memref<128x16xf32, #tpu.memory_space<vmem>>[vector<16xi32>, vector<16xi32>], vector<16xf32>,
    %swap3A_601 = arith.constant 1488 : index
    %swap3A_602 = tpu.vector_load %arg12[%swap3A_601] {strides = array<i32>} : memref<2048xf32, #tpu.memory_space<vmem>>, vector<16xf32>,
    tpu.vector_store %arg12[%swap3A_601], %gather3A_600 {strides = array<i32>} : memref<2048xf32, #tpu.memory_space<vmem>>, vector<16xf32>,
    %add3A_603 = arith.constant 96 : i32
    %add3A_604 = vector.broadcast %add3A_603 : i32 to vector<16xi32>
    %add3A_605 = arith.addi %iota3A, %add3A_604 : vector<16xi32>
    %gather3A_606 = tpu.vector_load_idx %arg10[%add3A_605, %broadcast_in_dim3A_32] : memref<128x16xf32, #tpu.memory_space<vmem>>[vector<16xi32>, vector<16xi32>], vector<16xf32>,
    %swap3A_607 = arith.constant 1504 : index
    %swap3A_608 = tpu.vector_load %arg12[%swap3A_607] {strides = array<i32>} : memref<2048xf32, #tpu.memory_space<vmem>>, vector<16xf32>,
    tpu.vector_store %arg12[%swap3A_607], %gather3A_606 {strides = array<i32>} : memref<2048xf32, #tpu.memory_space<vmem>>, vector<16xf32>,
    %add3A_609 = arith.constant 112 : i32
    %add3A_610 = vector.broadcast %add3A_609 : i32 to vector<16xi32>
    %add3A_611 = arith.addi %iota3A, %add3A_610 : vector<16xi32>
    %gather3A_612 = tpu.vector_load_idx %arg10[%add3A_611, %broadcast_in_dim3A_32] : memref<128x16xf32, #tpu.memory_space<vmem>>[vector<16xi32>, vector<16xi32>], vector<16xf32>,
    %swap3A_613 = arith.constant 1520 : index
    %swap3A_614 = tpu.vector_load %arg12[%swap3A_613] {strides = array<i32>} : memref<2048xf32, #tpu.memory_space<vmem>>, vector<16xf32>,
    tpu.vector_store %arg12[%swap3A_613], %gather3A_612 {strides = array<i32>} : memref<2048xf32, #tpu.memory_space<vmem>>, vector<16xf32>,
    %add3A_615 = arith.constant 0 : i32
    %add3A_616 = vector.broadcast %add3A_615 : i32 to vector<16xi32>
    %add3A_617 = arith.addi %iota3A, %add3A_616 : vector<16xi32>
    %gather3A_618 = tpu.vector_load_idx %arg10[%add3A_617, %broadcast_in_dim3A_34] : memref<128x16xf32, #tpu.memory_space<vmem>>[vector<16xi32>, vector<16xi32>], vector<16xf32>,
    %swap3A_619 = arith.constant 1536 : index
    %swap3A_620 = tpu.vector_load %arg12[%swap3A_619] {strides = array<i32>} : memref<2048xf32, #tpu.memory_space<vmem>>, vector<16xf32>,
    tpu.vector_store %arg12[%swap3A_619], %gather3A_618 {strides = array<i32>} : memref<2048xf32, #tpu.memory_space<vmem>>, vector<16xf32>,
    %add3A_621 = arith.constant 16 : i32
    %add3A_622 = vector.broadcast %add3A_621 : i32 to vector<16xi32>
    %add3A_623 = arith.addi %iota3A, %add3A_622 : vector<16xi32>
    %gather3A_624 = tpu.vector_load_idx %arg10[%add3A_623, %broadcast_in_dim3A_34] : memref<128x16xf32, #tpu.memory_space<vmem>>[vector<16xi32>, vector<16xi32>], vector<16xf32>,
    %swap3A_625 = arith.constant 1552 : index
    %swap3A_626 = tpu.vector_load %arg12[%swap3A_625] {strides = array<i32>} : memref<2048xf32, #tpu.memory_space<vmem>>, vector<16xf32>,
    tpu.vector_store %arg12[%swap3A_625], %gather3A_624 {strides = array<i32>} : memref<2048xf32, #tpu.memory_space<vmem>>, vector<16xf32>,
    %add3A_627 = arith.constant 32 : i32
    %add3A_628 = vector.broadcast %add3A_627 : i32 to vector<16xi32>
    %add3A_629 = arith.addi %iota3A, %add3A_628 : vector<16xi32>
    %gather3A_630 = tpu.vector_load_idx %arg10[%add3A_629, %broadcast_in_dim3A_34] : memref<128x16xf32, #tpu.memory_space<vmem>>[vector<16xi32>, vector<16xi32>], vector<16xf32>,
    %swap3A_631 = arith.constant 1568 : index
    %swap3A_632 = tpu.vector_load %arg12[%swap3A_631] {strides = array<i32>} : memref<2048xf32, #tpu.memory_space<vmem>>, vector<16xf32>,
    tpu.vector_store %arg12[%swap3A_631], %gather3A_630 {strides = array<i32>} : memref<2048xf32, #tpu.memory_space<vmem>>, vector<16xf32>,
    %add3A_633 = arith.constant 48 : i32
    %add3A_634 = vector.broadcast %add3A_633 : i32 to vector<16xi32>
    %add3A_635 = arith.addi %iota3A, %add3A_634 : vector<16xi32>
    %gather3A_636 = tpu.vector_load_idx %arg10[%add3A_635, %broadcast_in_dim3A_34] : memref<128x16xf32, #tpu.memory_space<vmem>>[vector<16xi32>, vector<16xi32>], vector<16xf32>,
    %swap3A_637 = arith.constant 1584 : index
    %swap3A_638 = tpu.vector_load %arg12[%swap3A_637] {strides = array<i32>} : memref<2048xf32, #tpu.memory_space<vmem>>, vector<16xf32>,
    tpu.vector_store %arg12[%swap3A_637], %gather3A_636 {strides = array<i32>} : memref<2048xf32, #tpu.memory_space<vmem>>, vector<16xf32>,
    %add3A_639 = arith.constant 64 : i32
    %add3A_640 = vector.broadcast %add3A_639 : i32 to vector<16xi32>
    %add3A_641 = arith.addi %iota3A, %add3A_640 : vector<16xi32>
    %gather3A_642 = tpu.vector_load_idx %arg10[%add3A_641, %broadcast_in_dim3A_34] : memref<128x16xf32, #tpu.memory_space<vmem>>[vector<16xi32>, vector<16xi32>], vector<16xf32>,
    %swap3A_643 = arith.constant 1600 : index
    %swap3A_644 = tpu.vector_load %arg12[%swap3A_643] {strides = array<i32>} : memref<2048xf32, #tpu.memory_space<vmem>>, vector<16xf32>,
    tpu.vector_store %arg12[%swap3A_643], %gather3A_642 {strides = array<i32>} : memref<2048xf32, #tpu.memory_space<vmem>>, vector<16xf32>,
    %add3A_645 = arith.constant 80 : i32
    %add3A_646 = vector.broadcast %add3A_645 : i32 to vector<16xi32>
    %add3A_647 = arith.addi %iota3A, %add3A_646 : vector<16xi32>
    %gather3A_648 = tpu.vector_load_idx %arg10[%add3A_647, %broadcast_in_dim3A_34] : memref<128x16xf32, #tpu.memory_space<vmem>>[vector<16xi32>, vector<16xi32>], vector<16xf32>,
    %swap3A_649 = arith.constant 1616 : index
    %swap3A_650 = tpu.vector_load %arg12[%swap3A_649] {strides = array<i32>} : memref<2048xf32, #tpu.memory_space<vmem>>, vector<16xf32>,
    tpu.vector_store %arg12[%swap3A_649], %gather3A_648 {strides = array<i32>} : memref<2048xf32, #tpu.memory_space<vmem>>, vector<16xf32>,
    %add3A_651 = arith.constant 96 : i32
    %add3A_652 = vector.broadcast %add3A_651 : i32 to vector<16xi32>
    %add3A_653 = arith.addi %iota3A, %add3A_652 : vector<16xi32>
    %gather3A_654 = tpu.vector_load_idx %arg10[%add3A_653, %broadcast_in_dim3A_34] : memref<128x16xf32, #tpu.memory_space<vmem>>[vector<16xi32>, vector<16xi32>], vector<16xf32>,
    %swap3A_655 = arith.constant 1632 : index
    %swap3A_656 = tpu.vector_load %arg12[%swap3A_655] {strides = array<i32>} : memref<2048xf32, #tpu.memory_space<vmem>>, vector<16xf32>,
    tpu.vector_store %arg12[%swap3A_655], %gather3A_654 {strides = array<i32>} : memref<2048xf32, #tpu.memory_space<vmem>>, vector<16xf32>,
    %add3A_657 = arith.constant 112 : i32
    %add3A_658 = vector.broadcast %add3A_657 : i32 to vector<16xi32>
    %add3A_659 = arith.addi %iota3A, %add3A_658 : vector<16xi32>
    %gather3A_660 = tpu.vector_load_idx %arg10[%add3A_659, %broadcast_in_dim3A_34] : memref<128x16xf32, #tpu.memory_space<vmem>>[vector<16xi32>, vector<16xi32>], vector<16xf32>,
    %swap3A_661 = arith.constant 1648 : index
    %swap3A_662 = tpu.vector_load %arg12[%swap3A_661] {strides = array<i32>} : memref<2048xf32, #tpu.memory_space<vmem>>, vector<16xf32>,
    tpu.vector_store %arg12[%swap3A_661], %gather3A_660 {strides = array<i32>} : memref<2048xf32, #tpu.memory_space<vmem>>, vector<16xf32>,
    %add3A_663 = arith.constant 0 : i32
    %add3A_664 = vector.broadcast %add3A_663 : i32 to vector<16xi32>
    %add3A_665 = arith.addi %iota3A, %add3A_664 : vector<16xi32>
    %gather3A_666 = tpu.vector_load_idx %arg10[%add3A_665, %broadcast_in_dim3A_36] : memref<128x16xf32, #tpu.memory_space<vmem>>[vector<16xi32>, vector<16xi32>], vector<16xf32>,
    %swap3A_667 = arith.constant 1664 : index
    %swap3A_668 = tpu.vector_load %arg12[%swap3A_667] {strides = array<i32>} : memref<2048xf32, #tpu.memory_space<vmem>>, vector<16xf32>,
    tpu.vector_store %arg12[%swap3A_667], %gather3A_666 {strides = array<i32>} : memref<2048xf32, #tpu.memory_space<vmem>>, vector<16xf32>,
    %add3A_669 = arith.constant 16 : i32
    %add3A_670 = vector.broadcast %add3A_669 : i32 to vector<16xi32>
    %add3A_671 = arith.addi %iota3A, %add3A_670 : vector<16xi32>
    %gather3A_672 = tpu.vector_load_idx %arg10[%add3A_671, %broadcast_in_dim3A_36] : memref<128x16xf32, #tpu.memory_space<vmem>>[vector<16xi32>, vector<16xi32>], vector<16xf32>,
    %swap3A_673 = arith.constant 1680 : index
    %swap3A_674 = tpu.vector_load %arg12[%swap3A_673] {strides = array<i32>} : memref<2048xf32, #tpu.memory_space<vmem>>, vector<16xf32>,
    tpu.vector_store %arg12[%swap3A_673], %gather3A_672 {strides = array<i32>} : memref<2048xf32, #tpu.memory_space<vmem>>, vector<16xf32>,
    %add3A_675 = arith.constant 32 : i32
    %add3A_676 = vector.broadcast %add3A_675 : i32 to vector<16xi32>
    %add3A_677 = arith.addi %iota3A, %add3A_676 : vector<16xi32>
    %gather3A_678 = tpu.vector_load_idx %arg10[%add3A_677, %broadcast_in_dim3A_36] : memref<128x16xf32, #tpu.memory_space<vmem>>[vector<16xi32>, vector<16xi32>], vector<16xf32>,
    %swap3A_679 = arith.constant 1696 : index
    %swap3A_680 = tpu.vector_load %arg12[%swap3A_679] {strides = array<i32>} : memref<2048xf32, #tpu.memory_space<vmem>>, vector<16xf32>,
    tpu.vector_store %arg12[%swap3A_679], %gather3A_678 {strides = array<i32>} : memref<2048xf32, #tpu.memory_space<vmem>>, vector<16xf32>,
    %add3A_681 = arith.constant 48 : i32
    %add3A_682 = vector.broadcast %add3A_681 : i32 to vector<16xi32>
    %add3A_683 = arith.addi %iota3A, %add3A_682 : vector<16xi32>
    %gather3A_684 = tpu.vector_load_idx %arg10[%add3A_683, %broadcast_in_dim3A_36] : memref<128x16xf32, #tpu.memory_space<vmem>>[vector<16xi32>, vector<16xi32>], vector<16xf32>,
    %swap3A_685 = arith.constant 1712 : index
    %swap3A_686 = tpu.vector_load %arg12[%swap3A_685] {strides = array<i32>} : memref<2048xf32, #tpu.memory_space<vmem>>, vector<16xf32>,
    tpu.vector_store %arg12[%swap3A_685], %gather3A_684 {strides = array<i32>} : memref<2048xf32, #tpu.memory_space<vmem>>, vector<16xf32>,
    %add3A_687 = arith.constant 64 : i32
    %add3A_688 = vector.broadcast %add3A_687 : i32 to vector<16xi32>
    %add3A_689 = arith.addi %iota3A, %add3A_688 : vector<16xi32>
    %gather3A_690 = tpu.vector_load_idx %arg10[%add3A_689, %broadcast_in_dim3A_36] : memref<128x16xf32, #tpu.memory_space<vmem>>[vector<16xi32>, vector<16xi32>], vector<16xf32>,
    %swap3A_691 = arith.constant 1728 : index
    %swap3A_692 = tpu.vector_load %arg12[%swap3A_691] {strides = array<i32>} : memref<2048xf32, #tpu.memory_space<vmem>>, vector<16xf32>,
    tpu.vector_store %arg12[%swap3A_691], %gather3A_690 {strides = array<i32>} : memref<2048xf32, #tpu.memory_space<vmem>>, vector<16xf32>,
    %add3A_693 = arith.constant 80 : i32
    %add3A_694 = vector.broadcast %add3A_693 : i32 to vector<16xi32>
    %add3A_695 = arith.addi %iota3A, %add3A_694 : vector<16xi32>
    %gather3A_696 = tpu.vector_load_idx %arg10[%add3A_695, %broadcast_in_dim3A_36] : memref<128x16xf32, #tpu.memory_space<vmem>>[vector<16xi32>, vector<16xi32>], vector<16xf32>,
    %swap3A_697 = arith.constant 1744 : index
    %swap3A_698 = tpu.vector_load %arg12[%swap3A_697] {strides = array<i32>} : memref<2048xf32, #tpu.memory_space<vmem>>, vector<16xf32>,
    tpu.vector_store %arg12[%swap3A_697], %gather3A_696 {strides = array<i32>} : memref<2048xf32, #tpu.memory_space<vmem>>, vector<16xf32>,
    %add3A_699 = arith.constant 96 : i32
    %add3A_700 = vector.broadcast %add3A_699 : i32 to vector<16xi32>
    %add3A_701 = arith.addi %iota3A, %add3A_700 : vector<16xi32>
    %gather3A_702 = tpu.vector_load_idx %arg10[%add3A_701, %broadcast_in_dim3A_36] : memref<128x16xf32, #tpu.memory_space<vmem>>[vector<16xi32>, vector<16xi32>], vector<16xf32>,
    %swap3A_703 = arith.constant 1760 : index
    %swap3A_704 = tpu.vector_load %arg12[%swap3A_703] {strides = array<i32>} : memref<2048xf32, #tpu.memory_space<vmem>>, vector<16xf32>,
    tpu.vector_store %arg12[%swap3A_703], %gather3A_702 {strides = array<i32>} : memref<2048xf32, #tpu.memory_space<vmem>>, vector<16xf32>,
    %add3A_705 = arith.constant 112 : i32
    %add3A_706 = vector.broadcast %add3A_705 : i32 to vector<16xi32>
    %add3A_707 = arith.addi %iota3A, %add3A_706 : vector<16xi32>
    %gather3A_708 = tpu.vector_load_idx %arg10[%add3A_707, %broadcast_in_dim3A_36] : memref<128x16xf32, #tpu.memory_space<vmem>>[vector<16xi32>, vector<16xi32>], vector<16xf32>,
    %swap3A_709 = arith.constant 1776 : index
    %swap3A_710 = tpu.vector_load %arg12[%swap3A_709] {strides = array<i32>} : memref<2048xf32, #tpu.memory_space<vmem>>, vector<16xf32>,
    tpu.vector_store %arg12[%swap3A_709], %gather3A_708 {strides = array<i32>} : memref<2048xf32, #tpu.memory_space<vmem>>, vector<16xf32>,
    %add3A_711 = arith.constant 0 : i32
    %add3A_712 = vector.broadcast %add3A_711 : i32 to vector<16xi32>
    %add3A_713 = arith.addi %iota3A, %add3A_712 : vector<16xi32>
    %gather3A_714 = tpu.vector_load_idx %arg10[%add3A_713, %broadcast_in_dim3A_38] : memref<128x16xf32, #tpu.memory_space<vmem>>[vector<16xi32>, vector<16xi32>], vector<16xf32>,
    %swap3A_715 = arith.constant 1792 : index
    %swap3A_716 = tpu.vector_load %arg12[%swap3A_715] {strides = array<i32>} : memref<2048xf32, #tpu.memory_space<vmem>>, vector<16xf32>,
    tpu.vector_store %arg12[%swap3A_715], %gather3A_714 {strides = array<i32>} : memref<2048xf32, #tpu.memory_space<vmem>>, vector<16xf32>,
    %add3A_717 = arith.constant 16 : i32
    %add3A_718 = vector.broadcast %add3A_717 : i32 to vector<16xi32>
    %add3A_719 = arith.addi %iota3A, %add3A_718 : vector<16xi32>
    %gather3A_720 = tpu.vector_load_idx %arg10[%add3A_719, %broadcast_in_dim3A_38] : memref<128x16xf32, #tpu.memory_space<vmem>>[vector<16xi32>, vector<16xi32>], vector<16xf32>,
    %swap3A_721 = arith.constant 1808 : index
    %swap3A_722 = tpu.vector_load %arg12[%swap3A_721] {strides = array<i32>} : memref<2048xf32, #tpu.memory_space<vmem>>, vector<16xf32>,
    tpu.vector_store %arg12[%swap3A_721], %gather3A_720 {strides = array<i32>} : memref<2048xf32, #tpu.memory_space<vmem>>, vector<16xf32>,
    %add3A_723 = arith.constant 32 : i32
    %add3A_724 = vector.broadcast %add3A_723 : i32 to vector<16xi32>
    %add3A_725 = arith.addi %iota3A, %add3A_724 : vector<16xi32>
    %gather3A_726 = tpu.vector_load_idx %arg10[%add3A_725, %broadcast_in_dim3A_38] : memref<128x16xf32, #tpu.memory_space<vmem>>[vector<16xi32>, vector<16xi32>], vector<16xf32>,
    %swap3A_727 = arith.constant 1824 : index
    %swap3A_728 = tpu.vector_load %arg12[%swap3A_727] {strides = array<i32>} : memref<2048xf32, #tpu.memory_space<vmem>>, vector<16xf32>,
    tpu.vector_store %arg12[%swap3A_727], %gather3A_726 {strides = array<i32>} : memref<2048xf32, #tpu.memory_space<vmem>>, vector<16xf32>,
    %add3A_729 = arith.constant 48 : i32
    %add3A_730 = vector.broadcast %add3A_729 : i32 to vector<16xi32>
    %add3A_731 = arith.addi %iota3A, %add3A_730 : vector<16xi32>
    %gather3A_732 = tpu.vector_load_idx %arg10[%add3A_731, %broadcast_in_dim3A_38] : memref<128x16xf32, #tpu.memory_space<vmem>>[vector<16xi32>, vector<16xi32>], vector<16xf32>,
    %swap3A_733 = arith.constant 1840 : index
    %swap3A_734 = tpu.vector_load %arg12[%swap3A_733] {strides = array<i32>} : memref<2048xf32, #tpu.memory_space<vmem>>, vector<16xf32>,
    tpu.vector_store %arg12[%swap3A_733], %gather3A_732 {strides = array<i32>} : memref<2048xf32, #tpu.memory_space<vmem>>, vector<16xf32>,
    %add3A_735 = arith.constant 64 : i32
    %add3A_736 = vector.broadcast %add3A_735 : i32 to vector<16xi32>
    %add3A_737 = arith.addi %iota3A, %add3A_736 : vector<16xi32>
    %gather3A_738 = tpu.vector_load_idx %arg10[%add3A_737, %broadcast_in_dim3A_38] : memref<128x16xf32, #tpu.memory_space<vmem>>[vector<16xi32>, vector<16xi32>], vector<16xf32>,
    %swap3A_739 = arith.constant 1856 : index
    %swap3A_740 = tpu.vector_load %arg12[%swap3A_739] {strides = array<i32>} : memref<2048xf32, #tpu.memory_space<vmem>>, vector<16xf32>,
    tpu.vector_store %arg12[%swap3A_739], %gather3A_738 {strides = array<i32>} : memref<2048xf32, #tpu.memory_space<vmem>>, vector<16xf32>,
    %add3A_741 = arith.constant 80 : i32
    %add3A_742 = vector.broadcast %add3A_741 : i32 to vector<16xi32>
    %add3A_743 = arith.addi %iota3A, %add3A_742 : vector<16xi32>
    %gather3A_744 = tpu.vector_load_idx %arg10[%add3A_743, %broadcast_in_dim3A_38] : memref<128x16xf32, #tpu.memory_space<vmem>>[vector<16xi32>, vector<16xi32>], vector<16xf32>,
    %swap3A_745 = arith.constant 1872 : index
    %swap3A_746 = tpu.vector_load %arg12[%swap3A_745] {strides = array<i32>} : memref<2048xf32, #tpu.memory_space<vmem>>, vector<16xf32>,
    tpu.vector_store %arg12[%swap3A_745], %gather3A_744 {strides = array<i32>} : memref<2048xf32, #tpu.memory_space<vmem>>, vector<16xf32>,
    %add3A_747 = arith.constant 96 : i32
    %add3A_748 = vector.broadcast %add3A_747 : i32 to vector<16xi32>
    %add3A_749 = arith.addi %iota3A, %add3A_748 : vector<16xi32>
    %gather3A_750 = tpu.vector_load_idx %arg10[%add3A_749, %broadcast_in_dim3A_38] : memref<128x16xf32, #tpu.memory_space<vmem>>[vector<16xi32>, vector<16xi32>], vector<16xf32>,
    %swap3A_751 = arith.constant 1888 : index
    %swap3A_752 = tpu.vector_load %arg12[%swap3A_751] {strides = array<i32>} : memref<2048xf32, #tpu.memory_space<vmem>>, vector<16xf32>,
    tpu.vector_store %arg12[%swap3A_751], %gather3A_750 {strides = array<i32>} : memref<2048xf32, #tpu.memory_space<vmem>>, vector<16xf32>,
    %add3A_753 = arith.constant 112 : i32
    %add3A_754 = vector.broadcast %add3A_753 : i32 to vector<16xi32>
    %add3A_755 = arith.addi %iota3A, %add3A_754 : vector<16xi32>
    %gather3A_756 = tpu.vector_load_idx %arg10[%add3A_755, %broadcast_in_dim3A_38] : memref<128x16xf32, #tpu.memory_space<vmem>>[vector<16xi32>, vector<16xi32>], vector<16xf32>,
    %swap3A_757 = arith.constant 1904 : index
    %swap3A_758 = tpu.vector_load %arg12[%swap3A_757] {strides = array<i32>} : memref<2048xf32, #tpu.memory_space<vmem>>, vector<16xf32>,
    tpu.vector_store %arg12[%swap3A_757], %gather3A_756 {strides = array<i32>} : memref<2048xf32, #tpu.memory_space<vmem>>, vector<16xf32>,
    %add3A_759 = arith.constant 0 : i32
    %add3A_760 = vector.broadcast %add3A_759 : i32 to vector<16xi32>
    %add3A_761 = arith.addi %iota3A, %add3A_760 : vector<16xi32>
    %gather3A_762 = tpu.vector_load_idx %arg10[%add3A_761, %broadcast_in_dim3A_40] : memref<128x16xf32, #tpu.memory_space<vmem>>[vector<16xi32>, vector<16xi32>], vector<16xf32>,
    %swap3A_763 = arith.constant 1920 : index
    %swap3A_764 = tpu.vector_load %arg12[%swap3A_763] {strides = array<i32>} : memref<2048xf32, #tpu.memory_space<vmem>>, vector<16xf32>,
    tpu.vector_store %arg12[%swap3A_763], %gather3A_762 {strides = array<i32>} : memref<2048xf32, #tpu.memory_space<vmem>>, vector<16xf32>,
    %add3A_765 = arith.constant 16 : i32
    %add3A_766 = vector.broadcast %add3A_765 : i32 to vector<16xi32>
    %add3A_767 = arith.addi %iota3A, %add3A_766 : vector<16xi32>
    %gather3A_768 = tpu.vector_load_idx %arg10[%add3A_767, %broadcast_in_dim3A_40] : memref<128x16xf32, #tpu.memory_space<vmem>>[vector<16xi32>, vector<16xi32>], vector<16xf32>,
    %swap3A_769 = arith.constant 1936 : index
    %swap3A_770 = tpu.vector_load %arg12[%swap3A_769] {strides = array<i32>} : memref<2048xf32, #tpu.memory_space<vmem>>, vector<16xf32>,
    tpu.vector_store %arg12[%swap3A_769], %gather3A_768 {strides = array<i32>} : memref<2048xf32, #tpu.memory_space<vmem>>, vector<16xf32>,
    %add3A_771 = arith.constant 32 : i32
    %add3A_772 = vector.broadcast %add3A_771 : i32 to vector<16xi32>
    %add3A_773 = arith.addi %iota3A, %add3A_772 : vector<16xi32>
    %gather3A_774 = tpu.vector_load_idx %arg10[%add3A_773, %broadcast_in_dim3A_40] : memref<128x16xf32, #tpu.memory_space<vmem>>[vector<16xi32>, vector<16xi32>], vector<16xf32>,
    %swap3A_775 = arith.constant 1952 : index
    %swap3A_776 = tpu.vector_load %arg12[%swap3A_775] {strides = array<i32>} : memref<2048xf32, #tpu.memory_space<vmem>>, vector<16xf32>,
    tpu.vector_store %arg12[%swap3A_775], %gather3A_774 {strides = array<i32>} : memref<2048xf32, #tpu.memory_space<vmem>>, vector<16xf32>,
    %add3A_777 = arith.constant 48 : i32
    %add3A_778 = vector.broadcast %add3A_777 : i32 to vector<16xi32>
    %add3A_779 = arith.addi %iota3A, %add3A_778 : vector<16xi32>
    %gather3A_780 = tpu.vector_load_idx %arg10[%add3A_779, %broadcast_in_dim3A_40] : memref<128x16xf32, #tpu.memory_space<vmem>>[vector<16xi32>, vector<16xi32>], vector<16xf32>,
    %swap3A_781 = arith.constant 1968 : index
    %swap3A_782 = tpu.vector_load %arg12[%swap3A_781] {strides = array<i32>} : memref<2048xf32, #tpu.memory_space<vmem>>, vector<16xf32>,
    tpu.vector_store %arg12[%swap3A_781], %gather3A_780 {strides = array<i32>} : memref<2048xf32, #tpu.memory_space<vmem>>, vector<16xf32>,
    %add3A_783 = arith.constant 64 : i32
    %add3A_784 = vector.broadcast %add3A_783 : i32 to vector<16xi32>
    %add3A_785 = arith.addi %iota3A, %add3A_784 : vector<16xi32>
    %gather3A_786 = tpu.vector_load_idx %arg10[%add3A_785, %broadcast_in_dim3A_40] : memref<128x16xf32, #tpu.memory_space<vmem>>[vector<16xi32>, vector<16xi32>], vector<16xf32>,
    %swap3A_787 = arith.constant 1984 : index
    %swap3A_788 = tpu.vector_load %arg12[%swap3A_787] {strides = array<i32>} : memref<2048xf32, #tpu.memory_space<vmem>>, vector<16xf32>,
    tpu.vector_store %arg12[%swap3A_787], %gather3A_786 {strides = array<i32>} : memref<2048xf32, #tpu.memory_space<vmem>>, vector<16xf32>,
    %add3A_789 = arith.constant 80 : i32
    %add3A_790 = vector.broadcast %add3A_789 : i32 to vector<16xi32>
    %add3A_791 = arith.addi %iota3A, %add3A_790 : vector<16xi32>
    %gather3A_792 = tpu.vector_load_idx %arg10[%add3A_791, %broadcast_in_dim3A_40] : memref<128x16xf32, #tpu.memory_space<vmem>>[vector<16xi32>, vector<16xi32>], vector<16xf32>,
    %swap3A_793 = arith.constant 2000 : index
    %swap3A_794 = tpu.vector_load %arg12[%swap3A_793] {strides = array<i32>} : memref<2048xf32, #tpu.memory_space<vmem>>, vector<16xf32>,
    tpu.vector_store %arg12[%swap3A_793], %gather3A_792 {strides = array<i32>} : memref<2048xf32, #tpu.memory_space<vmem>>, vector<16xf32>,
    %add3A_795 = arith.constant 96 : i32
    %add3A_796 = vector.broadcast %add3A_795 : i32 to vector<16xi32>
    %add3A_797 = arith.addi %iota3A, %add3A_796 : vector<16xi32>
    %gather3A_798 = tpu.vector_load_idx %arg10[%add3A_797, %broadcast_in_dim3A_40] : memref<128x16xf32, #tpu.memory_space<vmem>>[vector<16xi32>, vector<16xi32>], vector<16xf32>,
    %swap3A_799 = arith.constant 2016 : index
    %swap3A_800 = tpu.vector_load %arg12[%swap3A_799] {strides = array<i32>} : memref<2048xf32, #tpu.memory_space<vmem>>, vector<16xf32>,
    tpu.vector_store %arg12[%swap3A_799], %gather3A_798 {strides = array<i32>} : memref<2048xf32, #tpu.memory_space<vmem>>, vector<16xf32>,
    %add3A_801 = arith.constant 112 : i32
    %add3A_802 = vector.broadcast %add3A_801 : i32 to vector<16xi32>
    %add3A_803 = arith.addi %iota3A, %add3A_802 : vector<16xi32>
    %gather3A_804 = tpu.vector_load_idx %arg10[%add3A_803, %broadcast_in_dim3A_40] : memref<128x16xf32, #tpu.memory_space<vmem>>[vector<16xi32>, vector<16xi32>], vector<16xf32>,
    %swap3A_805 = arith.constant 2032 : index
    %swap3A_806 = tpu.vector_load %arg12[%swap3A_805] {strides = array<i32>} : memref<2048xf32, #tpu.memory_space<vmem>>, vector<16xf32>,
    tpu.vector_store %arg12[%swap3A_805], %gather3A_804 {strides = array<i32>} : memref<2048xf32, #tpu.memory_space<vmem>>, vector<16xf32>,
    %dma_start3A_807 = arith.constant 0 : i32
    %dma_start3A_808 = arith.constant 0 : i32
    %dma_start3A_809 = arith.constant 0 : i32
    %dma_start3A_810 = tpu.memref_slice %arg13[%dma_start3A_808, %dma_start3A_809] : memref<256x16xf32, #tpu.memory_space<vmem>> -> memref<128x16xf32, #tpu.memory_space<vmem>>
    %dma_start3A_811 = arith.constant 0 : i32
    %dma_start3A_812 = tpu.memref_slice %arg8[%dma_start3A_807, %dma_start3A_811] : memref<200x128xi32, #tpu.memory_space<vmem>> -> memref<1x128xi32, #tpu.memory_space<vmem>>
    %dma_start3A_813 = tpu.memref_squeeze %dma_start3A_812 : memref<1x128xi32, #tpu.memory_space<vmem>> -> memref<128xi32, #tpu.memory_space<vmem>>
    %dma_start3A_814 = arith.constant 0 : i32
    %dma_start3A_815 = arith.constant 0 : i32
    %dma_start3A_816 = tpu.memref_slice %arg2[%dma_start3A_814, %dma_start3A_815] : memref<102400x16xf32, #tpu.memory_space<hbm>> -> memref<102400x16xf32, #tpu.memory_space<hbm>>
    tpu.enqueue_indirect_dma source(%dma_start3A_816 : memref<102400x16xf32, #tpu.memory_space<hbm>>) target(%dma_start3A_810 : memref<128x16xf32, #tpu.memory_space<vmem>>) offsets(%dma_start3A_813 : memref<128xi32, #tpu.memory_space<vmem>>) semaphore(%arg21 : memref<!tpu.dma_semaphore, #tpu.memory_space<semaphore_mem>>)
    %dma_start3A_817 = arith.constant 1 : i32
    %dma_start3A_818 = arith.constant 128 : i32
    %dma_start3A_819 = arith.constant 0 : i32
    %dma_start3A_820 = tpu.memref_slice %arg13[%dma_start3A_818, %dma_start3A_819] : memref<256x16xf32, #tpu.memory_space<vmem>> -> memref<128x16xf32, #tpu.memory_space<vmem>>
    %dma_start3A_821 = arith.constant 0 : i32
    %dma_start3A_822 = tpu.memref_slice %arg8[%dma_start3A_817, %dma_start3A_821] : memref<200x128xi32, #tpu.memory_space<vmem>> -> memref<1x128xi32, #tpu.memory_space<vmem>>
    %dma_start3A_823 = tpu.memref_squeeze %dma_start3A_822 : memref<1x128xi32, #tpu.memory_space<vmem>> -> memref<128xi32, #tpu.memory_space<vmem>>
    %dma_start3A_824 = arith.constant 0 : i32
    %dma_start3A_825 = arith.constant 0 : i32
    %dma_start3A_826 = tpu.memref_slice %arg2[%dma_start3A_824, %dma_start3A_825] : memref<102400x16xf32, #tpu.memory_space<hbm>> -> memref<102400x16xf32, #tpu.memory_space<hbm>>
    tpu.enqueue_indirect_dma source(%dma_start3A_826 : memref<102400x16xf32, #tpu.memory_space<hbm>>) target(%dma_start3A_820 : memref<128x16xf32, #tpu.memory_space<vmem>>) offsets(%dma_start3A_823 : memref<128xi32, #tpu.memory_space<vmem>>) semaphore(%arg21 : memref<!tpu.dma_semaphore, #tpu.memory_space<semaphore_mem>>)
    %dma_start3A_827 = arith.constant 2 : i32
    %dma_start3A_828 = arith.constant 0 : i32
    %dma_start3A_829 = arith.constant 0 : i32
    %dma_start3A_830 = tpu.memref_slice %arg14[%dma_start3A_828, %dma_start3A_829] : memref<256x16xf32, #tpu.memory_space<vmem>> -> memref<128x16xf32, #tpu.memory_space<vmem>>
    %dma_start3A_831 = arith.constant 0 : i32
    %dma_start3A_832 = tpu.memref_slice %arg8[%dma_start3A_827, %dma_start3A_831] : memref<200x128xi32, #tpu.memory_space<vmem>> -> memref<1x128xi32, #tpu.memory_space<vmem>>
    %dma_start3A_833 = tpu.memref_squeeze %dma_start3A_832 : memref<1x128xi32, #tpu.memory_space<vmem>> -> memref<128xi32, #tpu.memory_space<vmem>>
    %dma_start3A_834 = arith.constant 0 : i32
    %dma_start3A_835 = arith.constant 0 : i32
    %dma_start3A_836 = tpu.memref_slice %arg2[%dma_start3A_834, %dma_start3A_835] : memref<102400x16xf32, #tpu.memory_space<hbm>> -> memref<102400x16xf32, #tpu.memory_space<hbm>>
    tpu.enqueue_indirect_dma source(%dma_start3A_836 : memref<102400x16xf32, #tpu.memory_space<hbm>>) target(%dma_start3A_830 : memref<128x16xf32, #tpu.memory_space<vmem>>) offsets(%dma_start3A_833 : memref<128xi32, #tpu.memory_space<vmem>>) semaphore(%arg22 : memref<!tpu.dma_semaphore, #tpu.memory_space<semaphore_mem>>)
    %dma_start3A_837 = arith.constant 3 : i32
    %dma_start3A_838 = arith.constant 128 : i32
    %dma_start3A_839 = arith.constant 0 : i32
    %dma_start3A_840 = tpu.memref_slice %arg14[%dma_start3A_838, %dma_start3A_839] : memref<256x16xf32, #tpu.memory_space<vmem>> -> memref<128x16xf32, #tpu.memory_space<vmem>>
    %dma_start3A_841 = arith.constant 0 : i32
    %dma_start3A_842 = tpu.memref_slice %arg8[%dma_start3A_837, %dma_start3A_841] : memref<200x128xi32, #tpu.memory_space<vmem>> -> memref<1x128xi32, #tpu.memory_space<vmem>>
    %dma_start3A_843 = tpu.memref_squeeze %dma_start3A_842 : memref<1x128xi32, #tpu.memory_space<vmem>> -> memref<128xi32, #tpu.memory_space<vmem>>
    %dma_start3A_844 = arith.constant 0 : i32
    %dma_start3A_845 = arith.constant 0 : i32
    %dma_start3A_846 = tpu.memref_slice %arg2[%dma_start3A_844, %dma_start3A_845] : memref<102400x16xf32, #tpu.memory_space<hbm>> -> memref<102400x16xf32, #tpu.memory_space<hbm>>
    tpu.enqueue_indirect_dma source(%dma_start3A_846 : memref<102400x16xf32, #tpu.memory_space<hbm>>) target(%dma_start3A_840 : memref<128x16xf32, #tpu.memory_space<vmem>>) offsets(%dma_start3A_843 : memref<128xi32, #tpu.memory_space<vmem>>) semaphore(%arg22 : memref<!tpu.dma_semaphore, #tpu.memory_space<semaphore_mem>>)
    %dma_start3A_847 = arith.constant 4 : i32
    %dma_start3A_848 = arith.constant 0 : i32
    %dma_start3A_849 = arith.constant 0 : i32
    %dma_start3A_850 = tpu.memref_slice %arg15[%dma_start3A_848, %dma_start3A_849] : memref<256x16xf32, #tpu.memory_space<vmem>> -> memref<128x16xf32, #tpu.memory_space<vmem>>
    %dma_start3A_851 = arith.constant 0 : i32
    %dma_start3A_852 = tpu.memref_slice %arg8[%dma_start3A_847, %dma_start3A_851] : memref<200x128xi32, #tpu.memory_space<vmem>> -> memref<1x128xi32, #tpu.memory_space<vmem>>
    %dma_start3A_853 = tpu.memref_squeeze %dma_start3A_852 : memref<1x128xi32, #tpu.memory_space<vmem>> -> memref<128xi32, #tpu.memory_space<vmem>>
    %dma_start3A_854 = arith.constant 0 : i32
    %dma_start3A_855 = arith.constant 0 : i32
    %dma_start3A_856 = tpu.memref_slice %arg2[%dma_start3A_854, %dma_start3A_855] : memref<102400x16xf32, #tpu.memory_space<hbm>> -> memref<102400x16xf32, #tpu.memory_space<hbm>>
    tpu.enqueue_indirect_dma source(%dma_start3A_856 : memref<102400x16xf32, #tpu.memory_space<hbm>>) target(%dma_start3A_850 : memref<128x16xf32, #tpu.memory_space<vmem>>) offsets(%dma_start3A_853 : memref<128xi32, #tpu.memory_space<vmem>>) semaphore(%arg23 : memref<!tpu.dma_semaphore, #tpu.memory_space<semaphore_mem>>)
    %dma_start3A_857 = arith.constant 5 : i32
    %dma_start3A_858 = arith.constant 128 : i32
    %dma_start3A_859 = arith.constant 0 : i32
    %dma_start3A_860 = tpu.memref_slice %arg15[%dma_start3A_858, %dma_start3A_859] : memref<256x16xf32, #tpu.memory_space<vmem>> -> memref<128x16xf32, #tpu.memory_space<vmem>>
    %dma_start3A_861 = arith.constant 0 : i32
    %dma_start3A_862 = tpu.memref_slice %arg8[%dma_start3A_857, %dma_start3A_861] : memref<200x128xi32, #tpu.memory_space<vmem>> -> memref<1x128xi32, #tpu.memory_space<vmem>>
    %dma_start3A_863 = tpu.memref_squeeze %dma_start3A_862 : memref<1x128xi32, #tpu.memory_space<vmem>> -> memref<128xi32, #tpu.memory_space<vmem>>
    %dma_start3A_864 = arith.constant 0 : i32
    %dma_start3A_865 = arith.constant 0 : i32
    %dma_start3A_866 = tpu.memref_slice %arg2[%dma_start3A_864, %dma_start3A_865] : memref<102400x16xf32, #tpu.memory_space<hbm>> -> memref<102400x16xf32, #tpu.memory_space<hbm>>
    tpu.enqueue_indirect_dma source(%dma_start3A_866 : memref<102400x16xf32, #tpu.memory_space<hbm>>) target(%dma_start3A_860 : memref<128x16xf32, #tpu.memory_space<vmem>>) offsets(%dma_start3A_863 : memref<128xi32, #tpu.memory_space<vmem>>) semaphore(%arg23 : memref<!tpu.dma_semaphore, #tpu.memory_space<semaphore_mem>>)
    %scan3A = arith.constant 0 : i32
    %scan3A_867 = arith.constant 0 : i32
    %scan3A_868 = arith.constant 25 : i32
    %scan3A_869 = arith.addi %scan3A_867, %scan3A_868 : i32
    %scan3A_870 = arith.constant 1 : i32
    scf.for %scan3A_888 = %scan3A_867 to %scan3A_869 step %scan3A_870  : i32 {
      %mul3A_889 = arith.constant 4 : i32
      %mul3A_890 = arith.muli %scan3A_888, %mul3A_889 : i32
      %add3A_891 = arith.constant 0 : i32
      %add3A_892 = arith.addi %mul3A_890, %add3A_891 : i32
      %add3A_893 = arith.constant 4 : i32
      %add3A_894 = arith.addi %add3A_892, %add3A_893 : i32
      %sub3A = arith.constant 1 : i32
      %sub3A_895 = arith.subi %add3A_894, %sub3A : i32
      %lt3A = arith.constant 100 : i32
      %lt3A_896 = arith.cmpi slt, %sub3A_895, %lt3A : i32
      %convert_element_type3A = arith.extui %lt3A_896 : i1 to i32
      %cond3A = arith.constant 0 : i32
      %cond3A_897 = arith.cmpi ne, %convert_element_type3A, %cond3A : i32
      scf.if %cond3A_897 {
        %add3A_1303 = arith.constant 4 : i32
        %add3A_1304 = arith.addi %add3A_892, %add3A_1303 : i32
        %sub3A_1305 = arith.constant 1 : i32
        %sub3A_1306 = arith.subi %add3A_1304, %sub3A_1305 : i32
        %mul3A_1307 = arith.constant 2 : i32
        %mul3A_1308 = arith.muli %mul3A_1307, %sub3A_1306 : i32
        %dma_start3A_1309 = arith.constant 0 : i32
        %dma_start3A_1310 = arith.constant 0 : i32
        %dma_start3A_1311 = tpu.memref_slice %arg16[%dma_start3A_1309, %dma_start3A_1310] : memref<256x16xf32, #tpu.memory_space<vmem>> -> memref<128x16xf32, #tpu.memory_space<vmem>>
        %dma_start3A_1312 = arith.constant 0 : i32
        %dma_start3A_1313 = tpu.memref_slice %arg8[%mul3A_1308, %dma_start3A_1312] : memref<200x128xi32, #tpu.memory_space<vmem>> -> memref<1x128xi32, #tpu.memory_space<vmem>>
        %dma_start3A_1314 = tpu.memref_squeeze %dma_start3A_1313 : memref<1x128xi32, #tpu.memory_space<vmem>> -> memref<128xi32, #tpu.memory_space<vmem>>
        %dma_start3A_1315 = arith.constant 0 : i32
        %dma_start3A_1316 = arith.constant 0 : i32
        %dma_start3A_1317 = tpu.memref_slice %arg2[%dma_start3A_1315, %dma_start3A_1316] : memref<102400x16xf32, #tpu.memory_space<hbm>> -> memref<102400x16xf32, #tpu.memory_space<hbm>>
        tpu.enqueue_indirect_dma source(%dma_start3A_1317 : memref<102400x16xf32, #tpu.memory_space<hbm>>) target(%dma_start3A_1311 : memref<128x16xf32, #tpu.memory_space<vmem>>) offsets(%dma_start3A_1314 : memref<128xi32, #tpu.memory_space<vmem>>) semaphore(%arg24 : memref<!tpu.dma_semaphore, #tpu.memory_space<semaphore_mem>>)
        %mul3A_1318 = arith.constant 2 : i32
        %mul3A_1319 = arith.muli %mul3A_1318, %sub3A_1306 : i32
        %add3A_1320 = arith.constant 1 : i32
        %add3A_1321 = arith.addi %mul3A_1319, %add3A_1320 : i32
        %dma_start3A_1322 = arith.constant 128 : i32
        %dma_start3A_1323 = arith.constant 0 : i32
        %dma_start3A_1324 = tpu.memref_slice %arg16[%dma_start3A_1322, %dma_start3A_1323] : memref<256x16xf32, #tpu.memory_space<vmem>> -> memref<128x16xf32, #tpu.memory_space<vmem>>
        %dma_start3A_1325 = arith.constant 0 : i32
        %dma_start3A_1326 = tpu.memref_slice %arg8[%add3A_1321, %dma_start3A_1325] : memref<200x128xi32, #tpu.memory_space<vmem>> -> memref<1x128xi32, #tpu.memory_space<vmem>>
        %dma_start3A_1327 = tpu.memref_squeeze %dma_start3A_1326 : memref<1x128xi32, #tpu.memory_space<vmem>> -> memref<128xi32, #tpu.memory_space<vmem>>
        %dma_start3A_1328 = arith.constant 0 : i32
        %dma_start3A_1329 = arith.constant 0 : i32
        %dma_start3A_1330 = tpu.memref_slice %arg2[%dma_start3A_1328, %dma_start3A_1329] : memref<102400x16xf32, #tpu.memory_space<hbm>> -> memref<102400x16xf32, #tpu.memory_space<hbm>>
        tpu.enqueue_indirect_dma source(%dma_start3A_1330 : memref<102400x16xf32, #tpu.memory_space<hbm>>) target(%dma_start3A_1324 : memref<128x16xf32, #tpu.memory_space<vmem>>) offsets(%dma_start3A_1327 : memref<128xi32, #tpu.memory_space<vmem>>) semaphore(%arg24 : memref<!tpu.dma_semaphore, #tpu.memory_space<semaphore_mem>>)
      } else {
      }
      %ge3A = arith.constant 4 : i32
      %ge3A_898 = arith.cmpi sge, %add3A_892, %ge3A : i32
      %convert_element_type3A_899 = arith.extui %ge3A_898 : i1 to i32
      %cond3A_900 = arith.constant 0 : i32
      %cond3A_901 = arith.cmpi ne, %convert_element_type3A_899, %cond3A_900 : i32
      scf.if %cond3A_901 {
        %dma_wait3A_1303 = arith.constant 0 : i32
        %dma_wait3A_1304 = tpu.memref_slice %arg7[%dma_wait3A_1303] : memref<13107200xf32, #tpu.memory_space<hbm>> -> memref<4096xf32, #tpu.memory_space<hbm>>
        %dma_wait3A_1305 = arith.constant 0 : i32
        %dma_wait3A_1306 = tpu.memref_slice %arg7[%dma_wait3A_1305] : memref<13107200xf32, #tpu.memory_space<hbm>> -> memref<4096xf32, #tpu.memory_space<hbm>>
        tpu.wait_dma2 semaphore(%arg25 : memref<!tpu.dma_semaphore, #tpu.memory_space<semaphore_mem>>) src(%arg17 : memref<4096xf32, #tpu.memory_space<vmem>>) dst(%dma_wait3A_1306 : memref<4096xf32, #tpu.memory_space<hbm>>)
      } else {
      }
      %dma_wait3A_902 = arith.constant 0 : i32
      %dma_wait3A_903 = arith.constant 0 : i32
      %dma_wait3A_904 = tpu.memref_slice %arg2[%dma_wait3A_902, %dma_wait3A_903] : memref<102400x16xf32, #tpu.memory_space<hbm>> -> memref<256x16xf32, #tpu.memory_space<hbm>>
      %dma_wait3A_905 = arith.constant 0 : i32
      %dma_wait3A_906 = arith.constant 0 : i32
      %dma_wait3A_907 = tpu.memref_slice %arg2[%dma_wait3A_905, %dma_wait3A_906] : memref<102400x16xf32, #tpu.memory_space<hbm>> -> memref<256x16xf32, #tpu.memory_space<hbm>>
      tpu.wait_dma2 semaphore(%arg21 : memref<!tpu.dma_semaphore, #tpu.memory_space<semaphore_mem>>) src(%dma_wait3A_907 : memref<256x16xf32, #tpu.memory_space<hbm>>) dst(%arg13 : memref<256x16xf32, #tpu.memory_space<vmem>>)
      %mul3A_908 = arith.constant 2 : i32
      %mul3A_909 = arith.muli %mul3A_908, %add3A_892 : i32
      %parallel_loop3A = arith.constant 0 : i32
      %parallel_loop3A_910 = arith.constant 256 : i32
      %parallel_loop3A_911 = arith.constant 1 : i32
      scf.for %parallel_loop3A_1303 = %parallel_loop3A to %parallel_loop3A_910 step %parallel_loop3A_911  : i32 {
        %parallel_loop3A_1304 = arith.constant 7 : i32
        %parallel_loop3A_1305 = arith.shrsi %parallel_loop3A_1303, %parallel_loop3A_1304 : i32
        %parallel_loop3A_1306 = arith.constant 3 : i32
        %parallel_loop3A_1307 = arith.shrsi %parallel_loop3A_1303, %parallel_loop3A_1306 : i32
        %parallel_loop3A_1308 = arith.constant 15 : i32
        %parallel_loop3A_1309 = arith.andi %parallel_loop3A_1307, %parallel_loop3A_1308 : i32
        %parallel_loop3A_1310 = arith.constant 7 : i32
        %parallel_loop3A_1311 = arith.andi %parallel_loop3A_1303, %parallel_loop3A_1310 : i32
        %parallel_loop3A_1312 = arith.constant 7 : i32
        %parallel_loop3A_1313 = arith.shli %parallel_loop3A_1305, %parallel_loop3A_1312 : i32
        %parallel_loop3A_1314 = arith.constant 4 : i32
        %parallel_loop3A_1315 = arith.shli %parallel_loop3A_1311, %parallel_loop3A_1314 : i32
        %parallel_loop3A_1316 = arith.addi %parallel_loop3A_1313, %parallel_loop3A_1315 : i32
        %parallel_loop3A_1317 = vector.broadcast %parallel_loop3A_1316 : i32 to vector<16xi32>
        %parallel_loop3A_1318 = arith.addi %iota3A, %parallel_loop3A_1317 : vector<16xi32>
        %parallel_loop3A_1319 = vector.broadcast %parallel_loop3A_1309 : i32 to vector<16xi32>
        %parallel_loop3A_1320 = arith.addi %mul3A_9, %parallel_loop3A_1319 : vector<16xi32>
        %parallel_loop3A_1321 = arith.addi %mul3A_909, %parallel_loop3A_1305 : i32
        %parallel_loop3A_1322 = vector.broadcast %parallel_loop3A_1321 : i32 to vector<16xi32>
        %parallel_loop3A_1323 = arith.addi %mul3A_9, %parallel_loop3A_1322 : vector<16xi32>
        %parallel_loop3A_1324 = tpu.vector_load_idx %arg13[%parallel_loop3A_1318, %parallel_loop3A_1320] : memref<256x16xf32, #tpu.memory_space<vmem>>[vector<16xi32>, vector<16xi32>], vector<16xf32>,
        %parallel_loop3A_1325 = tpu.vector_load_idx %arg11[%parallel_loop3A_1323, %parallel_loop3A_1320] : memref<200x16xf32, #tpu.memory_space<vmem>>[vector<16xi32>, vector<16xi32>], vector<16xf32>,
        %parallel_loop3A_1326 = arith.constant 127 : i32
        %parallel_loop3A_1327 = arith.andi %parallel_loop3A_1303, %parallel_loop3A_1326 : i32
        %parallel_loop3A_1328 = arith.constant 16 : i32
        %parallel_loop3A_1329 = arith.muli %parallel_loop3A_1327, %parallel_loop3A_1328 : i32
        %parallel_loop3A_1330 = arith.index_cast %parallel_loop3A_1329 : i32 to index
        %parallel_loop3A_1331 = tpu.vector_load %arg12[%parallel_loop3A_1330] {strides = array<i32>} : memref<2048xf32, #tpu.memory_space<vmem>>, vector<16xf32>,
        %parallel_loop3A_1332 = arith.addf %parallel_loop3A_1324, %parallel_loop3A_1325 : vector<16xf32>
        %parallel_loop3A_1333 = arith.addf %parallel_loop3A_1332, %parallel_loop3A_1331 : vector<16xf32>
        %parallel_loop3A_1334 = arith.constant 16 : i32
        %parallel_loop3A_1335 = arith.muli %parallel_loop3A_1303, %parallel_loop3A_1334 : i32
        %parallel_loop3A_1336 = arith.index_cast %parallel_loop3A_1335 : i32 to index
        %parallel_loop3A_1337 = tpu.vector_load %arg17[%parallel_loop3A_1336] {strides = array<i32>} : memref<4096xf32, #tpu.memory_space<vmem>>, vector<16xf32>,
        tpu.vector_store %arg17[%parallel_loop3A_1336], %parallel_loop3A_1333 {strides = array<i32>} : memref<4096xf32, #tpu.memory_space<vmem>>, vector<16xf32>,
      } {sc.loop_unroll_factor = 16 : i64, sc.parallel_access}
      %mul3A_912 = arith.constant 2 : i32
      %mul3A_913 = arith.muli %mul3A_912, %add3A_892 : i32
      %add3A_914 = arith.constant 0 : i32
      %add3A_915 = arith.addi %mul3A_913, %add3A_914 : i32
      %mul3A_916 = arith.constant 2 : i32
      %mul3A_917 = arith.muli %add3A_915, %mul3A_916 : i32
      %add3A_918 = arith.constant 0 : i32
      %add3A_919 = arith.addi %mul3A_917, %add3A_918 : i32
      %mul3A_920 = arith.constant 32 : i32
      %mul3A_921 = arith.muli %add3A_919, %mul3A_920 : i32
      %add3A_922 = arith.addi %mul3A_921, %add3A : i32
      %mul3A_923 = arith.constant 1024 : i32
      %mul3A_924 = arith.muli %add3A_922, %mul3A_923 : i32
      %dma_start3A_925 = arith.constant 0 : i32
      %dma_start3A_926 = tpu.memref_slice %arg17[%dma_start3A_925] : memref<4096xf32, #tpu.memory_space<vmem>> -> memref<1024xf32, #tpu.memory_space<vmem>>
      %dma_start3A_927 = tpu.memref_slice %arg7[%mul3A_924] : memref<13107200xf32, #tpu.memory_space<hbm>> -> memref<1024xf32, #tpu.memory_space<hbm>>
      %dma_start3A_928 = tpu.memref_slice %arg7[%mul3A_924] : memref<13107200xf32, #tpu.memory_space<hbm>> -> memref<1024xf32, #tpu.memory_space<hbm>>
      %dma_start3A_929 = arith.constant 0 : i32
      %dma_start3A_930 = tpu.memref_slice %arg17[%dma_start3A_929] : memref<4096xf32, #tpu.memory_space<vmem>> -> memref<1024xf32, #tpu.memory_space<vmem>>
      tpu.enqueue_dma source(%dma_start3A_930 : memref<1024xf32, #tpu.memory_space<vmem>>) target(%dma_start3A_928 : memref<1024xf32, #tpu.memory_space<hbm>>) target_semaphore(%arg25 : memref<!tpu.dma_semaphore, #tpu.memory_space<semaphore_mem>>)
      %mul3A_931 = arith.constant 2 : i32
      %mul3A_932 = arith.muli %mul3A_931, %add3A_892 : i32
      %add3A_933 = arith.constant 0 : i32
      %add3A_934 = arith.addi %mul3A_932, %add3A_933 : i32
      %mul3A_935 = arith.constant 2 : i32
      %mul3A_936 = arith.muli %add3A_934, %mul3A_935 : i32
      %add3A_937 = arith.constant 1 : i32
      %add3A_938 = arith.addi %mul3A_936, %add3A_937 : i32
      %mul3A_939 = arith.constant 32 : i32
      %mul3A_940 = arith.muli %add3A_938, %mul3A_939 : i32
      %add3A_941 = arith.addi %mul3A_940, %add3A : i32
      %mul3A_942 = arith.constant 1024 : i32
      %mul3A_943 = arith.muli %add3A_941, %mul3A_942 : i32
      %dma_start3A_944 = arith.constant 1024 : i32
      %dma_start3A_945 = tpu.memref_slice %arg17[%dma_start3A_944] : memref<4096xf32, #tpu.memory_space<vmem>> -> memref<1024xf32, #tpu.memory_space<vmem>>
      %dma_start3A_946 = tpu.memref_slice %arg7[%mul3A_943] : memref<13107200xf32, #tpu.memory_space<hbm>> -> memref<1024xf32, #tpu.memory_space<hbm>>
      %dma_start3A_947 = tpu.memref_slice %arg7[%mul3A_943] : memref<13107200xf32, #tpu.memory_space<hbm>> -> memref<1024xf32, #tpu.memory_space<hbm>>
      %dma_start3A_948 = arith.constant 1024 : i32
      %dma_start3A_949 = tpu.memref_slice %arg17[%dma_start3A_948] : memref<4096xf32, #tpu.memory_space<vmem>> -> memref<1024xf32, #tpu.memory_space<vmem>>
      tpu.enqueue_dma source(%dma_start3A_949 : memref<1024xf32, #tpu.memory_space<vmem>>) target(%dma_start3A_947 : memref<1024xf32, #tpu.memory_space<hbm>>) target_semaphore(%arg25 : memref<!tpu.dma_semaphore, #tpu.memory_space<semaphore_mem>>)
      %mul3A_950 = arith.constant 2 : i32
      %mul3A_951 = arith.muli %mul3A_950, %add3A_892 : i32
      %add3A_952 = arith.constant 1 : i32
      %add3A_953 = arith.addi %mul3A_951, %add3A_952 : i32
      %mul3A_954 = arith.constant 2 : i32
      %mul3A_955 = arith.muli %add3A_953, %mul3A_954 : i32
      %add3A_956 = arith.constant 0 : i32
      %add3A_957 = arith.addi %mul3A_955, %add3A_956 : i32
      %mul3A_958 = arith.constant 32 : i32
      %mul3A_959 = arith.muli %add3A_957, %mul3A_958 : i32
      %add3A_960 = arith.addi %mul3A_959, %add3A : i32
      %mul3A_961 = arith.constant 1024 : i32
      %mul3A_962 = arith.muli %add3A_960, %mul3A_961 : i32
      %dma_start3A_963 = arith.constant 2048 : i32
      %dma_start3A_964 = tpu.memref_slice %arg17[%dma_start3A_963] : memref<4096xf32, #tpu.memory_space<vmem>> -> memref<1024xf32, #tpu.memory_space<vmem>>
      %dma_start3A_965 = tpu.memref_slice %arg7[%mul3A_962] : memref<13107200xf32, #tpu.memory_space<hbm>> -> memref<1024xf32, #tpu.memory_space<hbm>>
      %dma_start3A_966 = tpu.memref_slice %arg7[%mul3A_962] : memref<13107200xf32, #tpu.memory_space<hbm>> -> memref<1024xf32, #tpu.memory_space<hbm>>
      %dma_start3A_967 = arith.constant 2048 : i32
      %dma_start3A_968 = tpu.memref_slice %arg17[%dma_start3A_967] : memref<4096xf32, #tpu.memory_space<vmem>> -> memref<1024xf32, #tpu.memory_space<vmem>>
      tpu.enqueue_dma source(%dma_start3A_968 : memref<1024xf32, #tpu.memory_space<vmem>>) target(%dma_start3A_966 : memref<1024xf32, #tpu.memory_space<hbm>>) target_semaphore(%arg25 : memref<!tpu.dma_semaphore, #tpu.memory_space<semaphore_mem>>)
      %mul3A_969 = arith.constant 2 : i32
      %mul3A_970 = arith.muli %mul3A_969, %add3A_892 : i32
      %add3A_971 = arith.constant 1 : i32
      %add3A_972 = arith.addi %mul3A_970, %add3A_971 : i32
      %mul3A_973 = arith.constant 2 : i32
      %mul3A_974 = arith.muli %add3A_972, %mul3A_973 : i32
      %add3A_975 = arith.constant 1 : i32
      %add3A_976 = arith.addi %mul3A_974, %add3A_975 : i32
      %mul3A_977 = arith.constant 32 : i32
      %mul3A_978 = arith.muli %add3A_976, %mul3A_977 : i32
      %add3A_979 = arith.addi %mul3A_978, %add3A : i32
      %mul3A_980 = arith.constant 1024 : i32
      %mul3A_981 = arith.muli %add3A_979, %mul3A_980 : i32
      %dma_start3A_982 = arith.constant 3072 : i32
      %dma_start3A_983 = tpu.memref_slice %arg17[%dma_start3A_982] : memref<4096xf32, #tpu.memory_space<vmem>> -> memref<1024xf32, #tpu.memory_space<vmem>>
      %dma_start3A_984 = tpu.memref_slice %arg7[%mul3A_981] : memref<13107200xf32, #tpu.memory_space<hbm>> -> memref<1024xf32, #tpu.memory_space<hbm>>
      %dma_start3A_985 = tpu.memref_slice %arg7[%mul3A_981] : memref<13107200xf32, #tpu.memory_space<hbm>> -> memref<1024xf32, #tpu.memory_space<hbm>>
      %dma_start3A_986 = arith.constant 3072 : i32
      %dma_start3A_987 = tpu.memref_slice %arg17[%dma_start3A_986] : memref<4096xf32, #tpu.memory_space<vmem>> -> memref<1024xf32, #tpu.memory_space<vmem>>
      tpu.enqueue_dma source(%dma_start3A_987 : memref<1024xf32, #tpu.memory_space<vmem>>) target(%dma_start3A_985 : memref<1024xf32, #tpu.memory_space<hbm>>) target_semaphore(%arg25 : memref<!tpu.dma_semaphore, #tpu.memory_space<semaphore_mem>>)
      %mul3A_988 = arith.constant 4 : i32
      %mul3A_989 = arith.muli %scan3A_888, %mul3A_988 : i32
      %add3A_990 = arith.constant 1 : i32
      %add3A_991 = arith.addi %mul3A_989, %add3A_990 : i32
      %add3A_992 = arith.constant 4 : i32
      %add3A_993 = arith.addi %add3A_991, %add3A_992 : i32
      %sub3A_994 = arith.constant 1 : i32
      %sub3A_995 = arith.subi %add3A_993, %sub3A_994 : i32
      %lt3A_996 = arith.constant 100 : i32
      %lt3A_997 = arith.cmpi slt, %sub3A_995, %lt3A_996 : i32
      %convert_element_type3A_998 = arith.extui %lt3A_997 : i1 to i32
      %cond3A_999 = arith.constant 0 : i32
      %cond3A_1000 = arith.cmpi ne, %convert_element_type3A_998, %cond3A_999 : i32
      scf.if %cond3A_1000 {
        %add3A_1303 = arith.constant 4 : i32
        %add3A_1304 = arith.addi %add3A_991, %add3A_1303 : i32
        %sub3A_1305 = arith.constant 1 : i32
        %sub3A_1306 = arith.subi %add3A_1304, %sub3A_1305 : i32
        %mul3A_1307 = arith.constant 2 : i32
        %mul3A_1308 = arith.muli %mul3A_1307, %sub3A_1306 : i32
        %dma_start3A_1309 = arith.constant 0 : i32
        %dma_start3A_1310 = arith.constant 0 : i32
        %dma_start3A_1311 = tpu.memref_slice %arg13[%dma_start3A_1309, %dma_start3A_1310] : memref<256x16xf32, #tpu.memory_space<vmem>> -> memref<128x16xf32, #tpu.memory_space<vmem>>
        %dma_start3A_1312 = arith.constant 0 : i32
        %dma_start3A_1313 = tpu.memref_slice %arg8[%mul3A_1308, %dma_start3A_1312] : memref<200x128xi32, #tpu.memory_space<vmem>> -> memref<1x128xi32, #tpu.memory_space<vmem>>
        %dma_start3A_1314 = tpu.memref_squeeze %dma_start3A_1313 : memref<1x128xi32, #tpu.memory_space<vmem>> -> memref<128xi32, #tpu.memory_space<vmem>>
        %dma_start3A_1315 = arith.constant 0 : i32
        %dma_start3A_1316 = arith.constant 0 : i32
        %dma_start3A_1317 = tpu.memref_slice %arg2[%dma_start3A_1315, %dma_start3A_1316] : memref<102400x16xf32, #tpu.memory_space<hbm>> -> memref<102400x16xf32, #tpu.memory_space<hbm>>
        tpu.enqueue_indirect_dma source(%dma_start3A_1317 : memref<102400x16xf32, #tpu.memory_space<hbm>>) target(%dma_start3A_1311 : memref<128x16xf32, #tpu.memory_space<vmem>>) offsets(%dma_start3A_1314 : memref<128xi32, #tpu.memory_space<vmem>>) semaphore(%arg21 : memref<!tpu.dma_semaphore, #tpu.memory_space<semaphore_mem>>)
        %mul3A_1318 = arith.constant 2 : i32
        %mul3A_1319 = arith.muli %mul3A_1318, %sub3A_1306 : i32
        %add3A_1320 = arith.constant 1 : i32
        %add3A_1321 = arith.addi %mul3A_1319, %add3A_1320 : i32
        %dma_start3A_1322 = arith.constant 128 : i32
        %dma_start3A_1323 = arith.constant 0 : i32
        %dma_start3A_1324 = tpu.memref_slice %arg13[%dma_start3A_1322, %dma_start3A_1323] : memref<256x16xf32, #tpu.memory_space<vmem>> -> memref<128x16xf32, #tpu.memory_space<vmem>>
        %dma_start3A_1325 = arith.constant 0 : i32
        %dma_start3A_1326 = tpu.memref_slice %arg8[%add3A_1321, %dma_start3A_1325] : memref<200x128xi32, #tpu.memory_space<vmem>> -> memref<1x128xi32, #tpu.memory_space<vmem>>
        %dma_start3A_1327 = tpu.memref_squeeze %dma_start3A_1326 : memref<1x128xi32, #tpu.memory_space<vmem>> -> memref<128xi32, #tpu.memory_space<vmem>>
        %dma_start3A_1328 = arith.constant 0 : i32
        %dma_start3A_1329 = arith.constant 0 : i32
        %dma_start3A_1330 = tpu.memref_slice %arg2[%dma_start3A_1328, %dma_start3A_1329] : memref<102400x16xf32, #tpu.memory_space<hbm>> -> memref<102400x16xf32, #tpu.memory_space<hbm>>
        tpu.enqueue_indirect_dma source(%dma_start3A_1330 : memref<102400x16xf32, #tpu.memory_space<hbm>>) target(%dma_start3A_1324 : memref<128x16xf32, #tpu.memory_space<vmem>>) offsets(%dma_start3A_1327 : memref<128xi32, #tpu.memory_space<vmem>>) semaphore(%arg21 : memref<!tpu.dma_semaphore, #tpu.memory_space<semaphore_mem>>)
      } else {
      }
      %ge3A_1001 = arith.constant 4 : i32
      %ge3A_1002 = arith.cmpi sge, %add3A_991, %ge3A_1001 : i32
      %convert_element_type3A_1003 = arith.extui %ge3A_1002 : i1 to i32
      %cond3A_1004 = arith.constant 0 : i32
      %cond3A_1005 = arith.cmpi ne, %convert_element_type3A_1003, %cond3A_1004 : i32
      scf.if %cond3A_1005 {
        %dma_wait3A_1303 = arith.constant 0 : i32
        %dma_wait3A_1304 = tpu.memref_slice %arg7[%dma_wait3A_1303] : memref<13107200xf32, #tpu.memory_space<hbm>> -> memref<4096xf32, #tpu.memory_space<hbm>>
        %dma_wait3A_1305 = arith.constant 0 : i32
        %dma_wait3A_1306 = tpu.memref_slice %arg7[%dma_wait3A_1305] : memref<13107200xf32, #tpu.memory_space<hbm>> -> memref<4096xf32, #tpu.memory_space<hbm>>
        tpu.wait_dma2 semaphore(%arg26 : memref<!tpu.dma_semaphore, #tpu.memory_space<semaphore_mem>>) src(%arg18 : memref<4096xf32, #tpu.memory_space<vmem>>) dst(%dma_wait3A_1306 : memref<4096xf32, #tpu.memory_space<hbm>>)
      } else {
      }
      %dma_wait3A_1006 = arith.constant 0 : i32
      %dma_wait3A_1007 = arith.constant 0 : i32
      %dma_wait3A_1008 = tpu.memref_slice %arg2[%dma_wait3A_1006, %dma_wait3A_1007] : memref<102400x16xf32, #tpu.memory_space<hbm>> -> memref<256x16xf32, #tpu.memory_space<hbm>>
      %dma_wait3A_1009 = arith.constant 0 : i32
      %dma_wait3A_1010 = arith.constant 0 : i32
      %dma_wait3A_1011 = tpu.memref_slice %arg2[%dma_wait3A_1009, %dma_wait3A_1010] : memref<102400x16xf32, #tpu.memory_space<hbm>> -> memref<256x16xf32, #tpu.memory_space<hbm>>
      tpu.wait_dma2 semaphore(%arg22 : memref<!tpu.dma_semaphore, #tpu.memory_space<semaphore_mem>>) src(%dma_wait3A_1011 : memref<256x16xf32, #tpu.memory_space<hbm>>) dst(%arg14 : memref<256x16xf32, #tpu.memory_space<vmem>>)
      %mul3A_1012 = arith.constant 2 : i32
      %mul3A_1013 = arith.muli %mul3A_1012, %add3A_991 : i32
      %parallel_loop3A_1014 = arith.constant 0 : i32
      %parallel_loop3A_1015 = arith.constant 256 : i32
      %parallel_loop3A_1016 = arith.constant 1 : i32
      scf.for %parallel_loop3A_1303 = %parallel_loop3A_1014 to %parallel_loop3A_1015 step %parallel_loop3A_1016  : i32 {
        %parallel_loop3A_1304 = arith.constant 7 : i32
        %parallel_loop3A_1305 = arith.shrsi %parallel_loop3A_1303, %parallel_loop3A_1304 : i32
        %parallel_loop3A_1306 = arith.constant 3 : i32
        %parallel_loop3A_1307 = arith.shrsi %parallel_loop3A_1303, %parallel_loop3A_1306 : i32
        %parallel_loop3A_1308 = arith.constant 15 : i32
        %parallel_loop3A_1309 = arith.andi %parallel_loop3A_1307, %parallel_loop3A_1308 : i32
        %parallel_loop3A_1310 = arith.constant 7 : i32
        %parallel_loop3A_1311 = arith.andi %parallel_loop3A_1303, %parallel_loop3A_1310 : i32
        %parallel_loop3A_1312 = arith.constant 7 : i32
        %parallel_loop3A_1313 = arith.shli %parallel_loop3A_1305, %parallel_loop3A_1312 : i32
        %parallel_loop3A_1314 = arith.constant 4 : i32
        %parallel_loop3A_1315 = arith.shli %parallel_loop3A_1311, %parallel_loop3A_1314 : i32
        %parallel_loop3A_1316 = arith.addi %parallel_loop3A_1313, %parallel_loop3A_1315 : i32
        %parallel_loop3A_1317 = vector.broadcast %parallel_loop3A_1316 : i32 to vector<16xi32>
        %parallel_loop3A_1318 = arith.addi %iota3A, %parallel_loop3A_1317 : vector<16xi32>
        %parallel_loop3A_1319 = vector.broadcast %parallel_loop3A_1309 : i32 to vector<16xi32>
        %parallel_loop3A_1320 = arith.addi %mul3A_9, %parallel_loop3A_1319 : vector<16xi32>
        %parallel_loop3A_1321 = arith.addi %mul3A_1013, %parallel_loop3A_1305 : i32
        %parallel_loop3A_1322 = vector.broadcast %parallel_loop3A_1321 : i32 to vector<16xi32>
        %parallel_loop3A_1323 = arith.addi %mul3A_9, %parallel_loop3A_1322 : vector<16xi32>
        %parallel_loop3A_1324 = tpu.vector_load_idx %arg14[%parallel_loop3A_1318, %parallel_loop3A_1320] : memref<256x16xf32, #tpu.memory_space<vmem>>[vector<16xi32>, vector<16xi32>], vector<16xf32>,
        %parallel_loop3A_1325 = tpu.vector_load_idx %arg11[%parallel_loop3A_1323, %parallel_loop3A_1320] : memref<200x16xf32, #tpu.memory_space<vmem>>[vector<16xi32>, vector<16xi32>], vector<16xf32>,
        %parallel_loop3A_1326 = arith.constant 127 : i32
        %parallel_loop3A_1327 = arith.andi %parallel_loop3A_1303, %parallel_loop3A_1326 : i32
        %parallel_loop3A_1328 = arith.constant 16 : i32
        %parallel_loop3A_1329 = arith.muli %parallel_loop3A_1327, %parallel_loop3A_1328 : i32
        %parallel_loop3A_1330 = arith.index_cast %parallel_loop3A_1329 : i32 to index
        %parallel_loop3A_1331 = tpu.vector_load %arg12[%parallel_loop3A_1330] {strides = array<i32>} : memref<2048xf32, #tpu.memory_space<vmem>>, vector<16xf32>,
        %parallel_loop3A_1332 = arith.addf %parallel_loop3A_1324, %parallel_loop3A_1325 : vector<16xf32>
        %parallel_loop3A_1333 = arith.addf %parallel_loop3A_1332, %parallel_loop3A_1331 : vector<16xf32>
        %parallel_loop3A_1334 = arith.constant 16 : i32
        %parallel_loop3A_1335 = arith.muli %parallel_loop3A_1303, %parallel_loop3A_1334 : i32
        %parallel_loop3A_1336 = arith.index_cast %parallel_loop3A_1335 : i32 to index
        %parallel_loop3A_1337 = tpu.vector_load %arg18[%parallel_loop3A_1336] {strides = array<i32>} : memref<4096xf32, #tpu.memory_space<vmem>>, vector<16xf32>,
        tpu.vector_store %arg18[%parallel_loop3A_1336], %parallel_loop3A_1333 {strides = array<i32>} : memref<4096xf32, #tpu.memory_space<vmem>>, vector<16xf32>,
      } {sc.loop_unroll_factor = 16 : i64, sc.parallel_access}
      %mul3A_1017 = arith.constant 2 : i32
      %mul3A_1018 = arith.muli %mul3A_1017, %add3A_991 : i32
      %add3A_1019 = arith.constant 0 : i32
      %add3A_1020 = arith.addi %mul3A_1018, %add3A_1019 : i32
      %mul3A_1021 = arith.constant 2 : i32
      %mul3A_1022 = arith.muli %add3A_1020, %mul3A_1021 : i32
      %add3A_1023 = arith.constant 0 : i32
      %add3A_1024 = arith.addi %mul3A_1022, %add3A_1023 : i32
      %mul3A_1025 = arith.constant 32 : i32
      %mul3A_1026 = arith.muli %add3A_1024, %mul3A_1025 : i32
      %add3A_1027 = arith.addi %mul3A_1026, %add3A : i32
      %mul3A_1028 = arith.constant 1024 : i32
      %mul3A_1029 = arith.muli %add3A_1027, %mul3A_1028 : i32
      %dma_start3A_1030 = arith.constant 0 : i32
      %dma_start3A_1031 = tpu.memref_slice %arg18[%dma_start3A_1030] : memref<4096xf32, #tpu.memory_space<vmem>> -> memref<1024xf32, #tpu.memory_space<vmem>>
      %dma_start3A_1032 = tpu.memref_slice %arg7[%mul3A_1029] : memref<13107200xf32, #tpu.memory_space<hbm>> -> memref<1024xf32, #tpu.memory_space<hbm>>
      %dma_start3A_1033 = tpu.memref_slice %arg7[%mul3A_1029] : memref<13107200xf32, #tpu.memory_space<hbm>> -> memref<1024xf32, #tpu.memory_space<hbm>>
      %dma_start3A_1034 = arith.constant 0 : i32
      %dma_start3A_1035 = tpu.memref_slice %arg18[%dma_start3A_1034] : memref<4096xf32, #tpu.memory_space<vmem>> -> memref<1024xf32, #tpu.memory_space<vmem>>
      tpu.enqueue_dma source(%dma_start3A_1035 : memref<1024xf32, #tpu.memory_space<vmem>>) target(%dma_start3A_1033 : memref<1024xf32, #tpu.memory_space<hbm>>) target_semaphore(%arg26 : memref<!tpu.dma_semaphore, #tpu.memory_space<semaphore_mem>>)
      %mul3A_1036 = arith.constant 2 : i32
      %mul3A_1037 = arith.muli %mul3A_1036, %add3A_991 : i32
      %add3A_1038 = arith.constant 0 : i32
      %add3A_1039 = arith.addi %mul3A_1037, %add3A_1038 : i32
      %mul3A_1040 = arith.constant 2 : i32
      %mul3A_1041 = arith.muli %add3A_1039, %mul3A_1040 : i32
      %add3A_1042 = arith.constant 1 : i32
      %add3A_1043 = arith.addi %mul3A_1041, %add3A_1042 : i32
      %mul3A_1044 = arith.constant 32 : i32
      %mul3A_1045 = arith.muli %add3A_1043, %mul3A_1044 : i32
      %add3A_1046 = arith.addi %mul3A_1045, %add3A : i32
      %mul3A_1047 = arith.constant 1024 : i32
      %mul3A_1048 = arith.muli %add3A_1046, %mul3A_1047 : i32
      %dma_start3A_1049 = arith.constant 1024 : i32
      %dma_start3A_1050 = tpu.memref_slice %arg18[%dma_start3A_1049] : memref<4096xf32, #tpu.memory_space<vmem>> -> memref<1024xf32, #tpu.memory_space<vmem>>
      %dma_start3A_1051 = tpu.memref_slice %arg7[%mul3A_1048] : memref<13107200xf32, #tpu.memory_space<hbm>> -> memref<1024xf32, #tpu.memory_space<hbm>>
      %dma_start3A_1052 = tpu.memref_slice %arg7[%mul3A_1048] : memref<13107200xf32, #tpu.memory_space<hbm>> -> memref<1024xf32, #tpu.memory_space<hbm>>
      %dma_start3A_1053 = arith.constant 1024 : i32
      %dma_start3A_1054 = tpu.memref_slice %arg18[%dma_start3A_1053] : memref<4096xf32, #tpu.memory_space<vmem>> -> memref<1024xf32, #tpu.memory_space<vmem>>
      tpu.enqueue_dma source(%dma_start3A_1054 : memref<1024xf32, #tpu.memory_space<vmem>>) target(%dma_start3A_1052 : memref<1024xf32, #tpu.memory_space<hbm>>) target_semaphore(%arg26 : memref<!tpu.dma_semaphore, #tpu.memory_space<semaphore_mem>>)
      %mul3A_1055 = arith.constant 2 : i32
      %mul3A_1056 = arith.muli %mul3A_1055, %add3A_991 : i32
      %add3A_1057 = arith.constant 1 : i32
      %add3A_1058 = arith.addi %mul3A_1056, %add3A_1057 : i32
      %mul3A_1059 = arith.constant 2 : i32
      %mul3A_1060 = arith.muli %add3A_1058, %mul3A_1059 : i32
      %add3A_1061 = arith.constant 0 : i32
      %add3A_1062 = arith.addi %mul3A_1060, %add3A_1061 : i32
      %mul3A_1063 = arith.constant 32 : i32
      %mul3A_1064 = arith.muli %add3A_1062, %mul3A_1063 : i32
      %add3A_1065 = arith.addi %mul3A_1064, %add3A : i32
      %mul3A_1066 = arith.constant 1024 : i32
      %mul3A_1067 = arith.muli %add3A_1065, %mul3A_1066 : i32
      %dma_start3A_1068 = arith.constant 2048 : i32
      %dma_start3A_1069 = tpu.memref_slice %arg18[%dma_start3A_1068] : memref<4096xf32, #tpu.memory_space<vmem>> -> memref<1024xf32, #tpu.memory_space<vmem>>
      %dma_start3A_1070 = tpu.memref_slice %arg7[%mul3A_1067] : memref<13107200xf32, #tpu.memory_space<hbm>> -> memref<1024xf32, #tpu.memory_space<hbm>>
      %dma_start3A_1071 = tpu.memref_slice %arg7[%mul3A_1067] : memref<13107200xf32, #tpu.memory_space<hbm>> -> memref<1024xf32, #tpu.memory_space<hbm>>
      %dma_start3A_1072 = arith.constant 2048 : i32
      %dma_start3A_1073 = tpu.memref_slice %arg18[%dma_start3A_1072] : memref<4096xf32, #tpu.memory_space<vmem>> -> memref<1024xf32, #tpu.memory_space<vmem>>
      tpu.enqueue_dma source(%dma_start3A_1073 : memref<1024xf32, #tpu.memory_space<vmem>>) target(%dma_start3A_1071 : memref<1024xf32, #tpu.memory_space<hbm>>) target_semaphore(%arg26 : memref<!tpu.dma_semaphore, #tpu.memory_space<semaphore_mem>>)
      %mul3A_1074 = arith.constant 2 : i32
      %mul3A_1075 = arith.muli %mul3A_1074, %add3A_991 : i32
      %add3A_1076 = arith.constant 1 : i32
      %add3A_1077 = arith.addi %mul3A_1075, %add3A_1076 : i32
      %mul3A_1078 = arith.constant 2 : i32
      %mul3A_1079 = arith.muli %add3A_1077, %mul3A_1078 : i32
      %add3A_1080 = arith.constant 1 : i32
      %add3A_1081 = arith.addi %mul3A_1079, %add3A_1080 : i32
      %mul3A_1082 = arith.constant 32 : i32
      %mul3A_1083 = arith.muli %add3A_1081, %mul3A_1082 : i32
      %add3A_1084 = arith.addi %mul3A_1083, %add3A : i32
      %mul3A_1085 = arith.constant 1024 : i32
      %mul3A_1086 = arith.muli %add3A_1084, %mul3A_1085 : i32
      %dma_start3A_1087 = arith.constant 3072 : i32
      %dma_start3A_1088 = tpu.memref_slice %arg18[%dma_start3A_1087] : memref<4096xf32, #tpu.memory_space<vmem>> -> memref<1024xf32, #tpu.memory_space<vmem>>
      %dma_start3A_1089 = tpu.memref_slice %arg7[%mul3A_1086] : memref<13107200xf32, #tpu.memory_space<hbm>> -> memref<1024xf32, #tpu.memory_space<hbm>>
      %dma_start3A_1090 = tpu.memref_slice %arg7[%mul3A_1086] : memref<13107200xf32, #tpu.memory_space<hbm>> -> memref<1024xf32, #tpu.memory_space<hbm>>
      %dma_start3A_1091 = arith.constant 3072 : i32
      %dma_start3A_1092 = tpu.memref_slice %arg18[%dma_start3A_1091] : memref<4096xf32, #tpu.memory_space<vmem>> -> memref<1024xf32, #tpu.memory_space<vmem>>
      tpu.enqueue_dma source(%dma_start3A_1092 : memref<1024xf32, #tpu.memory_space<vmem>>) target(%dma_start3A_1090 : memref<1024xf32, #tpu.memory_space<hbm>>) target_semaphore(%arg26 : memref<!tpu.dma_semaphore, #tpu.memory_space<semaphore_mem>>)
      %mul3A_1093 = arith.constant 4 : i32
      %mul3A_1094 = arith.muli %scan3A_888, %mul3A_1093 : i32
      %add3A_1095 = arith.constant 2 : i32
      %add3A_1096 = arith.addi %mul3A_1094, %add3A_1095 : i32
      %add3A_1097 = arith.constant 4 : i32
      %add3A_1098 = arith.addi %add3A_1096, %add3A_1097 : i32
      %sub3A_1099 = arith.constant 1 : i32
      %sub3A_1100 = arith.subi %add3A_1098, %sub3A_1099 : i32
      %lt3A_1101 = arith.constant 100 : i32
      %lt3A_1102 = arith.cmpi slt, %sub3A_1100, %lt3A_1101 : i32
      %convert_element_type3A_1103 = arith.extui %lt3A_1102 : i1 to i32
      %cond3A_1104 = arith.constant 0 : i32
      %cond3A_1105 = arith.cmpi ne, %convert_element_type3A_1103, %cond3A_1104 : i32
      scf.if %cond3A_1105 {
        %add3A_1303 = arith.constant 4 : i32
        %add3A_1304 = arith.addi %add3A_1096, %add3A_1303 : i32
        %sub3A_1305 = arith.constant 1 : i32
        %sub3A_1306 = arith.subi %add3A_1304, %sub3A_1305 : i32
        %mul3A_1307 = arith.constant 2 : i32
        %mul3A_1308 = arith.muli %mul3A_1307, %sub3A_1306 : i32
        %dma_start3A_1309 = arith.constant 0 : i32
        %dma_start3A_1310 = arith.constant 0 : i32
        %dma_start3A_1311 = tpu.memref_slice %arg14[%dma_start3A_1309, %dma_start3A_1310] : memref<256x16xf32, #tpu.memory_space<vmem>> -> memref<128x16xf32, #tpu.memory_space<vmem>>
        %dma_start3A_1312 = arith.constant 0 : i32
        %dma_start3A_1313 = tpu.memref_slice %arg8[%mul3A_1308, %dma_start3A_1312] : memref<200x128xi32, #tpu.memory_space<vmem>> -> memref<1x128xi32, #tpu.memory_space<vmem>>
        %dma_start3A_1314 = tpu.memref_squeeze %dma_start3A_1313 : memref<1x128xi32, #tpu.memory_space<vmem>> -> memref<128xi32, #tpu.memory_space<vmem>>
        %dma_start3A_1315 = arith.constant 0 : i32
        %dma_start3A_1316 = arith.constant 0 : i32
        %dma_start3A_1317 = tpu.memref_slice %arg2[%dma_start3A_1315, %dma_start3A_1316] : memref<102400x16xf32, #tpu.memory_space<hbm>> -> memref<102400x16xf32, #tpu.memory_space<hbm>>
        tpu.enqueue_indirect_dma source(%dma_start3A_1317 : memref<102400x16xf32, #tpu.memory_space<hbm>>) target(%dma_start3A_1311 : memref<128x16xf32, #tpu.memory_space<vmem>>) offsets(%dma_start3A_1314 : memref<128xi32, #tpu.memory_space<vmem>>) semaphore(%arg22 : memref<!tpu.dma_semaphore, #tpu.memory_space<semaphore_mem>>)
        %mul3A_1318 = arith.constant 2 : i32
        %mul3A_1319 = arith.muli %mul3A_1318, %sub3A_1306 : i32
        %add3A_1320 = arith.constant 1 : i32
        %add3A_1321 = arith.addi %mul3A_1319, %add3A_1320 : i32
        %dma_start3A_1322 = arith.constant 128 : i32
        %dma_start3A_1323 = arith.constant 0 : i32
        %dma_start3A_1324 = tpu.memref_slice %arg14[%dma_start3A_1322, %dma_start3A_1323] : memref<256x16xf32, #tpu.memory_space<vmem>> -> memref<128x16xf32, #tpu.memory_space<vmem>>
        %dma_start3A_1325 = arith.constant 0 : i32
        %dma_start3A_1326 = tpu.memref_slice %arg8[%add3A_1321, %dma_start3A_1325] : memref<200x128xi32, #tpu.memory_space<vmem>> -> memref<1x128xi32, #tpu.memory_space<vmem>>
        %dma_start3A_1327 = tpu.memref_squeeze %dma_start3A_1326 : memref<1x128xi32, #tpu.memory_space<vmem>> -> memref<128xi32, #tpu.memory_space<vmem>>
        %dma_start3A_1328 = arith.constant 0 : i32
        %dma_start3A_1329 = arith.constant 0 : i32
        %dma_start3A_1330 = tpu.memref_slice %arg2[%dma_start3A_1328, %dma_start3A_1329] : memref<102400x16xf32, #tpu.memory_space<hbm>> -> memref<102400x16xf32, #tpu.memory_space<hbm>>
        tpu.enqueue_indirect_dma source(%dma_start3A_1330 : memref<102400x16xf32, #tpu.memory_space<hbm>>) target(%dma_start3A_1324 : memref<128x16xf32, #tpu.memory_space<vmem>>) offsets(%dma_start3A_1327 : memref<128xi32, #tpu.memory_space<vmem>>) semaphore(%arg22 : memref<!tpu.dma_semaphore, #tpu.memory_space<semaphore_mem>>)
      } else {
      }
      %ge3A_1106 = arith.constant 4 : i32
      %ge3A_1107 = arith.cmpi sge, %add3A_1096, %ge3A_1106 : i32
      %convert_element_type3A_1108 = arith.extui %ge3A_1107 : i1 to i32
      %cond3A_1109 = arith.constant 0 : i32
      %cond3A_1110 = arith.cmpi ne, %convert_element_type3A_1108, %cond3A_1109 : i32
      scf.if %cond3A_1110 {
        %dma_wait3A_1303 = arith.constant 0 : i32
        %dma_wait3A_1304 = tpu.memref_slice %arg7[%dma_wait3A_1303] : memref<13107200xf32, #tpu.memory_space<hbm>> -> memref<4096xf32, #tpu.memory_space<hbm>>
        %dma_wait3A_1305 = arith.constant 0 : i32
        %dma_wait3A_1306 = tpu.memref_slice %arg7[%dma_wait3A_1305] : memref<13107200xf32, #tpu.memory_space<hbm>> -> memref<4096xf32, #tpu.memory_space<hbm>>
        tpu.wait_dma2 semaphore(%arg27 : memref<!tpu.dma_semaphore, #tpu.memory_space<semaphore_mem>>) src(%arg19 : memref<4096xf32, #tpu.memory_space<vmem>>) dst(%dma_wait3A_1306 : memref<4096xf32, #tpu.memory_space<hbm>>)
      } else {
      }
      %dma_wait3A_1111 = arith.constant 0 : i32
      %dma_wait3A_1112 = arith.constant 0 : i32
      %dma_wait3A_1113 = tpu.memref_slice %arg2[%dma_wait3A_1111, %dma_wait3A_1112] : memref<102400x16xf32, #tpu.memory_space<hbm>> -> memref<256x16xf32, #tpu.memory_space<hbm>>
      %dma_wait3A_1114 = arith.constant 0 : i32
      %dma_wait3A_1115 = arith.constant 0 : i32
      %dma_wait3A_1116 = tpu.memref_slice %arg2[%dma_wait3A_1114, %dma_wait3A_1115] : memref<102400x16xf32, #tpu.memory_space<hbm>> -> memref<256x16xf32, #tpu.memory_space<hbm>>
      tpu.wait_dma2 semaphore(%arg23 : memref<!tpu.dma_semaphore, #tpu.memory_space<semaphore_mem>>) src(%dma_wait3A_1116 : memref<256x16xf32, #tpu.memory_space<hbm>>) dst(%arg15 : memref<256x16xf32, #tpu.memory_space<vmem>>)
      %mul3A_1117 = arith.constant 2 : i32
      %mul3A_1118 = arith.muli %mul3A_1117, %add3A_1096 : i32
      %parallel_loop3A_1119 = arith.constant 0 : i32
      %parallel_loop3A_1120 = arith.constant 256 : i32
      %parallel_loop3A_1121 = arith.constant 1 : i32
      scf.for %parallel_loop3A_1303 = %parallel_loop3A_1119 to %parallel_loop3A_1120 step %parallel_loop3A_1121  : i32 {
        %parallel_loop3A_1304 = arith.constant 7 : i32
        %parallel_loop3A_1305 = arith.shrsi %parallel_loop3A_1303, %parallel_loop3A_1304 : i32
        %parallel_loop3A_1306 = arith.constant 3 : i32
        %parallel_loop3A_1307 = arith.shrsi %parallel_loop3A_1303, %parallel_loop3A_1306 : i32
        %parallel_loop3A_1308 = arith.constant 15 : i32
        %parallel_loop3A_1309 = arith.andi %parallel_loop3A_1307, %parallel_loop3A_1308 : i32
        %parallel_loop3A_1310 = arith.constant 7 : i32
        %parallel_loop3A_1311 = arith.andi %parallel_loop3A_1303, %parallel_loop3A_1310 : i32
        %parallel_loop3A_1312 = arith.constant 7 : i32
        %parallel_loop3A_1313 = arith.shli %parallel_loop3A_1305, %parallel_loop3A_1312 : i32
        %parallel_loop3A_1314 = arith.constant 4 : i32
        %parallel_loop3A_1315 = arith.shli %parallel_loop3A_1311, %parallel_loop3A_1314 : i32
        %parallel_loop3A_1316 = arith.addi %parallel_loop3A_1313, %parallel_loop3A_1315 : i32
        %parallel_loop3A_1317 = vector.broadcast %parallel_loop3A_1316 : i32 to vector<16xi32>
        %parallel_loop3A_1318 = arith.addi %iota3A, %parallel_loop3A_1317 : vector<16xi32>
        %parallel_loop3A_1319 = vector.broadcast %parallel_loop3A_1309 : i32 to vector<16xi32>
        %parallel_loop3A_1320 = arith.addi %mul3A_9, %parallel_loop3A_1319 : vector<16xi32>
        %parallel_loop3A_1321 = arith.addi %mul3A_1118, %parallel_loop3A_1305 : i32
        %parallel_loop3A_1322 = vector.broadcast %parallel_loop3A_1321 : i32 to vector<16xi32>
        %parallel_loop3A_1323 = arith.addi %mul3A_9, %parallel_loop3A_1322 : vector<16xi32>
        %parallel_loop3A_1324 = tpu.vector_load_idx %arg15[%parallel_loop3A_1318, %parallel_loop3A_1320] : memref<256x16xf32, #tpu.memory_space<vmem>>[vector<16xi32>, vector<16xi32>], vector<16xf32>,
        %parallel_loop3A_1325 = tpu.vector_load_idx %arg11[%parallel_loop3A_1323, %parallel_loop3A_1320] : memref<200x16xf32, #tpu.memory_space<vmem>>[vector<16xi32>, vector<16xi32>], vector<16xf32>,
        %parallel_loop3A_1326 = arith.constant 127 : i32
        %parallel_loop3A_1327 = arith.andi %parallel_loop3A_1303, %parallel_loop3A_1326 : i32
        %parallel_loop3A_1328 = arith.constant 16 : i32
        %parallel_loop3A_1329 = arith.muli %parallel_loop3A_1327, %parallel_loop3A_1328 : i32
        %parallel_loop3A_1330 = arith.index_cast %parallel_loop3A_1329 : i32 to index
        %parallel_loop3A_1331 = tpu.vector_load %arg12[%parallel_loop3A_1330] {strides = array<i32>} : memref<2048xf32, #tpu.memory_space<vmem>>, vector<16xf32>,
        %parallel_loop3A_1332 = arith.addf %parallel_loop3A_1324, %parallel_loop3A_1325 : vector<16xf32>
        %parallel_loop3A_1333 = arith.addf %parallel_loop3A_1332, %parallel_loop3A_1331 : vector<16xf32>
        %parallel_loop3A_1334 = arith.constant 16 : i32
        %parallel_loop3A_1335 = arith.muli %parallel_loop3A_1303, %parallel_loop3A_1334 : i32
        %parallel_loop3A_1336 = arith.index_cast %parallel_loop3A_1335 : i32 to index
        %parallel_loop3A_1337 = tpu.vector_load %arg19[%parallel_loop3A_1336] {strides = array<i32>} : memref<4096xf32, #tpu.memory_space<vmem>>, vector<16xf32>,
        tpu.vector_store %arg19[%parallel_loop3A_1336], %parallel_loop3A_1333 {strides = array<i32>} : memref<4096xf32, #tpu.memory_space<vmem>>, vector<16xf32>,
      } {sc.loop_unroll_factor = 16 : i64, sc.parallel_access}
      %mul3A_1122 = arith.constant 2 : i32
      %mul3A_1123 = arith.muli %mul3A_1122, %add3A_1096 : i32
      %add3A_1124 = arith.constant 0 : i32
      %add3A_1125 = arith.addi %mul3A_1123, %add3A_1124 : i32
      %mul3A_1126 = arith.constant 2 : i32
      %mul3A_1127 = arith.muli %add3A_1125, %mul3A_1126 : i32
      %add3A_1128 = arith.constant 0 : i32
      %add3A_1129 = arith.addi %mul3A_1127, %add3A_1128 : i32
      %mul3A_1130 = arith.constant 32 : i32
      %mul3A_1131 = arith.muli %add3A_1129, %mul3A_1130 : i32
      %add3A_1132 = arith.addi %mul3A_1131, %add3A : i32
      %mul3A_1133 = arith.constant 1024 : i32
      %mul3A_1134 = arith.muli %add3A_1132, %mul3A_1133 : i32
      %dma_start3A_1135 = arith.constant 0 : i32
      %dma_start3A_1136 = tpu.memref_slice %arg19[%dma_start3A_1135] : memref<4096xf32, #tpu.memory_space<vmem>> -> memref<1024xf32, #tpu.memory_space<vmem>>
      %dma_start3A_1137 = tpu.memref_slice %arg7[%mul3A_1134] : memref<13107200xf32, #tpu.memory_space<hbm>> -> memref<1024xf32, #tpu.memory_space<hbm>>
      %dma_start3A_1138 = tpu.memref_slice %arg7[%mul3A_1134] : memref<13107200xf32, #tpu.memory_space<hbm>> -> memref<1024xf32, #tpu.memory_space<hbm>>
      %dma_start3A_1139 = arith.constant 0 : i32
      %dma_start3A_1140 = tpu.memref_slice %arg19[%dma_start3A_1139] : memref<4096xf32, #tpu.memory_space<vmem>> -> memref<1024xf32, #tpu.memory_space<vmem>>
      tpu.enqueue_dma source(%dma_start3A_1140 : memref<1024xf32, #tpu.memory_space<vmem>>) target(%dma_start3A_1138 : memref<1024xf32, #tpu.memory_space<hbm>>) target_semaphore(%arg27 : memref<!tpu.dma_semaphore, #tpu.memory_space<semaphore_mem>>)
      %mul3A_1141 = arith.constant 2 : i32
      %mul3A_1142 = arith.muli %mul3A_1141, %add3A_1096 : i32
      %add3A_1143 = arith.constant 0 : i32
      %add3A_1144 = arith.addi %mul3A_1142, %add3A_1143 : i32
      %mul3A_1145 = arith.constant 2 : i32
      %mul3A_1146 = arith.muli %add3A_1144, %mul3A_1145 : i32
      %add3A_1147 = arith.constant 1 : i32
      %add3A_1148 = arith.addi %mul3A_1146, %add3A_1147 : i32
      %mul3A_1149 = arith.constant 32 : i32
      %mul3A_1150 = arith.muli %add3A_1148, %mul3A_1149 : i32
      %add3A_1151 = arith.addi %mul3A_1150, %add3A : i32
      %mul3A_1152 = arith.constant 1024 : i32
      %mul3A_1153 = arith.muli %add3A_1151, %mul3A_1152 : i32
      %dma_start3A_1154 = arith.constant 1024 : i32
      %dma_start3A_1155 = tpu.memref_slice %arg19[%dma_start3A_1154] : memref<4096xf32, #tpu.memory_space<vmem>> -> memref<1024xf32, #tpu.memory_space<vmem>>
      %dma_start3A_1156 = tpu.memref_slice %arg7[%mul3A_1153] : memref<13107200xf32, #tpu.memory_space<hbm>> -> memref<1024xf32, #tpu.memory_space<hbm>>
      %dma_start3A_1157 = tpu.memref_slice %arg7[%mul3A_1153] : memref<13107200xf32, #tpu.memory_space<hbm>> -> memref<1024xf32, #tpu.memory_space<hbm>>
      %dma_start3A_1158 = arith.constant 1024 : i32
      %dma_start3A_1159 = tpu.memref_slice %arg19[%dma_start3A_1158] : memref<4096xf32, #tpu.memory_space<vmem>> -> memref<1024xf32, #tpu.memory_space<vmem>>
      tpu.enqueue_dma source(%dma_start3A_1159 : memref<1024xf32, #tpu.memory_space<vmem>>) target(%dma_start3A_1157 : memref<1024xf32, #tpu.memory_space<hbm>>) target_semaphore(%arg27 : memref<!tpu.dma_semaphore, #tpu.memory_space<semaphore_mem>>)
      %mul3A_1160 = arith.constant 2 : i32
      %mul3A_1161 = arith.muli %mul3A_1160, %add3A_1096 : i32
      %add3A_1162 = arith.constant 1 : i32
      %add3A_1163 = arith.addi %mul3A_1161, %add3A_1162 : i32
      %mul3A_1164 = arith.constant 2 : i32
      %mul3A_1165 = arith.muli %add3A_1163, %mul3A_1164 : i32
      %add3A_1166 = arith.constant 0 : i32
      %add3A_1167 = arith.addi %mul3A_1165, %add3A_1166 : i32
      %mul3A_1168 = arith.constant 32 : i32
      %mul3A_1169 = arith.muli %add3A_1167, %mul3A_1168 : i32
      %add3A_1170 = arith.addi %mul3A_1169, %add3A : i32
      %mul3A_1171 = arith.constant 1024 : i32
      %mul3A_1172 = arith.muli %add3A_1170, %mul3A_1171 : i32
      %dma_start3A_1173 = arith.constant 2048 : i32
      %dma_start3A_1174 = tpu.memref_slice %arg19[%dma_start3A_1173] : memref<4096xf32, #tpu.memory_space<vmem>> -> memref<1024xf32, #tpu.memory_space<vmem>>
      %dma_start3A_1175 = tpu.memref_slice %arg7[%mul3A_1172] : memref<13107200xf32, #tpu.memory_space<hbm>> -> memref<1024xf32, #tpu.memory_space<hbm>>
      %dma_start3A_1176 = tpu.memref_slice %arg7[%mul3A_1172] : memref<13107200xf32, #tpu.memory_space<hbm>> -> memref<1024xf32, #tpu.memory_space<hbm>>
      %dma_start3A_1177 = arith.constant 2048 : i32
      %dma_start3A_1178 = tpu.memref_slice %arg19[%dma_start3A_1177] : memref<4096xf32, #tpu.memory_space<vmem>> -> memref<1024xf32, #tpu.memory_space<vmem>>
      tpu.enqueue_dma source(%dma_start3A_1178 : memref<1024xf32, #tpu.memory_space<vmem>>) target(%dma_start3A_1176 : memref<1024xf32, #tpu.memory_space<hbm>>) target_semaphore(%arg27 : memref<!tpu.dma_semaphore, #tpu.memory_space<semaphore_mem>>)
      %mul3A_1179 = arith.constant 2 : i32
      %mul3A_1180 = arith.muli %mul3A_1179, %add3A_1096 : i32
      %add3A_1181 = arith.constant 1 : i32
      %add3A_1182 = arith.addi %mul3A_1180, %add3A_1181 : i32
      %mul3A_1183 = arith.constant 2 : i32
      %mul3A_1184 = arith.muli %add3A_1182, %mul3A_1183 : i32
      %add3A_1185 = arith.constant 1 : i32
      %add3A_1186 = arith.addi %mul3A_1184, %add3A_1185 : i32
      %mul3A_1187 = arith.constant 32 : i32
      %mul3A_1188 = arith.muli %add3A_1186, %mul3A_1187 : i32
      %add3A_1189 = arith.addi %mul3A_1188, %add3A : i32
      %mul3A_1190 = arith.constant 1024 : i32
      %mul3A_1191 = arith.muli %add3A_1189, %mul3A_1190 : i32
      %dma_start3A_1192 = arith.constant 3072 : i32
      %dma_start3A_1193 = tpu.memref_slice %arg19[%dma_start3A_1192] : memref<4096xf32, #tpu.memory_space<vmem>> -> memref<1024xf32, #tpu.memory_space<vmem>>
      %dma_start3A_1194 = tpu.memref_slice %arg7[%mul3A_1191] : memref<13107200xf32, #tpu.memory_space<hbm>> -> memref<1024xf32, #tpu.memory_space<hbm>>
      %dma_start3A_1195 = tpu.memref_slice %arg7[%mul3A_1191] : memref<13107200xf32, #tpu.memory_space<hbm>> -> memref<1024xf32, #tpu.memory_space<hbm>>
      %dma_start3A_1196 = arith.constant 3072 : i32
      %dma_start3A_1197 = tpu.memref_slice %arg19[%dma_start3A_1196] : memref<4096xf32, #tpu.memory_space<vmem>> -> memref<1024xf32, #tpu.memory_space<vmem>>
      tpu.enqueue_dma source(%dma_start3A_1197 : memref<1024xf32, #tpu.memory_space<vmem>>) target(%dma_start3A_1195 : memref<1024xf32, #tpu.memory_space<hbm>>) target_semaphore(%arg27 : memref<!tpu.dma_semaphore, #tpu.memory_space<semaphore_mem>>)
      %mul3A_1198 = arith.constant 4 : i32
      %mul3A_1199 = arith.muli %scan3A_888, %mul3A_1198 : i32
      %add3A_1200 = arith.constant 3 : i32
      %add3A_1201 = arith.addi %mul3A_1199, %add3A_1200 : i32
      %add3A_1202 = arith.constant 4 : i32
      %add3A_1203 = arith.addi %add3A_1201, %add3A_1202 : i32
      %sub3A_1204 = arith.constant 1 : i32
      %sub3A_1205 = arith.subi %add3A_1203, %sub3A_1204 : i32
      %lt3A_1206 = arith.constant 100 : i32
      %lt3A_1207 = arith.cmpi slt, %sub3A_1205, %lt3A_1206 : i32
      %convert_element_type3A_1208 = arith.extui %lt3A_1207 : i1 to i32
      %cond3A_1209 = arith.constant 0 : i32
      %cond3A_1210 = arith.cmpi ne, %convert_element_type3A_1208, %cond3A_1209 : i32
      scf.if %cond3A_1210 {
        %add3A_1303 = arith.constant 4 : i32
        %add3A_1304 = arith.addi %add3A_1201, %add3A_1303 : i32
        %sub3A_1305 = arith.constant 1 : i32
        %sub3A_1306 = arith.subi %add3A_1304, %sub3A_1305 : i32
        %mul3A_1307 = arith.constant 2 : i32
        %mul3A_1308 = arith.muli %mul3A_1307, %sub3A_1306 : i32
        %dma_start3A_1309 = arith.constant 0 : i32
        %dma_start3A_1310 = arith.constant 0 : i32
        %dma_start3A_1311 = tpu.memref_slice %arg15[%dma_start3A_1309, %dma_start3A_1310] : memref<256x16xf32, #tpu.memory_space<vmem>> -> memref<128x16xf32, #tpu.memory_space<vmem>>
        %dma_start3A_1312 = arith.constant 0 : i32
        %dma_start3A_1313 = tpu.memref_slice %arg8[%mul3A_1308, %dma_start3A_1312] : memref<200x128xi32, #tpu.memory_space<vmem>> -> memref<1x128xi32, #tpu.memory_space<vmem>>
        %dma_start3A_1314 = tpu.memref_squeeze %dma_start3A_1313 : memref<1x128xi32, #tpu.memory_space<vmem>> -> memref<128xi32, #tpu.memory_space<vmem>>
        %dma_start3A_1315 = arith.constant 0 : i32
        %dma_start3A_1316 = arith.constant 0 : i32
        %dma_start3A_1317 = tpu.memref_slice %arg2[%dma_start3A_1315, %dma_start3A_1316] : memref<102400x16xf32, #tpu.memory_space<hbm>> -> memref<102400x16xf32, #tpu.memory_space<hbm>>
        tpu.enqueue_indirect_dma source(%dma_start3A_1317 : memref<102400x16xf32, #tpu.memory_space<hbm>>) target(%dma_start3A_1311 : memref<128x16xf32, #tpu.memory_space<vmem>>) offsets(%dma_start3A_1314 : memref<128xi32, #tpu.memory_space<vmem>>) semaphore(%arg23 : memref<!tpu.dma_semaphore, #tpu.memory_space<semaphore_mem>>)
        %mul3A_1318 = arith.constant 2 : i32
        %mul3A_1319 = arith.muli %mul3A_1318, %sub3A_1306 : i32
        %add3A_1320 = arith.constant 1 : i32
        %add3A_1321 = arith.addi %mul3A_1319, %add3A_1320 : i32
        %dma_start3A_1322 = arith.constant 128 : i32
        %dma_start3A_1323 = arith.constant 0 : i32
        %dma_start3A_1324 = tpu.memref_slice %arg15[%dma_start3A_1322, %dma_start3A_1323] : memref<256x16xf32, #tpu.memory_space<vmem>> -> memref<128x16xf32, #tpu.memory_space<vmem>>
        %dma_start3A_1325 = arith.constant 0 : i32
        %dma_start3A_1326 = tpu.memref_slice %arg8[%add3A_1321, %dma_start3A_1325] : memref<200x128xi32, #tpu.memory_space<vmem>> -> memref<1x128xi32, #tpu.memory_space<vmem>>
        %dma_start3A_1327 = tpu.memref_squeeze %dma_start3A_1326 : memref<1x128xi32, #tpu.memory_space<vmem>> -> memref<128xi32, #tpu.memory_space<vmem>>
        %dma_start3A_1328 = arith.constant 0 : i32
        %dma_start3A_1329 = arith.constant 0 : i32
        %dma_start3A_1330 = tpu.memref_slice %arg2[%dma_start3A_1328, %dma_start3A_1329] : memref<102400x16xf32, #tpu.memory_space<hbm>> -> memref<102400x16xf32, #tpu.memory_space<hbm>>
        tpu.enqueue_indirect_dma source(%dma_start3A_1330 : memref<102400x16xf32, #tpu.memory_space<hbm>>) target(%dma_start3A_1324 : memref<128x16xf32, #tpu.memory_space<vmem>>) offsets(%dma_start3A_1327 : memref<128xi32, #tpu.memory_space<vmem>>) semaphore(%arg23 : memref<!tpu.dma_semaphore, #tpu.memory_space<semaphore_mem>>)
      } else {
      }
      %ge3A_1211 = arith.constant 4 : i32
      %ge3A_1212 = arith.cmpi sge, %add3A_1201, %ge3A_1211 : i32
      %convert_element_type3A_1213 = arith.extui %ge3A_1212 : i1 to i32
      %cond3A_1214 = arith.constant 0 : i32
      %cond3A_1215 = arith.cmpi ne, %convert_element_type3A_1213, %cond3A_1214 : i32
      scf.if %cond3A_1215 {
        %dma_wait3A_1303 = arith.constant 0 : i32
        %dma_wait3A_1304 = tpu.memref_slice %arg7[%dma_wait3A_1303] : memref<13107200xf32, #tpu.memory_space<hbm>> -> memref<4096xf32, #tpu.memory_space<hbm>>
        %dma_wait3A_1305 = arith.constant 0 : i32
        %dma_wait3A_1306 = tpu.memref_slice %arg7[%dma_wait3A_1305] : memref<13107200xf32, #tpu.memory_space<hbm>> -> memref<4096xf32, #tpu.memory_space<hbm>>
        tpu.wait_dma2 semaphore(%arg28 : memref<!tpu.dma_semaphore, #tpu.memory_space<semaphore_mem>>) src(%arg20 : memref<4096xf32, #tpu.memory_space<vmem>>) dst(%dma_wait3A_1306 : memref<4096xf32, #tpu.memory_space<hbm>>)
      } else {
      }
      %dma_wait3A_1216 = arith.constant 0 : i32
      %dma_wait3A_1217 = arith.constant 0 : i32
      %dma_wait3A_1218 = tpu.memref_slice %arg2[%dma_wait3A_1216, %dma_wait3A_1217] : memref<102400x16xf32, #tpu.memory_space<hbm>> -> memref<256x16xf32, #tpu.memory_space<hbm>>
      %dma_wait3A_1219 = arith.constant 0 : i32
      %dma_wait3A_1220 = arith.constant 0 : i32
      %dma_wait3A_1221 = tpu.memref_slice %arg2[%dma_wait3A_1219, %dma_wait3A_1220] : memref<102400x16xf32, #tpu.memory_space<hbm>> -> memref<256x16xf32, #tpu.memory_space<hbm>>
      tpu.wait_dma2 semaphore(%arg24 : memref<!tpu.dma_semaphore, #tpu.memory_space<semaphore_mem>>) src(%dma_wait3A_1221 : memref<256x16xf32, #tpu.memory_space<hbm>>) dst(%arg16 : memref<256x16xf32, #tpu.memory_space<vmem>>)
      %mul3A_1222 = arith.constant 2 : i32
      %mul3A_1223 = arith.muli %mul3A_1222, %add3A_1201 : i32
      %parallel_loop3A_1224 = arith.constant 0 : i32
      %parallel_loop3A_1225 = arith.constant 256 : i32
      %parallel_loop3A_1226 = arith.constant 1 : i32
      scf.for %parallel_loop3A_1303 = %parallel_loop3A_1224 to %parallel_loop3A_1225 step %parallel_loop3A_1226  : i32 {
        %parallel_loop3A_1304 = arith.constant 7 : i32
        %parallel_loop3A_1305 = arith.shrsi %parallel_loop3A_1303, %parallel_loop3A_1304 : i32
        %parallel_loop3A_1306 = arith.constant 3 : i32
        %parallel_loop3A_1307 = arith.shrsi %parallel_loop3A_1303, %parallel_loop3A_1306 : i32
        %parallel_loop3A_1308 = arith.constant 15 : i32
        %parallel_loop3A_1309 = arith.andi %parallel_loop3A_1307, %parallel_loop3A_1308 : i32
        %parallel_loop3A_1310 = arith.constant 7 : i32
        %parallel_loop3A_1311 = arith.andi %parallel_loop3A_1303, %parallel_loop3A_1310 : i32
        %parallel_loop3A_1312 = arith.constant 7 : i32
        %parallel_loop3A_1313 = arith.shli %parallel_loop3A_1305, %parallel_loop3A_1312 : i32
        %parallel_loop3A_1314 = arith.constant 4 : i32
        %parallel_loop3A_1315 = arith.shli %parallel_loop3A_1311, %parallel_loop3A_1314 : i32
        %parallel_loop3A_1316 = arith.addi %parallel_loop3A_1313, %parallel_loop3A_1315 : i32
        %parallel_loop3A_1317 = vector.broadcast %parallel_loop3A_1316 : i32 to vector<16xi32>
        %parallel_loop3A_1318 = arith.addi %iota3A, %parallel_loop3A_1317 : vector<16xi32>
        %parallel_loop3A_1319 = vector.broadcast %parallel_loop3A_1309 : i32 to vector<16xi32>
        %parallel_loop3A_1320 = arith.addi %mul3A_9, %parallel_loop3A_1319 : vector<16xi32>
        %parallel_loop3A_1321 = arith.addi %mul3A_1223, %parallel_loop3A_1305 : i32
        %parallel_loop3A_1322 = vector.broadcast %parallel_loop3A_1321 : i32 to vector<16xi32>
        %parallel_loop3A_1323 = arith.addi %mul3A_9, %parallel_loop3A_1322 : vector<16xi32>
        %parallel_loop3A_1324 = tpu.vector_load_idx %arg16[%parallel_loop3A_1318, %parallel_loop3A_1320] : memref<256x16xf32, #tpu.memory_space<vmem>>[vector<16xi32>, vector<16xi32>], vector<16xf32>,
        %parallel_loop3A_1325 = tpu.vector_load_idx %arg11[%parallel_loop3A_1323, %parallel_loop3A_1320] : memref<200x16xf32, #tpu.memory_space<vmem>>[vector<16xi32>, vector<16xi32>], vector<16xf32>,
        %parallel_loop3A_1326 = arith.constant 127 : i32
        %parallel_loop3A_1327 = arith.andi %parallel_loop3A_1303, %parallel_loop3A_1326 : i32
        %parallel_loop3A_1328 = arith.constant 16 : i32
        %parallel_loop3A_1329 = arith.muli %parallel_loop3A_1327, %parallel_loop3A_1328 : i32
        %parallel_loop3A_1330 = arith.index_cast %parallel_loop3A_1329 : i32 to index
        %parallel_loop3A_1331 = tpu.vector_load %arg12[%parallel_loop3A_1330] {strides = array<i32>} : memref<2048xf32, #tpu.memory_space<vmem>>, vector<16xf32>,
        %parallel_loop3A_1332 = arith.addf %parallel_loop3A_1324, %parallel_loop3A_1325 : vector<16xf32>
        %parallel_loop3A_1333 = arith.addf %parallel_loop3A_1332, %parallel_loop3A_1331 : vector<16xf32>
        %parallel_loop3A_1334 = arith.constant 16 : i32
        %parallel_loop3A_1335 = arith.muli %parallel_loop3A_1303, %parallel_loop3A_1334 : i32
        %parallel_loop3A_1336 = arith.index_cast %parallel_loop3A_1335 : i32 to index
        %parallel_loop3A_1337 = tpu.vector_load %arg20[%parallel_loop3A_1336] {strides = array<i32>} : memref<4096xf32, #tpu.memory_space<vmem>>, vector<16xf32>,
        tpu.vector_store %arg20[%parallel_loop3A_1336], %parallel_loop3A_1333 {strides = array<i32>} : memref<4096xf32, #tpu.memory_space<vmem>>, vector<16xf32>,
      } {sc.loop_unroll_factor = 16 : i64, sc.parallel_access}
      %mul3A_1227 = arith.constant 2 : i32
      %mul3A_1228 = arith.muli %mul3A_1227, %add3A_1201 : i32
      %add3A_1229 = arith.constant 0 : i32
      %add3A_1230 = arith.addi %mul3A_1228, %add3A_1229 : i32
      %mul3A_1231 = arith.constant 2 : i32
      %mul3A_1232 = arith.muli %add3A_1230, %mul3A_1231 : i32
      %add3A_1233 = arith.constant 0 : i32
      %add3A_1234 = arith.addi %mul3A_1232, %add3A_1233 : i32
      %mul3A_1235 = arith.constant 32 : i32
      %mul3A_1236 = arith.muli %add3A_1234, %mul3A_1235 : i32
      %add3A_1237 = arith.addi %mul3A_1236, %add3A : i32
      %mul3A_1238 = arith.constant 1024 : i32
      %mul3A_1239 = arith.muli %add3A_1237, %mul3A_1238 : i32
      %dma_start3A_1240 = arith.constant 0 : i32
      %dma_start3A_1241 = tpu.memref_slice %arg20[%dma_start3A_1240] : memref<4096xf32, #tpu.memory_space<vmem>> -> memref<1024xf32, #tpu.memory_space<vmem>>
      %dma_start3A_1242 = tpu.memref_slice %arg7[%mul3A_1239] : memref<13107200xf32, #tpu.memory_space<hbm>> -> memref<1024xf32, #tpu.memory_space<hbm>>
      %dma_start3A_1243 = tpu.memref_slice %arg7[%mul3A_1239] : memref<13107200xf32, #tpu.memory_space<hbm>> -> memref<1024xf32, #tpu.memory_space<hbm>>
      %dma_start3A_1244 = arith.constant 0 : i32
      %dma_start3A_1245 = tpu.memref_slice %arg20[%dma_start3A_1244] : memref<4096xf32, #tpu.memory_space<vmem>> -> memref<1024xf32, #tpu.memory_space<vmem>>
      tpu.enqueue_dma source(%dma_start3A_1245 : memref<1024xf32, #tpu.memory_space<vmem>>) target(%dma_start3A_1243 : memref<1024xf32, #tpu.memory_space<hbm>>) target_semaphore(%arg28 : memref<!tpu.dma_semaphore, #tpu.memory_space<semaphore_mem>>)
      %mul3A_1246 = arith.constant 2 : i32
      %mul3A_1247 = arith.muli %mul3A_1246, %add3A_1201 : i32
      %add3A_1248 = arith.constant 0 : i32
      %add3A_1249 = arith.addi %mul3A_1247, %add3A_1248 : i32
      %mul3A_1250 = arith.constant 2 : i32
      %mul3A_1251 = arith.muli %add3A_1249, %mul3A_1250 : i32
      %add3A_1252 = arith.constant 1 : i32
      %add3A_1253 = arith.addi %mul3A_1251, %add3A_1252 : i32
      %mul3A_1254 = arith.constant 32 : i32
      %mul3A_1255 = arith.muli %add3A_1253, %mul3A_1254 : i32
      %add3A_1256 = arith.addi %mul3A_1255, %add3A : i32
      %mul3A_1257 = arith.constant 1024 : i32
      %mul3A_1258 = arith.muli %add3A_1256, %mul3A_1257 : i32
      %dma_start3A_1259 = arith.constant 1024 : i32
      %dma_start3A_1260 = tpu.memref_slice %arg20[%dma_start3A_1259] : memref<4096xf32, #tpu.memory_space<vmem>> -> memref<1024xf32, #tpu.memory_space<vmem>>
      %dma_start3A_1261 = tpu.memref_slice %arg7[%mul3A_1258] : memref<13107200xf32, #tpu.memory_space<hbm>> -> memref<1024xf32, #tpu.memory_space<hbm>>
      %dma_start3A_1262 = tpu.memref_slice %arg7[%mul3A_1258] : memref<13107200xf32, #tpu.memory_space<hbm>> -> memref<1024xf32, #tpu.memory_space<hbm>>
      %dma_start3A_1263 = arith.constant 1024 : i32
      %dma_start3A_1264 = tpu.memref_slice %arg20[%dma_start3A_1263] : memref<4096xf32, #tpu.memory_space<vmem>> -> memref<1024xf32, #tpu.memory_space<vmem>>
      tpu.enqueue_dma source(%dma_start3A_1264 : memref<1024xf32, #tpu.memory_space<vmem>>) target(%dma_start3A_1262 : memref<1024xf32, #tpu.memory_space<hbm>>) target_semaphore(%arg28 : memref<!tpu.dma_semaphore, #tpu.memory_space<semaphore_mem>>)
      %mul3A_1265 = arith.constant 2 : i32
      %mul3A_1266 = arith.muli %mul3A_1265, %add3A_1201 : i32
      %add3A_1267 = arith.constant 1 : i32
      %add3A_1268 = arith.addi %mul3A_1266, %add3A_1267 : i32
      %mul3A_1269 = arith.constant 2 : i32
      %mul3A_1270 = arith.muli %add3A_1268, %mul3A_1269 : i32
      %add3A_1271 = arith.constant 0 : i32
      %add3A_1272 = arith.addi %mul3A_1270, %add3A_1271 : i32
      %mul3A_1273 = arith.constant 32 : i32
      %mul3A_1274 = arith.muli %add3A_1272, %mul3A_1273 : i32
      %add3A_1275 = arith.addi %mul3A_1274, %add3A : i32
      %mul3A_1276 = arith.constant 1024 : i32
      %mul3A_1277 = arith.muli %add3A_1275, %mul3A_1276 : i32
      %dma_start3A_1278 = arith.constant 2048 : i32
      %dma_start3A_1279 = tpu.memref_slice %arg20[%dma_start3A_1278] : memref<4096xf32, #tpu.memory_space<vmem>> -> memref<1024xf32, #tpu.memory_space<vmem>>
      %dma_start3A_1280 = tpu.memref_slice %arg7[%mul3A_1277] : memref<13107200xf32, #tpu.memory_space<hbm>> -> memref<1024xf32, #tpu.memory_space<hbm>>
      %dma_start3A_1281 = tpu.memref_slice %arg7[%mul3A_1277] : memref<13107200xf32, #tpu.memory_space<hbm>> -> memref<1024xf32, #tpu.memory_space<hbm>>
      %dma_start3A_1282 = arith.constant 2048 : i32
      %dma_start3A_1283 = tpu.memref_slice %arg20[%dma_start3A_1282] : memref<4096xf32, #tpu.memory_space<vmem>> -> memref<1024xf32, #tpu.memory_space<vmem>>
      tpu.enqueue_dma source(%dma_start3A_1283 : memref<1024xf32, #tpu.memory_space<vmem>>) target(%dma_start3A_1281 : memref<1024xf32, #tpu.memory_space<hbm>>) target_semaphore(%arg28 : memref<!tpu.dma_semaphore, #tpu.memory_space<semaphore_mem>>)
      %mul3A_1284 = arith.constant 2 : i32
      %mul3A_1285 = arith.muli %mul3A_1284, %add3A_1201 : i32
      %add3A_1286 = arith.constant 1 : i32
      %add3A_1287 = arith.addi %mul3A_1285, %add3A_1286 : i32
      %mul3A_1288 = arith.constant 2 : i32
      %mul3A_1289 = arith.muli %add3A_1287, %mul3A_1288 : i32
      %add3A_1290 = arith.constant 1 : i32
      %add3A_1291 = arith.addi %mul3A_1289, %add3A_1290 : i32
      %mul3A_1292 = arith.constant 32 : i32
      %mul3A_1293 = arith.muli %add3A_1291, %mul3A_1292 : i32
      %add3A_1294 = arith.addi %mul3A_1293, %add3A : i32
      %mul3A_1295 = arith.constant 1024 : i32
      %mul3A_1296 = arith.muli %add3A_1294, %mul3A_1295 : i32
      %dma_start3A_1297 = arith.constant 3072 : i32
      %dma_start3A_1298 = tpu.memref_slice %arg20[%dma_start3A_1297] : memref<4096xf32, #tpu.memory_space<vmem>> -> memref<1024xf32, #tpu.memory_space<vmem>>
      %dma_start3A_1299 = tpu.memref_slice %arg7[%mul3A_1296] : memref<13107200xf32, #tpu.memory_space<hbm>> -> memref<1024xf32, #tpu.memory_space<hbm>>
      %dma_start3A_1300 = tpu.memref_slice %arg7[%mul3A_1296] : memref<13107200xf32, #tpu.memory_space<hbm>> -> memref<1024xf32, #tpu.memory_space<hbm>>
      %dma_start3A_1301 = arith.constant 3072 : i32
      %dma_start3A_1302 = tpu.memref_slice %arg20[%dma_start3A_1301] : memref<4096xf32, #tpu.memory_space<vmem>> -> memref<1024xf32, #tpu.memory_space<vmem>>
      tpu.enqueue_dma source(%dma_start3A_1302 : memref<1024xf32, #tpu.memory_space<vmem>>) target(%dma_start3A_1300 : memref<1024xf32, #tpu.memory_space<hbm>>) target_semaphore(%arg28 : memref<!tpu.dma_semaphore, #tpu.memory_space<semaphore_mem>>)
    }
    %scan3A_871 = arith.constant 25 : i32
    %dma_wait3A_872 = arith.constant 0 : i32
    %dma_wait3A_873 = tpu.memref_slice %arg7[%dma_wait3A_872] : memref<13107200xf32, #tpu.memory_space<hbm>> -> memref<4096xf32, #tpu.memory_space<hbm>>
    %dma_wait3A_874 = arith.constant 0 : i32
    %dma_wait3A_875 = tpu.memref_slice %arg7[%dma_wait3A_874] : memref<13107200xf32, #tpu.memory_space<hbm>> -> memref<4096xf32, #tpu.memory_space<hbm>>
    tpu.wait_dma2 semaphore(%arg25 : memref<!tpu.dma_semaphore, #tpu.memory_space<semaphore_mem>>) src(%arg17 : memref<4096xf32, #tpu.memory_space<vmem>>) dst(%dma_wait3A_875 : memref<4096xf32, #tpu.memory_space<hbm>>)
    %dma_wait3A_876 = arith.constant 0 : i32
    %dma_wait3A_877 = tpu.memref_slice %arg7[%dma_wait3A_876] : memref<13107200xf32, #tpu.memory_space<hbm>> -> memref<4096xf32, #tpu.memory_space<hbm>>
    %dma_wait3A_878 = arith.constant 0 : i32
    %dma_wait3A_879 = tpu.memref_slice %arg7[%dma_wait3A_878] : memref<13107200xf32, #tpu.memory_space<hbm>> -> memref<4096xf32, #tpu.memory_space<hbm>>
    tpu.wait_dma2 semaphore(%arg26 : memref<!tpu.dma_semaphore, #tpu.memory_space<semaphore_mem>>) src(%arg18 : memref<4096xf32, #tpu.memory_space<vmem>>) dst(%dma_wait3A_879 : memref<4096xf32, #tpu.memory_space<hbm>>)
    %dma_wait3A_880 = arith.constant 0 : i32
    %dma_wait3A_881 = tpu.memref_slice %arg7[%dma_wait3A_880] : memref<13107200xf32, #tpu.memory_space<hbm>> -> memref<4096xf32, #tpu.memory_space<hbm>>
    %dma_wait3A_882 = arith.constant 0 : i32
    %dma_wait3A_883 = tpu.memref_slice %arg7[%dma_wait3A_882] : memref<13107200xf32, #tpu.memory_space<hbm>> -> memref<4096xf32, #tpu.memory_space<hbm>>
    tpu.wait_dma2 semaphore(%arg27 : memref<!tpu.dma_semaphore, #tpu.memory_space<semaphore_mem>>) src(%arg19 : memref<4096xf32, #tpu.memory_space<vmem>>) dst(%dma_wait3A_883 : memref<4096xf32, #tpu.memory_space<hbm>>)
    %dma_wait3A_884 = arith.constant 0 : i32
    %dma_wait3A_885 = tpu.memref_slice %arg7[%dma_wait3A_884] : memref<13107200xf32, #tpu.memory_space<hbm>> -> memref<4096xf32, #tpu.memory_space<hbm>>
    %dma_wait3A_886 = arith.constant 0 : i32
    %dma_wait3A_887 = tpu.memref_slice %arg7[%dma_wait3A_886] : memref<13107200xf32, #tpu.memory_space<hbm>> -> memref<4096xf32, #tpu.memory_space<hbm>>
    tpu.wait_dma2 semaphore(%arg28 : memref<!tpu.dma_semaphore, #tpu.memory_space<semaphore_mem>>) src(%arg20 : memref<4096xf32, #tpu.memory_space<vmem>>) dst(%dma_wait3A_887 : memref<4096xf32, #tpu.memory_space<hbm>>)
    return
  }
}

module attributes {stable_mosaic.version = 14 : i64} {
  func.func @_prep_body(%arg0: i32, %arg1: memref<16x4096xf32, #tpu.memory_space<vmem>>, %arg2: memref<16x1xf32, #tpu.memory_space<vmem>>, %arg3: memref<16x1xf32, #tpu.memory_space<vmem>>, %arg4: memref<16x1xf32, #tpu.memory_space<vmem>>, %arg5: memref<16x1xf32, #tpu.memory_space<vmem>>, %arg6: memref<14x16xf32, #tpu.memory_space<vmem>>, %arg7: memref<16x200xf32, #tpu.memory_space<vmem>>, %arg8: memref<1x1xf32, #tpu.memory_space<vmem>>, %arg9: memref<1x1xf32, #tpu.memory_space<vmem>>, %arg10: memref<4096x16xf32, #tpu.memory_space<vmem>>, %arg11: memref<14x16xf32, #tpu.memory_space<vmem>>, %arg12: memref<200x16xf32, #tpu.memory_space<vmem>>) attributes {dimension_semantics = [#tpu.dimension_semantics<arbitrary>], iteration_bounds = array<i64: 25>, scalar_prefetch = 0 : i64, scratch_operands = 0 : i64, tpu.core_type = #tpu.core_type<tc>, window_params = [{transform_indices = @transform_0, window_bounds = array<i64: 16, 4096>}, {pipeline_mode = #tpu.pipeline_mode<synchronous>, transform_indices = @transform_1, window_bounds = array<i64: 16, 1>}, {pipeline_mode = #tpu.pipeline_mode<synchronous>, transform_indices = @transform_2, window_bounds = array<i64: 16, 1>}, {pipeline_mode = #tpu.pipeline_mode<synchronous>, transform_indices = @transform_3, window_bounds = array<i64: 16, 1>}, {pipeline_mode = #tpu.pipeline_mode<synchronous>, transform_indices = @transform_4, window_bounds = array<i64: 16, 1>}, {pipeline_mode = #tpu.pipeline_mode<synchronous>, transform_indices = @transform_5, window_bounds = array<i64: 14, 16>}, {pipeline_mode = #tpu.pipeline_mode<synchronous>, transform_indices = @transform_6, window_bounds = array<i64: 16, 200>}, {pipeline_mode = #tpu.pipeline_mode<synchronous>, transform_indices = @transform_7, window_bounds = array<i64: 1, 1>}, {pipeline_mode = #tpu.pipeline_mode<synchronous>, transform_indices = @transform_8, window_bounds = array<i64: 1, 1>}, {transform_indices = @transform_9, window_bounds = array<i64: 4096, 16>}, {pipeline_mode = #tpu.pipeline_mode<synchronous>, transform_indices = @transform_10, window_bounds = array<i64: 14, 16>}, {pipeline_mode = #tpu.pipeline_mode<synchronous>, transform_indices = @transform_11, window_bounds = array<i64: 200, 16>}]} {
    %get3A = arith.constant 0 : index
    %get3A_0 = arith.constant 0 : index
    %get3A_1 = vector.load %arg1[%get3A, %get3A_0] : memref<16x4096xf32, #tpu.memory_space<vmem>>, vector<16x4096xf32>
    %iota3A = tpu.iota {dimensions = array<i32: 1>} : vector<16x4096xi32>
    %mul3A = arith.constant 4096 : i32
    %mul3A_2 = arith.muli %arg0, %mul3A : i32
    %add3A = vector.broadcast %mul3A_2 : i32 to vector<16x4096xi32>
    %add3A_3 = arith.addi %iota3A, %add3A : vector<16x4096xi32>
    %eq3A = arith.constant 0 : i32
    %eq3A_4 = vector.broadcast %eq3A : i32 to vector<16x4096xi32>
    %eq3A_5 = arith.cmpi eq, %add3A_3, %eq3A_4 : vector<16x4096xi32>
    %get3A_6 = arith.constant 0 : index
    %get3A_7 = arith.constant 0 : index
    %get3A_8 = vector.load %arg3[%get3A_6, %get3A_7] : memref<16x1xf32, #tpu.memory_space<vmem>>, vector<16x1xf32>
    %eq3A_9 = arith.constant 1 : i32
    %eq3A_10 = vector.broadcast %eq3A_9 : i32 to vector<16x4096xi32>
    %eq3A_11 = arith.cmpi eq, %add3A_3, %eq3A_10 : vector<16x4096xi32>
    %get3A_12 = arith.constant 0 : index
    %get3A_13 = arith.constant 0 : index
    %get3A_14 = vector.load %arg2[%get3A_12, %get3A_13] : memref<16x1xf32, #tpu.memory_space<vmem>>, vector<16x1xf32>
    %get3A_15 = arith.constant 0 : index
    %get3A_16 = arith.constant 0 : index
    %get3A_17 = vector.load %arg3[%get3A_15, %get3A_16] : memref<16x1xf32, #tpu.memory_space<vmem>>, vector<16x1xf32>
    %add3A_18 = arith.addf %get3A_14, %get3A_17 : vector<16x1xf32>
    %broadcast_in_dim3A = vector.shape_cast %add3A_18 : vector<16x1xf32> to vector<16x1xf32>
    %broadcast_in_dim3A_19 = vector.broadcast %broadcast_in_dim3A : vector<16x1xf32> to vector<16x4096xf32>
    %select_n3A = arith.select %eq3A_11, %broadcast_in_dim3A_19, %get3A_1 : vector<16x4096xi1>, vector<16x4096xf32>
    %broadcast_in_dim3A_20 = vector.shape_cast %get3A_8 : vector<16x1xf32> to vector<16x1xf32>
    %broadcast_in_dim3A_21 = vector.broadcast %broadcast_in_dim3A_20 : vector<16x1xf32> to vector<16x4096xf32>
    %select_n3A_22 = arith.select %eq3A_5, %broadcast_in_dim3A_21, %select_n3A : vector<16x4096xi1>, vector<16x4096xf32>
    %reduce_sum3A = arith.constant dense<0.000000e+00> : vector<4096xf32>
    %reduce_sum3A_23 = vector.multi_reduction <add>, %select_n3A_22, %reduce_sum3A [0] : vector<16x4096xf32> to vector<4096xf32>
    %broadcast_in_dim3A_24 = vector.shape_cast %reduce_sum3A_23 : vector<4096xf32> to vector<1x4096xf32>
    %div3A = arith.constant 1.600000e+01 : f32
    %div3A_25 = vector.broadcast %div3A : f32 to vector<1x4096xf32>
    %div3A_26 = arith.divf %broadcast_in_dim3A_24, %div3A_25 : vector<1x4096xf32>
    %sub3A = vector.broadcast %div3A_26 : vector<1x4096xf32> to vector<16x4096xf32>
    %sub3A_27 = arith.subf %select_n3A_22, %sub3A : vector<16x4096xf32>
    %integer_pow3A = arith.mulf %sub3A_27, %sub3A_27 : vector<16x4096xf32>
    %reduce_sum3A_28 = arith.constant dense<0.000000e+00> : vector<4096xf32>
    %reduce_sum3A_29 = vector.multi_reduction <add>, %integer_pow3A, %reduce_sum3A_28 [0] : vector<16x4096xf32> to vector<4096xf32>
    %broadcast_in_dim3A_30 = vector.shape_cast %reduce_sum3A_29 : vector<4096xf32> to vector<1x4096xf32>
    %div3A_31 = arith.constant 1.600000e+01 : f32
    %div3A_32 = vector.broadcast %div3A_31 : f32 to vector<1x4096xf32>
    %div3A_33 = arith.divf %broadcast_in_dim3A_30, %div3A_32 : vector<1x4096xf32>
    %sub3A_34 = vector.broadcast %div3A_26 : vector<1x4096xf32> to vector<16x4096xf32>
    %sub3A_35 = arith.subf %select_n3A_22, %sub3A_34 : vector<16x4096xf32>
    %add3A_36 = arith.constant 9.99999974E-6 : f32
    %add3A_37 = vector.broadcast %add3A_36 : f32 to vector<1x4096xf32>
    %add3A_38 = arith.addf %div3A_33, %add3A_37 : vector<1x4096xf32>
    %rsqrt3A = math.rsqrt %add3A_38 : vector<1x4096xf32>
    %mul3A_39 = vector.broadcast %rsqrt3A : vector<1x4096xf32> to vector<16x4096xf32>
    %mul3A_40 = arith.mulf %sub3A_35, %mul3A_39 : vector<16x4096xf32>
    %get3A_41 = arith.constant 0 : index
    %get3A_42 = arith.constant 0 : index
    %get3A_43 = vector.load %arg4[%get3A_41, %get3A_42] : memref<16x1xf32, #tpu.memory_space<vmem>>, vector<16x1xf32>
    %mul3A_44 = vector.broadcast %get3A_43 : vector<16x1xf32> to vector<16x4096xf32>
    %mul3A_45 = arith.mulf %mul3A_40, %mul3A_44 : vector<16x4096xf32>
    %transpose3A = tpu.transpose %mul3A_45, [1, 0] : vector<16x4096xf32> -> vector<4096x16xf32>
    %swap3A = arith.constant 0 : index
    %swap3A_46 = arith.constant 0 : index
    %swap3A_47 = vector.load %arg10[%swap3A, %swap3A_46] : memref<4096x16xf32, #tpu.memory_space<vmem>>, vector<4096x16xf32>
    tpu.vector_store %arg10[%swap3A, %swap3A_46], %transpose3A {strides = array<i32>} : memref<4096x16xf32, #tpu.memory_space<vmem>>, vector<4096x16xf32>,
    %get3A_48 = arith.constant 0 : index
    %get3A_49 = arith.constant 0 : index
    %get3A_50 = vector.load %arg6[%get3A_48, %get3A_49] : memref<14x16xf32, #tpu.memory_space<vmem>>, vector<14x16xf32>
    %get3A_51 = arith.constant 0 : index
    %get3A_52 = arith.constant 0 : index
    %get3A_53 = vector.load %arg8[%get3A_51, %get3A_52] : memref<1x1xf32, #tpu.memory_space<vmem>>, vector<1x1xf32>
    %get3A_54 = vector.extract %get3A_53[0, 0] : f32 from vector<1x1xf32>
    %mul3A_55 = vector.broadcast %get3A_54 : f32 to vector<14x16xf32>
    %mul3A_56 = arith.mulf %get3A_50, %mul3A_55 : vector<14x16xf32>
    %swap3A_57 = arith.constant 0 : index
    %swap3A_58 = arith.constant 0 : index
    %swap3A_59 = vector.load %arg11[%swap3A_57, %swap3A_58] : memref<14x16xf32, #tpu.memory_space<vmem>>, vector<14x16xf32>
    tpu.vector_store %arg11[%swap3A_57, %swap3A_58], %mul3A_56 {strides = array<i32>} : memref<14x16xf32, #tpu.memory_space<vmem>>, vector<14x16xf32>,
    %get3A_60 = arith.constant 0 : index
    %get3A_61 = arith.constant 0 : index
    %get3A_62 = vector.load %arg7[%get3A_60, %get3A_61] : memref<16x200xf32, #tpu.memory_space<vmem>>, vector<16x200xf32>
    %get3A_63 = arith.constant 0 : index
    %get3A_64 = arith.constant 0 : index
    %get3A_65 = vector.load %arg9[%get3A_63, %get3A_64] : memref<1x1xf32, #tpu.memory_space<vmem>>, vector<1x1xf32>
    %get3A_66 = vector.extract %get3A_65[0, 0] : f32 from vector<1x1xf32>
    %mul3A_67 = vector.broadcast %get3A_66 : f32 to vector<16x200xf32>
    %mul3A_68 = arith.mulf %get3A_62, %mul3A_67 : vector<16x200xf32>
    %get3A_69 = arith.constant 0 : index
    %get3A_70 = arith.constant 0 : index
    %get3A_71 = vector.load %arg5[%get3A_69, %get3A_70] : memref<16x1xf32, #tpu.memory_space<vmem>>, vector<16x1xf32>
    %add3A_72 = vector.broadcast %get3A_71 : vector<16x1xf32> to vector<16x200xf32>
    %add3A_73 = arith.addf %mul3A_68, %add3A_72 : vector<16x200xf32>
    %transpose3A_74 = tpu.transpose %add3A_73, [1, 0] : vector<16x200xf32> -> vector<200x16xf32>
    %swap3A_75 = arith.constant 0 : index
    %swap3A_76 = arith.constant 0 : index
    %swap3A_77 = vector.load %arg12[%swap3A_75, %swap3A_76] : memref<200x16xf32, #tpu.memory_space<vmem>>, vector<200x16xf32>
    tpu.vector_store %arg12[%swap3A_75, %swap3A_76], %transpose3A_74 {strides = array<i32>} : memref<200x16xf32, #tpu.memory_space<vmem>>, vector<200x16xf32>,
    return
  }
  func.func @transform_0(%arg0: i32) -> (i32, i32) {
    %c0_i32 = arith.constant 0 : i32
    %c0_i32_0 = arith.constant 0 : i32
    return %c0_i32, %arg0 : i32, i32
  }
  func.func @transform_1(%arg0: i32) -> (i32, i32) {
    %c0_i32 = arith.constant 0 : i32
    %c0_i32_0 = arith.constant 0 : i32
    %c0_i32_1 = arith.constant 0 : i32
    return %c0_i32, %c0_i32_0 : i32, i32
  }
  func.func @transform_2(%arg0: i32) -> (i32, i32) {
    %c0_i32 = arith.constant 0 : i32
    %c0_i32_0 = arith.constant 0 : i32
    %c0_i32_1 = arith.constant 0 : i32
    return %c0_i32, %c0_i32_0 : i32, i32
  }
  func.func @transform_3(%arg0: i32) -> (i32, i32) {
    %c0_i32 = arith.constant 0 : i32
    %c0_i32_0 = arith.constant 0 : i32
    %c0_i32_1 = arith.constant 0 : i32
    return %c0_i32, %c0_i32_0 : i32, i32
  }
  func.func @transform_4(%arg0: i32) -> (i32, i32) {
    %c0_i32 = arith.constant 0 : i32
    %c0_i32_0 = arith.constant 0 : i32
    %c0_i32_1 = arith.constant 0 : i32
    return %c0_i32, %c0_i32_0 : i32, i32
  }
  func.func @transform_5(%arg0: i32) -> (i32, i32) {
    %c0_i32 = arith.constant 0 : i32
    %c0_i32_0 = arith.constant 0 : i32
    %c0_i32_1 = arith.constant 0 : i32
    return %c0_i32, %c0_i32_0 : i32, i32
  }
  func.func @transform_6(%arg0: i32) -> (i32, i32) {
    %c0_i32 = arith.constant 0 : i32
    %c0_i32_0 = arith.constant 0 : i32
    %c0_i32_1 = arith.constant 0 : i32
    return %c0_i32, %c0_i32_0 : i32, i32
  }
  func.func @transform_7(%arg0: i32) -> (i32, i32) {
    %c0_i32 = arith.constant 0 : i32
    %c0_i32_0 = arith.constant 0 : i32
    %c0_i32_1 = arith.constant 0 : i32
    return %c0_i32, %c0_i32_0 : i32, i32
  }
  func.func @transform_8(%arg0: i32) -> (i32, i32) {
    %c0_i32 = arith.constant 0 : i32
    %c0_i32_0 = arith.constant 0 : i32
    %c0_i32_1 = arith.constant 0 : i32
    return %c0_i32, %c0_i32_0 : i32, i32
  }
  func.func @transform_9(%arg0: i32) -> (i32, i32) {
    %c0_i32 = arith.constant 0 : i32
    %c0_i32_0 = arith.constant 0 : i32
    return %arg0, %c0_i32 : i32, i32
  }
  func.func @transform_10(%arg0: i32) -> (i32, i32) {
    %c0_i32 = arith.constant 0 : i32
    %c0_i32_0 = arith.constant 0 : i32
    %c0_i32_1 = arith.constant 0 : i32
    return %c0_i32, %c0_i32_0 : i32, i32
  }
  func.func @transform_11(%arg0: i32) -> (i32, i32) {
    %c0_i32 = arith.constant 0 : i32
    %c0_i32_0 = arith.constant 0 : i32
    %c0_i32_1 = arith.constant 0 : i32
    return %c0_i32, %c0_i32_0 : i32, i32
  }
}

</mosaic_0001>

<sc_bundles>
// kernel: kernel.4.cloned.1.call-start
scs
__scs_entry_jumppad:
0x0: {  	(pc) =	sbr.rel $0x88, $3  }
0x1: {  	(tag) =	ssettag $0x0;
	lr =	simm.s32 $0x1  }
0x2: {  	[smem:$0x3F96] =	sst lr;
	_ =	strace $0xD0000000  }
0x3: {  	_ = 	snop  }
0x4: {  	_ = 	snop  }
0x5: {  	_ = 	snop  }
0x6: {  	_ = 	snop  }
0x7: {  	_ = 	snop  }
__scs_overlays_trampoline_lowered:
0x8: {  	[smem:$0x3FA5] =	sst s0  }
0x9: {  	[smem:$0x3FA6] =	sst s1  }
0xa: {  	[smem:$0x3FA7] =	sst s2  }
0xb: {  	[smem:$0x3FA8] =	sst s3  }
0xc: {  	[smem:$0x3FA9] =	sst s4  }
0xd: {  	[smem:$0x3FAA] =	sst s5  }
0xe: {  	[smem:$0x3FAB] =	sst s6  }
0xf: {  	[smem:$0x3FAC] =	sst s7  }
0x10: {  	[smem:$0x3FAD] =	sst s8  }
0x11: {  	[smem:$0x3FAE] =	sst s9;
	s0 =	simm.s32 @!p0 $0x0  }
0x12: {  	s1 =	sld [smem:$0x3F94];
	s0 =	simm.s32 @p0 $0x1  }
0x13: {  	[smem:$0x3FAF] =	sst s0;
	s0 =	simm.s32 @!p1 $0x0  }
0x14: {  	s2 =	sld [smem:$0x3F93];
	s0 =	simm.s32 @p1 $0x1  }
0x15: {  	[smem:$0x3FB0] =	sst s0;
	s0 =	simm.s32 @!p2 $0x0  }
0x16: {  	s3 =	sld [smem:$0x3FDB];
	s0 =	simm.s32 @p2 $0x1  }
0x17: {  	s4 =	simm.s32 $0x1BF5;
	[smem:$0x3FB2] =	sst s0  }
0x18: {  	s0 =	sld [smem:$0x3F95];
	_ =	swait.ge [sflag:s4], $0x0  }
0x19: {  	s7 =	sld [smem:$0x3F96]  }
0x1a: {  	s8 =	sadd.s32 $0xFFFFE003, lr  }
0x1b: {  	s9 =	sadd.s32 $0xFFFFFEF7, lr;
	s5 =	simm.s32 $0xFFFFFFFF;
	p2 =	slt.u32 s8, $0xFFFFF086  }
0x1c: {  	p1 =	slt.u32 s9, $0xF7A;
	s5 =	simm.s32 @!p2 $0x0  }
0x1d: {  	s5 =	simm.s32 @p1 $0x1;
	p0 =	seq.s32 s7, s2  }
0x1e: {  	s7 =	smul.u32 @!p0 $0xF7A, s2;
	p2 =	seq.s32 @!p0 s5, $0x0  }
0x1f: {  	s9 =	smul.u32 $0xF7A, s1;
	s8 =	simm.s32 @!p0 $0x1BF5;
	p2 =	por !p2, p0  }
0x20: {  	[sflag:s8] =	ssyncset.s32 @!p0 $0xFFFFF086;
	s6 =	sadd.s32 @!p0 s3, s7;
	s7 =	simm.s32 @!p0 $0x108  }
0x21: {  	s3 =	sadd.s32 s3, s9;
	s6 =	sadd.s32 @!p0 $0x88, s6;
	s7 =	simm.s32 @p2 $0x1082  }
0x22: {  	[simem:s7], [sflag:s8] =	dma.local @!p0 [hbm:s6], $0xF7A  }
0x23: {  	s9 =	sor.u32 $0xD0000000, s2;
	s6 =	simm.s32 $0x108;
	_ =	swait.ge @!p0 [sflag:s8], $0x0  }
0x24: {  	s3 =	sadd.s32 $0x88, s3;
	s6 =	simm.s32 @!p1 $0x1082;
	[sflag:s4] =	ssyncset.s32 $0xFFFFF086  }
0x25: {  	[simem:s6], [sflag:s4] =	dma.local [hbm:s3], $0xF7A  }
0x26: {  	[smem:$0x3F96] =	sst s1;
	(tag) =	ssettag s2;
	_ =	strace s9  }
0x27: {  	s1 =	sld [smem:$0x3FA6]  }
0x28: {  	s2 =	sld [smem:$0x3FA7]  }
0x29: {  	s4 =	sld [smem:$0x3FA9]  }
0x2a: {  	p0 =	seq.s32 s5, $0x0;
	s5 =	sld [smem:$0x3FAA]  }
0x2b: {  	s6 =	sld [smem:$0x3FAB]  }
0x2c: {  	s7 =	sld [smem:$0x3FAC]  }
0x2d: {  	s3 =	simm.s32 $0x108;
	s8 =	sld [smem:$0x3FAD]  }
0x2e: {  	s3 =	simm.s32 @!p0 $0x1082;
	s9 =	sld [smem:$0x3FAE]  }
0x2f: {  	lr =	sadd.s32 s0, s3;
	s0 =	sld [smem:$0x3FA5]  }
0x30: {  	s3 =	sld [smem:$0x3FA8]  }
0x31: {  	[smem:$0x3FB1] =	sst s10  }
0x32: {  	s10 =	sld [smem:$0x3FAF];
	_ =	sdelay $0x3  }
0x33: {  	p0 =	seq.s32 s10, $0x1;
	s10 =	sld [smem:$0x3FB1];
	_ =	sdelay $0x3  }
0x34: {  	[smem:$0x3FB1] =	sst s10  }
0x35: {  	s10 =	sld [smem:$0x3FB0];
	_ =	sdelay $0x3  }
0x36: {  	p1 =	seq.s32 s10, $0x1;
	s10 =	sld [smem:$0x3FB1];
	_ =	sdelay $0x3  }
0x37: {  	[smem:$0x3FB1] =	sst s10  }
0x38: {  	s10 =	sld [smem:$0x3FB2]  }
0x39: {  	_ = 	snop;
	(pc) =	sbr.ind lr, $3  }
0x3a: {  	_ = 	snop  }
0x3b: {  	_ = 	snop  }
0x3c: {  	p2 =	seq.s32 s10, $0x1;
	s10 =	sld [smem:$0x3FB1]  }
0x3d: {  	_ =	shalt  }
0x3e: {  	_ =	shalt  }
0x3f: {  	_ =	shalt  }
0x40: {  	_ =	shalt  }
0x41: {  	_ =	shalt  }
0x42: {  	_ =	shalt  }
0x43: {  	_ =	shalt  }
0x44: {  	_ =	shalt  }
0x45: {  	_ =	shalt  }
0x46: {  	_ =	shalt  }
0x47: {  	_ =	shalt  }
0x48: {  	_ =	shalt  }
0x49: {  	_ =	shalt  }
0x4a: {  	_ =	shalt  }
0x4b: {  	_ =	shalt  }
0x4c: {  	_ =	shalt  }
0x4d: {  	_ =	shalt  }
0x4e: {  	_ =	shalt  }
0x4f: {  	_ =	shalt  }
0x50: {  	_ =	shalt  }
0x51: {  	_ =	shalt  }
0x52: {  	_ =	shalt  }
0x53: {  	_ =	shalt  }
0x54: {  	_ =	shalt  }
0x55: {  	_ =	shalt  }
0x56: {  	_ =	shalt  }
0x57: {  	_ =	shalt  }
0x58: {  	_ =	shalt  }
0x59: {  	_ =	shalt  }
0x5a: {  	_ =	shalt  }
0x5b: {  	_ =	shalt  }
0x5c: {  	_ =	shalt  }
0x5d: {  	_ =	shalt  }
0x5e: {  	_ =	shalt  }
0x5f: {  	_ =	shalt  }
0x60: {  	_ =	shalt  }
0x61: {  	_ =	shalt  }
0x62: {  	_ =	shalt  }
0x63: {  	_ =	shalt  }
0x64: {  	_ =	shalt  }
0x65: {  	_ =	shalt  }
0x66: {  	_ =	shalt  }
0x67: {  	_ =	shalt  }
0x68: {  	_ =	shalt  }
0x69: {  	_ =	shalt  }
0x6a: {  	_ =	shalt  }
0x6b: {  	_ =	shalt  }
0x6c: {  	_ =	shalt  }
0x6d: {  	_ =	shalt  }
0x6e: {  	_ =	shalt  }
0x6f: {  	_ =	shalt  }
0x70: {  	_ =	shalt  }
0x71: {  	_ =	shalt  }
0x72: {  	_ =	shalt  }
0x73: {  	_ =	shalt  }
0x74: {  	_ =	shalt  }
0x75: {  	_ =	shalt  }
0x76: {  	_ =	shalt  }
0x77: {  	_ =	shalt  }
0x78: {  	_ =	shalt  }
0x79: {  	_ =	shalt  }
0x7a: {  	_ =	shalt  }
0x7b: {  	_ =	shalt  }
0x7c: {  	_ =	shalt  }
0x7d: {  	_ =	shalt  }
0x7e: {  	_ =	shalt  }
0x7f: {  	_ =	shalt  }
0x80: {  	_ =	shalt  }
0x81: {  	_ =	shalt  }
0x82: {  	_ =	shalt  }
0x83: {  	_ =	shalt  }
0x84: {  	_ =	shalt  }
0x85: {  	_ =	shalt  }
0x86: {  	_ =	shalt  }
0x87: {  	_ =	shalt  }
.Lfunc_end0:
.L_simem_size_0:
called_computation_lowered:
.L_overlay_start_0:
0x88: {  	s2 =	sld [smem:$0x3FD9]  }
0x89: {  	s3 =	sld [smem:$0x3FFE];
	_ =	sdelay $0x1  }
0x8a: {  	s1 =	srdreg.scid  }
0x8b: {  	s0 =	sand.u32 $0x1, s1  }
0x8c: {  	s17 =	sshll.u32 s0, $0xA;
	s2 =	sadd.s32 s3, s2  }
0x8d: {  	s2 =	sadd.s32 s2, s17  }
0x8e: {  	[smem:$0x3FBD] =	sst s2  }
0x8f: {  	_ = 	snop  }
0x90: {  	s2 =	sld [smem:$0x3FC9]  }
0x91: {  	s18 =	sld [smem:$0x3FD0];
	(tm) =	ssettm $0x1  }
0x92: {  	s4 =	sld [smem:$0x3FFB];
	_ =	sdelay $0x3  }
0x93: {  	_ =	strace s4  }
0x94: {  	s4 =	sld [smem:$0x3FFC];
	_ =	sdelay $0x3  }
0x95: {  	_ =	strace s4  }
0x96: {  	s4 =	sld [smem:$0x3FFD];
	_ =	sdelay $0x3  }
0x97: {  	_ =	strace s4  }
0x98: {  	_ =	strace $0x8FFFFFFF  }
0x99: {  	s19 =	sld [smem:$0x3FDB];
	_ =	sdelay $0x1  }
0x9a: {  	s5 =	simm.s32 $_scs_section_size  }
0x9b: {  	s6 =	simm.s32 $_size__tile_overlayer_lowered;
	s7 =	simm.s32 $_tile_overlayer_lowered  }
0x9c: {  	s22 =	simm.s32 $0x1BFF;
	s21 =	sshll.u32 s7, $0x1;
	s4 =	sadd.s32 s5, s19  }
0x9d: {  	s8 =	simm.s32 $0x0;
	s20 =	sshll.u32 s6, $0x1;
	s6 =	sadd.s32 s21, s4  }
0x9e: {  	[timem:s8], [sflag:s22] =	dma.local [hbm:s6], s20  }
0x9f: {  	_ =	swait.ge [sflag:s22], s20  }
0xa0: {  	s5 =	ssub.s32 $0x0, s20;
	[sflag:s22] =	ssyncset.done $0x0  }
0xa1: {  	[sflag:s22] =	ssyncadd.s32 s5;
	_ =	sdelay $0x1  }
0xa2: {  	s23 =	simm.s32 $0x1B8B  }
0xa3: {  	_ =	swait.ge [sflag:s23], $0x1  }
0xa4: {  	[sflag:s23] =	ssyncset.done $0x0  }
0xa5: {  	s25 =	simm.s32 $0x1B8E;
	s24 =	sld [smem:$0x3FFE];
	[sflag:s23] =	ssyncadd.s32 $0xFFFFFFFF  }
0xa6: {  	s26 =	simm.s32 $execute0_lowered;
	[smem:$0x3FD2] =	sst s25  }
0xa7: {  	s6 =	sshll.u32 s26, $0x1;
	_ =	strace $0x80000046;
	[dreg:$0x1] =	wrdreg $0xFFFFFFFF  }
0xa8: {  	s28 =	simm.s32 $_size_execute0_lowered;
	s4 =	sadd.s32 s4, s6;
	[dreg:$0x0] =	wrdreg $0x0  }
0xa9: {  	s6 =	sshll.u32 s28, $0x1;
	[dreg:$0x2] =	wrdreg s4  }
0xaa: {  	[dreg:$0x3] =	wrdreg s6  }
0xab: {  	[dreg:$0x4] =	wrdreg $0xC0  }
0xac: {  	_ =	task [dreg:s8], $0x5FFFF  }
0xad: {  	[dreg:$0x1] =	wrdreg $0xFFFFFFFF  }
0xae: {  	[dreg:$0x0] =	wrdreg $0x60  }
0xaf: {  	[dreg:$0x2] =	wrdreg s24  }
0xb0: {  	[dreg:$0x3] =	wrdreg s2  }
0xb1: {  	[dreg:$0x4] =	wrdreg s18  }
0xb2: {  	[dreg:$0x5] =	wrdreg $0x9  }
0xb3: {  	_ =	task.clear_ibuf [dreg:s8], $0x6FFFF;
	_ =	strace $0x90000046  }
0xb4: {  	s29 =	simm.s32 $0x9;
	_ =	strace $0x80000048  }
0xb5: {  	_ =	swait.ge [sflag:s29], $0x1  }
0xb6: {  	[sflag:s29] =	ssyncadd.s32 $0xFFFFFFFF  }
0xb7: {  	_ =	strace $0x90000048  }
0xb8: {  	_ =	sfence  }
0xb9: {  	s30 =	sld [smem:$0x0];
	_ =	sdelay $0x2  }
0xba: {  	s31 =	sshll.u32 s1, $0xD;
	s1 =	sshrl.u32 s1, $0x2  }
0xbb: {  	s3 =	sand.u32 $0x4000, s31;
	s1 =	sadd.s32 s1, s30  }
0xbc: {  	s0 =	sor.u32 s3, s0;
	s1 =	sshll.u32 s1, $0x11  }
0xbd: {  	s0 =	sor.u32 s1, s0  }
0xbe: {  	s0 =	sadd.s32 $0x8F2B, s0  }
0xbf: {  	[sflag:s0] =	ssyncadd.remote.s32 $0x1  }
0xc0: {  	_ =	sfence.sel $0xFFFF  }
0xc1: {  	[dreg:$0x0] =	wrdreg $0xFFFFFFFF;
	(pc) =	sbr.abs _section_cstart, $3  }
0xc2: {  	[dreg:$0x1] =	wrdreg $0xFFFFFFFF  }
0xc3: {  	_ =	task.clear_ibuf [dreg:s8], $0x2FFFF;
	_ =	strace $0x9FFFFFFF  }
0xc4: {  	(tm) =	ssettm $0x7FFFFFFF  }
0xc5: {  	_ =	shalt  }
tec
execute0_lowered:
.L_overlay_start_1:
0x0: {  	(tag) =	ssettag $0x1  }
0x1: {  	v0 =	vlaneseq.u32  }
0x2: {  	v0 =	vmul.u32 $0x10, v0;
	_ =	sdelay $0x1  }
0x3: {  	v1 =	vor.u32 $0x100, v0  }
0x4: {  	s0 =	rddreg [dreg:$0x0];
	[tilespmem:$0x1FD10] =	vst v1;
	v1 =	vor.u32 $0x200, v0  }
0x5: {  	s1 =	rddreg [dreg:$0x1];
	s5 =	simm.s32 $0x0;
	[tilespmem:$0x1FD20] =	vst v1;
	v1 =	vor.u32 $0x300, v0  }
0x6: {  	[smem:$0x7FF] =	sst s5;
	[tilespmem:$0x1FD30] =	vst v1;
	v1 =	vor.u32 $0x400, v0  }
0x7: {  	s21 =	rddreg [dreg:$0x2];
	_ =	strace $0x80000047;
	[tilespmem:$0x1FD40] =	vst v1;
	v1 =	vor.u32 $0x500, v0  }
0x8: {  	[tilespmem:$0x1FD50] =	vst v1;
	v1 =	vor.u32 $0x600, v0  }
0x9: {  	[tilespmem:$0x1FD60] =	vst v1;
	v1 =	vor.u32 $0x700, v0  }
0xa: {  	[tilespmem:$0x1FD70] =	vst v1;
	v1 =	vor.u32 $0x1, v0  }
0xb: {  	[tilespmem:$0x1FD80] =	vst v1;
	v1 =	vor.u32 $0x101, v0  }
0xc: {  	[tilespmem:$0x1FD90] =	vst v1;
	v1 =	vor.u32 $0x201, v0  }
0xd: {  	[tilespmem:$0x1FDA0] =	vst v1;
	v1 =	vor.u32 $0x301, v0  }
0xe: {  	[tilespmem:$0x1FDB0] =	vst v1;
	v1 =	vor.u32 $0x401, v0  }
0xf: {  	[tilespmem:$0x1FDC0] =	vst v1;
	v1 =	vor.u32 $0x501, v0  }
0x10: {  	[tilespmem:$0x1FDD0] =	vst v1;
	v1 =	vor.u32 $0x601, v0  }
0x11: {  	[tilespmem:$0x1FDE0] =	vst v1;
	v1 =	vor.u32 $0x701, v0  }
0x12: {  	[tilespmem:$0x1FDF0] =	vst v1;
	v1 =	vor.u32 $0x2, v0  }
0x13: {  	[tilespmem:$0x1FE00] =	vst v1;
	v1 =	vor.u32 $0x102, v0  }
0x14: {  	[tilespmem:$0x1FE10] =	vst v1;
	v1 =	vor.u32 $0x202, v0  }
0x15: {  	[tilespmem:$0x1FE20] =	vst v1;
	v1 =	vor.u32 $0x302, v0  }
0x16: {  	[tilespmem:$0x1FE30] =	vst v1;
	v1 =	vor.u32 $0x402, v0  }
0x17: {  	[tilespmem:$0x1FE40] =	vst v1;
	v1 =	vor.u32 $0x502, v0  }
0x18: {  	[tilespmem:$0x1FE50] =	vst v1;
	v1 =	vor.u32 $0x602, v0  }
0x19: {  	[tilespmem:$0x1FE60] =	vst v1;
	v1 =	vor.u32 $0x702, v0  }
0x1a: {  	[tilespmem:$0x1FE70] =	vst v1;
	v1 =	vor.u32 $0x3, v0  }
0x1b: {  	[tilespmem:$0x1FE80] =	vst v1;
	v1 =	vor.u32 $0x103, v0  }
0x1c: {  	[tilespmem:$0x1FE90] =	vst v1;
	v1 =	vor.u32 $0x203, v0  }
0x1d: {  	[tilespmem:$0x1FEA0] =	vst v1;
	v1 =	vor.u32 $0x303, v0  }
0x1e: {  	[tilespmem:$0x1FEB0] =	vst v1;
	v1 =	vor.u32 $0x403, v0  }
0x1f: {  	[tilespmem:$0x1FEC0] =	vst v1;
	v1 =	vor.u32 $0x503, v0  }
0x20: {  	[tilespmem:$0x1FED0] =	vst v1;
	v1 =	vor.u32 $0x603, v0  }
0x21: {  	[tilespmem:$0x1FEE0] =	vst v1;
	v1 =	vor.u32 $0x703, v0  }
0x22: {  	[tilespmem:$0x1FEF0] =	vst v1;
	v1 =	vor.u32 $0x4, v0  }
0x23: {  	[tilespmem:$0x1FF00] =	vst v1;
	v1 =	vor.u32 $0x104, v0  }
0x24: {  	[tilespmem:$0x1FF10] =	vst v1;
	v1 =	vor.u32 $0x204, v0  }
0x25: {  	[tilespmem:$0x1FF20] =	vst v1;
	v1 =	vor.u32 $0x304, v0  }
0x26: {  	s2 =	srdreg.scid;
	s3 =	stileid.u32;
	[tilespmem:$0x1FF30] =	vst v1;
	v1 =	vor.u32 $0x404, v0  }
0x27: {  	s2 =	sand.u32 $0x1, s2;
	s4 =	sshll.u32 s3, $0x1;
	[tilespmem:$0x1FF40] =	vst v1;
	v1 =	vor.u32 $0x504, v0  }
0x28: {  	s22 =	sadd.s32 $0xC00, s0;
	s20 =	sor.u32 s2, s4;
	[tilespmem:$0x1FF50] =	vst v1;
	v1 =	vor.u32 $0x604, v0  }
0x29: {  	s23 =	sadd.s32 $0x32E00, s0;
	s6 =	sshll.u32 s20, $0x4;
	[dreg:$0x8] =	wrdreg s22;
	[tilespmem:$0x1FF60] =	vst v1;
	v1 =	vor.u32 $0x704, v0  }
0x2a: {  	s7 =	sadd.s32 s6, s0;
	s0 =	sadd.s32 $0x32C00, s0;
	[dreg:$0x9] =	wrdreg s23;
	[tilespmem:$0x1FF70] =	vst v1;
	v1 =	vor.u32 $0x5, v0  }
0x2b: {  	s18 =	simm.s32 $0x6C80;
	v48 =	vor.u32 $0x6, v0;
	s25 =	sadd.s32 $0x33000, s7;
	[dreg:$0xa] =	wrdreg s0;
	[tilespmem:$0x1FF80] =	vst v1;
	v1 =	vor.u32 $0x105, v0  }
0x2c: {  	s17 =	simm.s32 $0x8100;
	v49 =	vor.u32 $0x106, v0;
	v50 =	vor.u32 $0x206, v0;
	s1 =	sadd.s32 s1, s6;
	[dreg:$0xb] =	wrdreg s25;
	[tilespmem:$0x1FF90] =	vst v1;
	v1 =	vor.u32 $0x205, v0  }
0x2d: {  	s29 =	simm.s32 $0xA100;
	s26 =	sshll.u32 s20, $0x7;
	v51 =	vor.u32 $0x306, v0;
	v52 =	vor.u32 $0x406, v0;
	[dreg:$0xc] =	wrdreg s1;
	[tilespmem:$0x1FFA0] =	vst v1;
	v1 =	vor.u32 $0x305, v0  }
0x2e: {  	s28 =	sadd.s32 $0x1000, s21;
	s2 =	ssub.s32 $0x2, s2;
	v53 =	vor.u32 $0x506, v0;
	v54 =	vor.u32 $0x606, v0;
	[dreg:$0xd] =	wrdreg s26;
	[tilespmem:$0x1FFB0] =	vst v1;
	v1 =	vor.u32 $0x405, v0  }
0x2f: {  	s30 =	sadd.s32 $0x2000, s21;
	s8 =	sshrl.u32 s2, $0x1;
	v55 =	vor.u32 $0x706, v0;
	v56 =	vor.u32 $0x7, v0;
	[dreg:$0xe] =	wrdreg s28;
	[tilespmem:$0x1FFC0] =	vst v1;
	v1 =	vor.u32 $0x505, v0  }
0x30: {  	s31 =	sadd.s32 $0x3000, s21;
	v57 =	vor.u32 $0x107, v0;
	v58 =	vor.u32 $0x207, v0;
	s24 =	ssub.s32 s2, s8;
	[dreg:$0xf] =	wrdreg s30;
	[tilespmem:$0x1FFD0] =	vst v1;
	v1 =	vor.u32 $0x605, v0  }
0x31: {  	s3 =	simm.s32 $0x0;
	v59 =	vor.u32 $0x307, v0;
	v60 =	vor.u32 $0x407, v0;
	[dreg:$0x10] =	wrdreg s31;
	s0 =	smax.u32 s24, $0x1;
	[tilespmem:$0x1FFE0] =	vst v1;
	v1 =	vor.u32 $0x705, v0  }
0x32: {  	v61 =	vor.u32 $0x507, v0;
	v62 =	vor.u32 $0x607, v0;
	v63 =	vor.u32 $0x707, v0;
	s24 =	simm.s32 $0x9100;
	[dreg:$0x11] =	wrdreg s0;
	s0 =	simm.s32 $0xB100;
	[tilespmem:$0x1FFF0] =	vst v1  }
.LBB2_1:
0x33: {  	[dreg:$0x12] =	wrdreg s3  }
0x34: {  	s1 =	simm.s32 $0x0;
	s2 =	rddreg [dreg:$0xb]  }
0x35: {  	s11 =	simm.s32 $0x80;
	s4 =	simm.s32 $0x1000;
	s12 =	simm.s32 $0xA  }
0x36: {  	[tilespmem:s1], [sflag:$0xA] =	stream.strided.gather [hbm4b:s2+s11], $0x6400, s4, s11, $0x38;
	[tilespmem:$0x10100] =	vst v63  }
0x37: {  	_ =	swait.ge [sflag:s12], $0x6400  }
0x38: {  	[sflag:s12] =	ssyncset.done $0x0  }
0x39: {  	s5 =	simm.s32 $0x6400;
	s13 =	rddreg [dreg:$0xc];
	[sflag:s12] =	ssyncadd.s32 $0xFFFF9C00  }
0x3a: {  	[tilespmem:s5], [sflag:$0xA] =	stream.linear.gather [hbm4b:s13+s1], $0x80, $0x38;
	[tilespmem:$0x10100] =	vst v63  }
0x3b: {  	_ =	swait.ge [sflag:s12], $0x80  }
0x3c: {  	[sflag:s12] =	ssyncset.done $0x0  }
0x3d: {  	s14 =	rddreg [dreg:$0xa];
	[sflag:s12] =	ssyncadd.s32 $0xFFFFFF80  }
0x3e: {  	[tilespmem:s18], [sflag:$0xA] =	stream.linear.gather [hbm4b:s14+s1], $0xC80, $0x38;
	[tilespmem:$0x10100] =	vst v63  }
0x3f: {  	_ =	swait.ge [sflag:s12], $0xC80  }
0x40: {  	s16 =	simm.s32 $0x6480;
	[sflag:s12] =	ssyncset.done $0x0  }
0x41: {  	s19 =	simm.s32 $0x9;
	s15 =	rddreg [dreg:$0x9];
	[sflag:s12] =	ssyncadd.s32 $0xFFFFF380  }
0x42: {  	[tilespmem:s16], [sflag:$0x9] =	stream.indirect.gather [hbm4b:s15+s11], $0x10, s5, s11, $0xb8;
	[tilespmem:$0x10100] =	vst v63  }
0x43: {  	_ =	swait.ge [sflag:s19], $0x800  }
0x44: {  	[sflag:s19] =	ssyncset.done $0x0  }
0x45: {  	[sflag:s19] =	ssyncadd.s32 $0xFFFFF800  }
0x46: {  	v1 =	vld.idx.msk [tilespmem:v0+s16+$0x0], $0xffff;
	_ =	sdelay $0x4  }
0x47: {  	[tilespmem:$0x7900] =	vst v1;
	v1 =	vld [tilespmem:$0x1FD10];
	_ =	sdelay $0x7  }
0x48: {  	v1 =	vld.idx.msk [tilespmem:v1+s16+$0x0], $0xffff;
	_ =	sdelay $0x4  }
0x49: {  	[tilespmem:$0x7910] =	vst v1;
	v1 =	vld [tilespmem:$0x1FD20];
	_ =	sdelay $0x7  }
0x4a: {  	v1 =	vld.idx.msk [tilespmem:v1+s16+$0x0], $0xffff;
	_ =	sdelay $0x4  }
0x4b: {  	[tilespmem:$0x7920] =	vst v1;
	v1 =	vld [tilespmem:$0x1FD30];
	_ =	sdelay $0x7  }
0x4c: {  	v1 =	vld.idx.msk [tilespmem:v1+s16+$0x0], $0xffff;
	_ =	sdelay $0x4  }
0x4d: {  	[tilespmem:$0x7930] =	vst v1;
	v1 =	vld [tilespmem:$0x1FD40];
	_ =	sdelay $0x7  }
0x4e: {  	v1 =	vld.idx.msk [tilespmem:v1+s16+$0x0], $0xffff;
	_ =	sdelay $0x4  }
0x4f: {  	[tilespmem:$0x7940] =	vst v1;
	v1 =	vld [tilespmem:$0x1FD50];
	_ =	sdelay $0x7  }
0x50: {  	v1 =	vld.idx.msk [tilespmem:v1+s16+$0x0], $0xffff;
	_ =	sdelay $0x4  }
0x51: {  	[tilespmem:$0x7950] =	vst v1;
	v1 =	vld [tilespmem:$0x1FD60];
	_ =	sdelay $0x7  }
0x52: {  	v1 =	vld.idx.msk [tilespmem:v1+s16+$0x0], $0xffff;
	_ =	sdelay $0x4  }
0x53: {  	[tilespmem:$0x7960] =	vst v1;
	v1 =	vld [tilespmem:$0x1FD70];
	_ =	sdelay $0x7  }
0x54: {  	v1 =	vld.idx.msk [tilespmem:v1+s16+$0x0], $0xffff;
	_ =	sdelay $0x4  }
0x55: {  	[tilespmem:$0x7970] =	vst v1;
	v1 =	vld [tilespmem:$0x1FD80];
	_ =	sdelay $0x7  }
0x56: {  	v1 =	vld.idx.msk [tilespmem:v1+s16+$0x0], $0xffff;
	_ =	sdelay $0x4  }
0x57: {  	[tilespmem:$0x7980] =	vst v1;
	v1 =	vld [tilespmem:$0x1FD90];
	_ =	sdelay $0x7  }
0x58: {  	v1 =	vld.idx.msk [tilespmem:v1+s16+$0x0], $0xffff;
	_ =	sdelay $0x4  }
0x59: {  	[tilespmem:$0x7990] =	vst v1;
	v1 =	vld [tilespmem:$0x1FDA0];
	_ =	sdelay $0x7  }
0x5a: {  	v1 =	vld.idx.msk [tilespmem:v1+s16+$0x0], $0xffff;
	_ =	sdelay $0x4  }
0x5b: {  	[tilespmem:$0x79A0] =	vst v1;
	v1 =	vld [tilespmem:$0x1FDB0];
	_ =	sdelay $0x7  }
0x5c: {  	v1 =	vld.idx.msk [tilespmem:v1+s16+$0x0], $0xffff;
	_ =	sdelay $0x4  }
0x5d: {  	[tilespmem:$0x79B0] =	vst v1;
	v1 =	vld [tilespmem:$0x1FDC0];
	_ =	sdelay $0x7  }
0x5e: {  	v1 =	vld.idx.msk [tilespmem:v1+s16+$0x0], $0xffff;
	_ =	sdelay $0x4  }
0x5f: {  	[tilespmem:$0x79C0] =	vst v1;
	v1 =	vld [tilespmem:$0x1FDD0];
	_ =	sdelay $0x7  }
0x60: {  	v1 =	vld.idx.msk [tilespmem:v1+s16+$0x0], $0xffff;
	_ =	sdelay $0x4  }
0x61: {  	[tilespmem:$0x79D0] =	vst v1;
	v1 =	vld [tilespmem:$0x1FDE0];
	_ =	sdelay $0x7  }
0x62: {  	v1 =	vld.idx.msk [tilespmem:v1+s16+$0x0], $0xffff;
	_ =	sdelay $0x4  }
0x63: {  	[tilespmem:$0x79E0] =	vst v1;
	v1 =	vld [tilespmem:$0x1FDF0];
	_ =	sdelay $0x7  }
0x64: {  	v1 =	vld.idx.msk [tilespmem:v1+s16+$0x0], $0xffff;
	_ =	sdelay $0x4  }
0x65: {  	[tilespmem:$0x79F0] =	vst v1;
	v1 =	vld [tilespmem:$0x1FE00];
	_ =	sdelay $0x7  }
0x66: {  	v1 =	vld.idx.msk [tilespmem:v1+s16+$0x0], $0xffff;
	_ =	sdelay $0x4  }
0x67: {  	[tilespmem:$0x7A00] =	vst v1;
	v1 =	vld [tilespmem:$0x1FE10];
	_ =	sdelay $0x7  }
0x68: {  	v1 =	vld.idx.msk [tilespmem:v1+s16+$0x0], $0xffff;
	_ =	sdelay $0x4  }
0x69: {  	[tilespmem:$0x7A10] =	vst v1;
	v1 =	vld [tilespmem:$0x1FE20];
	_ =	sdelay $0x7  }
0x6a: {  	v1 =	vld.idx.msk [tilespmem:v1+s16+$0x0], $0xffff;
	_ =	sdelay $0x4  }
0x6b: {  	[tilespmem:$0x7A20] =	vst v1;
	v1 =	vld [tilespmem:$0x1FE30];
	_ =	sdelay $0x7  }
0x6c: {  	v1 =	vld.idx.msk [tilespmem:v1+s16+$0x0], $0xffff;
	_ =	sdelay $0x4  }
0x6d: {  	[tilespmem:$0x7A30] =	vst v1;
	v1 =	vld [tilespmem:$0x1FE40];
	_ =	sdelay $0x7  }
0x6e: {  	v1 =	vld.idx.msk [tilespmem:v1+s16+$0x0], $0xffff;
	_ =	sdelay $0x4  }
0x6f: {  	[tilespmem:$0x7A40] =	vst v1;
	v1 =	vld [tilespmem:$0x1FE50];
	_ =	sdelay $0x7  }
0x70: {  	v1 =	vld.idx.msk [tilespmem:v1+s16+$0x0], $0xffff;
	_ =	sdelay $0x4  }
0x71: {  	[tilespmem:$0x7A50] =	vst v1;
	v1 =	vld [tilespmem:$0x1FE60];
	_ =	sdelay $0x7  }
0x72: {  	v1 =	vld.idx.msk [tilespmem:v1+s16+$0x0], $0xffff;
	_ =	sdelay $0x4  }
0x73: {  	[tilespmem:$0x7A60] =	vst v1;
	v1 =	vld [tilespmem:$0x1FE70];
	_ =	sdelay $0x7  }
0x74: {  	v1 =	vld.idx.msk [tilespmem:v1+s16+$0x0], $0xffff;
	_ =	sdelay $0x4  }
0x75: {  	[tilespmem:$0x7A70] =	vst v1;
	v1 =	vld [tilespmem:$0x1FE80];
	_ =	sdelay $0x7  }
0x76: {  	v1 =	vld.idx.msk [tilespmem:v1+s16+$0x0], $0xffff;
	_ =	sdelay $0x4  }
0x77: {  	[tilespmem:$0x7A80] =	vst v1;
	v1 =	vld [tilespmem:$0x1FE90];
	_ =	sdelay $0x7  }
0x78: {  	v1 =	vld.idx.msk [tilespmem:v1+s16+$0x0], $0xffff;
	_ =	sdelay $0x4  }
0x79: {  	[tilespmem:$0x7A90] =	vst v1;
	v1 =	vld [tilespmem:$0x1FEA0];
	_ =	sdelay $0x7  }
0x7a: {  	v1 =	vld.idx.msk [tilespmem:v1+s16+$0x0], $0xffff;
	_ =	sdelay $0x4  }
0x7b: {  	[tilespmem:$0x7AA0] =	vst v1;
	v1 =	vld [tilespmem:$0x1FEB0];
	_ =	sdelay $0x7  }
0x7c: {  	v1 =	vld.idx.msk [tilespmem:v1+s16+$0x0], $0xffff;
	_ =	sdelay $0x4  }
0x7d: {  	[tilespmem:$0x7AB0] =	vst v1;
	v1 =	vld [tilespmem:$0x1FEC0];
	_ =	sdelay $0x7  }
0x7e: {  	v1 =	vld.idx.msk [tilespmem:v1+s16+$0x0], $0xffff;
	_ =	sdelay $0x4  }
0x7f: {  	[tilespmem:$0x7AC0] =	vst v1;
	v1 =	vld [tilespmem:$0x1FED0];
	_ =	sdelay $0x7  }
0x80: {  	v1 =	vld.idx.msk [tilespmem:v1+s16+$0x0], $0xffff;
	_ =	sdelay $0x4  }
0x81: {  	[tilespmem:$0x7AD0] =	vst v1;
	v1 =	vld [tilespmem:$0x1FEE0];
	_ =	sdelay $0x7  }
0x82: {  	v1 =	vld.idx.msk [tilespmem:v1+s16+$0x0], $0xffff;
	_ =	sdelay $0x4  }
0x83: {  	[tilespmem:$0x7AE0] =	vst v1;
	v1 =	vld [tilespmem:$0x1FEF0];
	_ =	sdelay $0x7  }
0x84: {  	v1 =	vld.idx.msk [tilespmem:v1+s16+$0x0], $0xffff;
	_ =	sdelay $0x4  }
0x85: {  	[tilespmem:$0x7AF0] =	vst v1;
	v1 =	vld [tilespmem:$0x1FF00];
	_ =	sdelay $0x7  }
0x86: {  	v1 =	vld.idx.msk [tilespmem:v1+s16+$0x0], $0xffff;
	_ =	sdelay $0x4  }
0x87: {  	[tilespmem:$0x7B00] =	vst v1;
	v1 =	vld [tilespmem:$0x1FF10];
	_ =	sdelay $0x7  }
0x88: {  	v1 =	vld.idx.msk [tilespmem:v1+s16+$0x0], $0xffff;
	_ =	sdelay $0x4  }
0x89: {  	[tilespmem:$0x7B10] =	vst v1;
	v1 =	vld [tilespmem:$0x1FF20];
	_ =	sdelay $0x7  }
0x8a: {  	v1 =	vld.idx.msk [tilespmem:v1+s16+$0x0], $0xffff;
	_ =	sdelay $0x4  }
0x8b: {  	[tilespmem:$0x7B20] =	vst v1;
	v1 =	vld [tilespmem:$0x1FF30];
	_ =	sdelay $0x7  }
0x8c: {  	v1 =	vld.idx.msk [tilespmem:v1+s16+$0x0], $0xffff;
	_ =	sdelay $0x4  }
0x8d: {  	[tilespmem:$0x7B30] =	vst v1;
	v1 =	vld [tilespmem:$0x1FF40];
	_ =	sdelay $0x7  }
0x8e: {  	v1 =	vld.idx.msk [tilespmem:v1+s16+$0x0], $0xffff;
	_ =	sdelay $0x4  }
0x8f: {  	[tilespmem:$0x7B40] =	vst v1;
	v1 =	vld [tilespmem:$0x1FF50];
	_ =	sdelay $0x7  }
0x90: {  	v1 =	vld.idx.msk [tilespmem:v1+s16+$0x0], $0xffff;
	_ =	sdelay $0x4  }
0x91: {  	[tilespmem:$0x7B50] =	vst v1;
	v1 =	vld [tilespmem:$0x1FF60];
	_ =	sdelay $0x7  }
0x92: {  	v1 =	vld.idx.msk [tilespmem:v1+s16+$0x0], $0xffff;
	_ =	sdelay $0x4  }
0x93: {  	[tilespmem:$0x7B60] =	vst v1;
	v1 =	vld [tilespmem:$0x1FF70];
	_ =	sdelay $0x7  }
0x94: {  	v1 =	vld.idx.msk [tilespmem:v1+s16+$0x0], $0xffff;
	_ =	sdelay $0x4  }
0x95: {  	[tilespmem:$0x7B70] =	vst v1;
	v1 =	vld [tilespmem:$0x1FF80];
	_ =	sdelay $0x7  }
0x96: {  	v1 =	vld.idx.msk [tilespmem:v1+s16+$0x0], $0xffff;
	_ =	sdelay $0x4  }
0x97: {  	[tilespmem:$0x7B80] =	vst v1;
	v1 =	vld [tilespmem:$0x1FF90];
	_ =	sdelay $0x7  }
0x98: {  	v1 =	vld.idx.msk [tilespmem:v1+s16+$0x0], $0xffff;
	_ =	sdelay $0x4  }
0x99: {  	[tilespmem:$0x7B90] =	vst v1;
	v1 =	vld [tilespmem:$0x1FFA0];
	_ =	sdelay $0x7  }
0x9a: {  	v1 =	vld.idx.msk [tilespmem:v1+s16+$0x0], $0xffff;
	_ =	sdelay $0x4  }
0x9b: {  	[tilespmem:$0x7BA0] =	vst v1;
	v1 =	vld [tilespmem:$0x1FFB0];
	_ =	sdelay $0x7  }
0x9c: {  	v1 =	vld.idx.msk [tilespmem:v1+s16+$0x0], $0xffff;
	_ =	sdelay $0x4  }
0x9d: {  	[tilespmem:$0x7BB0] =	vst v1;
	v1 =	vld [tilespmem:$0x1FFC0];
	_ =	sdelay $0x7  }
0x9e: {  	v1 =	vld.idx.msk [tilespmem:v1+s16+$0x0], $0xffff;
	_ =	sdelay $0x4  }
0x9f: {  	[tilespmem:$0x7BC0] =	vst v1;
	v1 =	vld [tilespmem:$0x1FFD0];
	_ =	sdelay $0x7  }
0xa0: {  	v1 =	vld.idx.msk [tilespmem:v1+s16+$0x0], $0xffff;
	_ =	sdelay $0x4  }
0xa1: {  	[tilespmem:$0x7BD0] =	vst v1;
	v1 =	vld [tilespmem:$0x1FFE0];
	_ =	sdelay $0x7  }
0xa2: {  	v1 =	vld.idx.msk [tilespmem:v1+s16+$0x0], $0xffff;
	_ =	sdelay $0x4  }
0xa3: {  	[tilespmem:$0x7BE0] =	vst v1;
	v1 =	vld [tilespmem:$0x1FFF0];
	_ =	sdelay $0x7  }
0xa4: {  	v1 =	vld.idx.msk [tilespmem:v1+s16+$0x0], $0xffff;
	_ =	sdelay $0x4  }
0xa5: {  	[tilespmem:$0x7BF0] =	vst v1  }
0xa6: {  	v1 =	vld.idx.msk [tilespmem:v48+s16+$0x0], $0xffff;
	_ =	sdelay $0x4  }
0xa7: {  	[tilespmem:$0x7C00] =	vst v1  }
0xa8: {  	v1 =	vld.idx.msk [tilespmem:v49+s16+$0x0], $0xffff;
	_ =	sdelay $0x4  }
0xa9: {  	[tilespmem:$0x7C10] =	vst v1  }
0xaa: {  	v1 =	vld.idx.msk [tilespmem:v50+s16+$0x0], $0xffff;
	_ =	sdelay $0x4  }
0xab: {  	[tilespmem:$0x7C20] =	vst v1  }
0xac: {  	v1 =	vld.idx.msk [tilespmem:v51+s16+$0x0], $0xffff;
	_ =	sdelay $0x4  }
0xad: {  	[tilespmem:$0x7C30] =	vst v1  }
0xae: {  	v1 =	vld.idx.msk [tilespmem:v52+s16+$0x0], $0xffff;
	_ =	sdelay $0x4  }
0xaf: {  	[tilespmem:$0x7C40] =	vst v1  }
0xb0: {  	v1 =	vld.idx.msk [tilespmem:v53+s16+$0x0], $0xffff;
	_ =	sdelay $0x4  }
0xb1: {  	[tilespmem:$0x7C50] =	vst v1  }
0xb2: {  	v1 =	vld.idx.msk [tilespmem:v54+s16+$0x0], $0xffff;
	_ =	sdelay $0x4  }
0xb3: {  	[tilespmem:$0x7C60] =	vst v1  }
0xb4: {  	v1 =	vld.idx.msk [tilespmem:v55+s16+$0x0], $0xffff;
	_ =	sdelay $0x4  }
0xb5: {  	[tilespmem:$0x7C70] =	vst v1  }
0xb6: {  	v1 =	vld.idx.msk [tilespmem:v56+s16+$0x0], $0xffff;
	_ =	sdelay $0x4  }
0xb7: {  	[tilespmem:$0x7C80] =	vst v1  }
0xb8: {  	v1 =	vld.idx.msk [tilespmem:v57+s16+$0x0], $0xffff;
	_ =	sdelay $0x4  }
0xb9: {  	[tilespmem:$0x7C90] =	vst v1  }
0xba: {  	v1 =	vld.idx.msk [tilespmem:v58+s16+$0x0], $0xffff;
	_ =	sdelay $0x4  }
0xbb: {  	[tilespmem:$0x7CA0] =	vst v1  }
0xbc: {  	v1 =	vld.idx.msk [tilespmem:v59+s16+$0x0], $0xffff;
	_ =	sdelay $0x4  }
0xbd: {  	[tilespmem:$0x7CB0] =	vst v1  }
0xbe: {  	v1 =	vld.idx.msk [tilespmem:v60+s16+$0x0], $0xffff;
	_ =	sdelay $0x4  }
0xbf: {  	[tilespmem:$0x7CC0] =	vst v1  }
0xc0: {  	v1 =	vld.idx.msk [tilespmem:v61+s16+$0x0], $0xffff;
	_ =	sdelay $0x4  }
0xc1: {  	[tilespmem:$0x7CD0] =	vst v1  }
0xc2: {  	v1 =	vld.idx.msk [tilespmem:v62+s16+$0x0], $0xffff;
	_ =	sdelay $0x4  }
0xc3: {  	[tilespmem:$0x7CE0] =	vst v1  }
0xc4: {  	v1 =	vld.idx.msk [tilespmem:v63+s16+$0x0], $0xffff  }
0xc5: {  	v2 =	vor.u32 $0x8, v0;
	_ =	sdelay $0x3  }
0xc6: {  	[tilespmem:$0x7CF0] =	vst v1  }
0xc7: {  	v1 =	vld.idx.msk [tilespmem:v2+s16+$0x0], $0xffff  }
0xc8: {  	v2 =	vor.u32 $0x108, v0;
	_ =	sdelay $0x3  }
0xc9: {  	[tilespmem:$0x7D00] =	vst v1  }
0xca: {  	v1 =	vld.idx.msk [tilespmem:v2+s16+$0x0], $0xffff  }
0xcb: {  	v2 =	vor.u32 $0x208, v0;
	_ =	sdelay $0x3  }
0xcc: {  	[tilespmem:$0x7D10] =	vst v1  }
0xcd: {  	v1 =	vld.idx.msk [tilespmem:v2+s16+$0x0], $0xffff  }
0xce: {  	v2 =	vor.u32 $0x308, v0;
	_ =	sdelay $0x3  }
0xcf: {  	[tilespmem:$0x7D20] =	vst v1  }
0xd0: {  	v1 =	vld.idx.msk [tilespmem:v2+s16+$0x0], $0xffff  }
0xd1: {  	v2 =	vor.u32 $0x408, v0;
	_ =	sdelay $0x3  }
0xd2: {  	[tilespmem:$0x7D30] =	vst v1  }
0xd3: {  	v1 =	vld.idx.msk [tilespmem:v2+s16+$0x0], $0xffff  }
0xd4: {  	v2 =	vor.u32 $0x508, v0;
	_ =	sdelay $0x3  }
0xd5: {  	[tilespmem:$0x7D40] =	vst v1  }
0xd6: {  	v1 =	vld.idx.msk [tilespmem:v2+s16+$0x0], $0xffff  }
0xd7: {  	v2 =	vor.u32 $0x608, v0;
	_ =	sdelay $0x3  }
0xd8: {  	[tilespmem:$0x7D50] =	vst v1  }
0xd9: {  	v1 =	vld.idx.msk [tilespmem:v2+s16+$0x0], $0xffff  }
0xda: {  	v2 =	vor.u32 $0x708, v0;
	_ =	sdelay $0x3  }
0xdb: {  	[tilespmem:$0x7D60] =	vst v1  }
0xdc: {  	v1 =	vld.idx.msk [tilespmem:v2+s16+$0x0], $0xffff  }
0xdd: {  	v2 =	vor.u32 $0x9, v0;
	_ =	sdelay $0x3  }
0xde: {  	[tilespmem:$0x7D70] =	vst v1  }
0xdf: {  	v1 =	vld.idx.msk [tilespmem:v2+s16+$0x0], $0xffff  }
0xe0: {  	v2 =	vor.u32 $0x109, v0;
	_ =	sdelay $0x3  }
0xe1: {  	[tilespmem:$0x7D80] =	vst v1  }
0xe2: {  	v1 =	vld.idx.msk [tilespmem:v2+s16+$0x0], $0xffff  }
0xe3: {  	v2 =	vor.u32 $0x209, v0;
	_ =	sdelay $0x3  }
0xe4: {  	[tilespmem:$0x7D90] =	vst v1  }
0xe5: {  	v1 =	vld.idx.msk [tilespmem:v2+s16+$0x0], $0xffff  }
0xe6: {  	v2 =	vor.u32 $0x309, v0;
	_ =	sdelay $0x3  }
0xe7: {  	[tilespmem:$0x7DA0] =	vst v1  }
0xe8: {  	v1 =	vld.idx.msk [tilespmem:v2+s16+$0x0], $0xffff  }
0xe9: {  	v2 =	vor.u32 $0x409, v0;
	_ =	sdelay $0x3  }
0xea: {  	[tilespmem:$0x7DB0] =	vst v1  }
0xeb: {  	v1 =	vld.idx.msk [tilespmem:v2+s16+$0x0], $0xffff  }
0xec: {  	v2 =	vor.u32 $0x509, v0;
	_ =	sdelay $0x3  }
0xed: {  	[tilespmem:$0x7DC0] =	vst v1  }
0xee: {  	v1 =	vld.idx.msk [tilespmem:v2+s16+$0x0], $0xffff  }
0xef: {  	v2 =	vor.u32 $0x609, v0;
	_ =	sdelay $0x3  }
0xf0: {  	[tilespmem:$0x7DD0] =	vst v1  }
0xf1: {  	v1 =	vld.idx.msk [tilespmem:v2+s16+$0x0], $0xffff  }
0xf2: {  	v2 =	vor.u32 $0x709, v0;
	_ =	sdelay $0x3  }
0xf3: {  	[tilespmem:$0x7DE0] =	vst v1  }
0xf4: {  	v1 =	vld.idx.msk [tilespmem:v2+s16+$0x0], $0xffff  }
0xf5: {  	v2 =	vor.u32 $0xA, v0;
	_ =	sdelay $0x3  }
0xf6: {  	[tilespmem:$0x7DF0] =	vst v1  }
0xf7: {  	v1 =	vld.idx.msk [tilespmem:v2+s16+$0x0], $0xffff  }
0xf8: {  	v2 =	vor.u32 $0x10A, v0;
	_ =	sdelay $0x3  }
0xf9: {  	[tilespmem:$0x7E00] =	vst v1  }
0xfa: {  	v1 =	vld.idx.msk [tilespmem:v2+s16+$0x0], $0xffff  }
0xfb: {  	v2 =	vor.u32 $0x20A, v0;
	_ =	sdelay $0x3  }
0xfc: {  	[tilespmem:$0x7E10] =	vst v1  }
0xfd: {  	v1 =	vld.idx.msk [tilespmem:v2+s16+$0x0], $0xffff  }
0xfe: {  	v2 =	vor.u32 $0x30A, v0;
	_ =	sdelay $0x3  }
0xff: {  	[tilespmem:$0x7E20] =	vst v1  }
0x100: {  	v1 =	vld.idx.msk [tilespmem:v2+s16+$0x0], $0xffff  }
0x101: {  	v2 =	vor.u32 $0x40A, v0;
	_ =	sdelay $0x3  }
0x102: {  	[tilespmem:$0x7E30] =	vst v1  }
0x103: {  	v1 =	vld.idx.msk [tilespmem:v2+s16+$0x0], $0xffff  }
0x104: {  	v2 =	vor.u32 $0x50A, v0;
	_ =	sdelay $0x3  }
0x105: {  	[tilespmem:$0x7E40] =	vst v1  }
0x106: {  	v1 =	vld.idx.msk [tilespmem:v2+s16+$0x0], $0xffff  }
0x107: {  	v2 =	vor.u32 $0x60A, v0;
	_ =	sdelay $0x3  }
0x108: {  	[tilespmem:$0x7E50] =	vst v1  }
0x109: {  	v1 =	vld.idx.msk [tilespmem:v2+s16+$0x0], $0xffff  }
0x10a: {  	v2 =	vor.u32 $0x70A, v0;
	_ =	sdelay $0x3  }
0x10b: {  	[tilespmem:$0x7E60] =	vst v1  }
0x10c: {  	v1 =	vld.idx.msk [tilespmem:v2+s16+$0x0], $0xffff  }
0x10d: {  	v2 =	vor.u32 $0xB, v0;
	_ =	sdelay $0x3  }
0x10e: {  	[tilespmem:$0x7E70] =	vst v1  }
0x10f: {  	v1 =	vld.idx.msk [tilespmem:v2+s16+$0x0], $0xffff  }
0x110: {  	v2 =	vor.u32 $0x10B, v0;
	_ =	sdelay $0x3  }
0x111: {  	[tilespmem:$0x7E80] =	vst v1  }
0x112: {  	v1 =	vld.idx.msk [tilespmem:v2+s16+$0x0], $0xffff  }
0x113: {  	v2 =	vor.u32 $0x20B, v0;
	_ =	sdelay $0x3  }
0x114: {  	[tilespmem:$0x7E90] =	vst v1  }
0x115: {  	v1 =	vld.idx.msk [tilespmem:v2+s16+$0x0], $0xffff  }
0x116: {  	v2 =	vor.u32 $0x30B, v0;
	_ =	sdelay $0x3  }
0x117: {  	[tilespmem:$0x7EA0] =	vst v1  }
0x118: {  	v1 =	vld.idx.msk [tilespmem:v2+s16+$0x0], $0xffff  }
0x119: {  	v2 =	vor.u32 $0x40B, v0;
	_ =	sdelay $0x3  }
0x11a: {  	[tilespmem:$0x7EB0] =	vst v1  }
0x11b: {  	v1 =	vld.idx.msk [tilespmem:v2+s16+$0x0], $0xffff  }
0x11c: {  	v2 =	vor.u32 $0x50B, v0;
	_ =	sdelay $0x3  }
0x11d: {  	[tilespmem:$0x7EC0] =	vst v1  }
0x11e: {  	v1 =	vld.idx.msk [tilespmem:v2+s16+$0x0], $0xffff  }
0x11f: {  	v2 =	vor.u32 $0x60B, v0;
	_ =	sdelay $0x3  }
0x120: {  	[tilespmem:$0x7ED0] =	vst v1  }
0x121: {  	v1 =	vld.idx.msk [tilespmem:v2+s16+$0x0], $0xffff  }
0x122: {  	v2 =	vor.u32 $0x70B, v0;
	_ =	sdelay $0x3  }
0x123: {  	[tilespmem:$0x7EE0] =	vst v1  }
0x124: {  	v1 =	vld.idx.msk [tilespmem:v2+s16+$0x0], $0xffff  }
0x125: {  	v2 =	vor.u32 $0xC, v0;
	_ =	sdelay $0x3  }
0x126: {  	[tilespmem:$0x7EF0] =	vst v1  }
0x127: {  	v1 =	vld.idx.msk [tilespmem:v2+s16+$0x0], $0xffff  }
0x128: {  	v2 =	vor.u32 $0x10C, v0;
	_ =	sdelay $0x3  }
0x129: {  	[tilespmem:$0x7F00] =	vst v1  }
0x12a: {  	v1 =	vld.idx.msk [tilespmem:v2+s16+$0x0], $0xffff  }
0x12b: {  	v2 =	vor.u32 $0x20C, v0;
	_ =	sdelay $0x3  }
0x12c: {  	[tilespmem:$0x7F10] =	vst v1  }
0x12d: {  	v1 =	vld.idx.msk [tilespmem:v2+s16+$0x0], $0xffff  }
0x12e: {  	v2 =	vor.u32 $0x30C, v0;
	_ =	sdelay $0x3  }
0x12f: {  	[tilespmem:$0x7F20] =	vst v1  }
0x130: {  	v1 =	vld.idx.msk [tilespmem:v2+s16+$0x0], $0xffff  }
0x131: {  	v2 =	vor.u32 $0x40C, v0;
	_ =	sdelay $0x3  }
0x132: {  	[tilespmem:$0x7F30] =	vst v1  }
0x133: {  	v1 =	vld.idx.msk [tilespmem:v2+s16+$0x0], $0xffff  }
0x134: {  	v2 =	vor.u32 $0x50C, v0;
	_ =	sdelay $0x3  }
0x135: {  	[tilespmem:$0x7F40] =	vst v1  }
0x136: {  	v1 =	vld.idx.msk [tilespmem:v2+s16+$0x0], $0xffff  }
0x137: {  	v2 =	vor.u32 $0x60C, v0;
	_ =	sdelay $0x3  }
0x138: {  	[tilespmem:$0x7F50] =	vst v1  }
0x139: {  	v1 =	vld.idx.msk [tilespmem:v2+s16+$0x0], $0xffff  }
0x13a: {  	v2 =	vor.u32 $0x70C, v0;
	_ =	sdelay $0x3  }
0x13b: {  	[tilespmem:$0x7F60] =	vst v1  }
0x13c: {  	v1 =	vld.idx.msk [tilespmem:v2+s16+$0x0], $0xffff  }
0x13d: {  	v2 =	vor.u32 $0xD, v0;
	_ =	sdelay $0x3  }
0x13e: {  	[tilespmem:$0x7F70] =	vst v1  }
0x13f: {  	v1 =	vld.idx.msk [tilespmem:v2+s16+$0x0], $0xffff  }
0x140: {  	v2 =	vor.u32 $0x10D, v0;
	_ =	sdelay $0x3  }
0x141: {  	[tilespmem:$0x7F80] =	vst v1  }
0x142: {  	v1 =	vld.idx.msk [tilespmem:v2+s16+$0x0], $0xffff  }
0x143: {  	v2 =	vor.u32 $0x20D, v0;
	_ =	sdelay $0x3  }
0x144: {  	[tilespmem:$0x7F90] =	vst v1  }
0x145: {  	v1 =	vld.idx.msk [tilespmem:v2+s16+$0x0], $0xffff  }
0x146: {  	v2 =	vor.u32 $0x30D, v0;
	_ =	sdelay $0x3  }
0x147: {  	[tilespmem:$0x7FA0] =	vst v1  }
0x148: {  	v1 =	vld.idx.msk [tilespmem:v2+s16+$0x0], $0xffff  }
0x149: {  	v2 =	vor.u32 $0x40D, v0;
	_ =	sdelay $0x3  }
0x14a: {  	[tilespmem:$0x7FB0] =	vst v1  }
0x14b: {  	v1 =	vld.idx.msk [tilespmem:v2+s16+$0x0], $0xffff  }
0x14c: {  	v2 =	vor.u32 $0x50D, v0;
	_ =	sdelay $0x3  }
0x14d: {  	[tilespmem:$0x7FC0] =	vst v1  }
0x14e: {  	v1 =	vld.idx.msk [tilespmem:v2+s16+$0x0], $0xffff  }
0x14f: {  	v2 =	vor.u32 $0x60D, v0;
	_ =	sdelay $0x3  }
0x150: {  	[tilespmem:$0x7FD0] =	vst v1  }
0x151: {  	v1 =	vld.idx.msk [tilespmem:v2+s16+$0x0], $0xffff  }
0x152: {  	v2 =	vor.u32 $0x70D, v0;
	_ =	sdelay $0x3  }
0x153: {  	[tilespmem:$0x7FE0] =	vst v1  }
0x154: {  	v1 =	vld.idx.msk [tilespmem:v2+s16+$0x0], $0xffff  }
0x155: {  	v2 =	vor.u32 $0xE, v0;
	_ =	sdelay $0x3  }
0x156: {  	[tilespmem:$0x7FF0] =	vst v1  }
0x157: {  	v1 =	vld.idx.msk [tilespmem:v2+s16+$0x0], $0xffff  }
0x158: {  	v2 =	vor.u32 $0x10E, v0;
	_ =	sdelay $0x3  }
0x159: {  	[tilespmem:$0x8000] =	vst v1  }
0x15a: {  	v1 =	vld.idx.msk [tilespmem:v2+s16+$0x0], $0xffff  }
0x15b: {  	v2 =	vor.u32 $0x20E, v0;
	_ =	sdelay $0x3  }
0x15c: {  	[tilespmem:$0x8010] =	vst v1  }
0x15d: {  	v1 =	vld.idx.msk [tilespmem:v2+s16+$0x0], $0xffff  }
0x15e: {  	v2 =	vor.u32 $0x30E, v0;
	_ =	sdelay $0x3  }
0x15f: {  	[tilespmem:$0x8020] =	vst v1  }
0x160: {  	v1 =	vld.idx.msk [tilespmem:v2+s16+$0x0], $0xffff  }
0x161: {  	v2 =	vor.u32 $0x40E, v0;
	_ =	sdelay $0x3  }
0x162: {  	[tilespmem:$0x8030] =	vst v1  }
0x163: {  	v1 =	vld.idx.msk [tilespmem:v2+s16+$0x0], $0xffff  }
0x164: {  	v2 =	vor.u32 $0x50E, v0;
	_ =	sdelay $0x3  }
0x165: {  	[tilespmem:$0x8040] =	vst v1  }
0x166: {  	v1 =	vld.idx.msk [tilespmem:v2+s16+$0x0], $0xffff  }
0x167: {  	v2 =	vor.u32 $0x60E, v0;
	_ =	sdelay $0x3  }
0x168: {  	[tilespmem:$0x8050] =	vst v1  }
0x169: {  	v1 =	vld.idx.msk [tilespmem:v2+s16+$0x0], $0xffff  }
0x16a: {  	v2 =	vor.u32 $0x70E, v0;
	_ =	sdelay $0x3  }
0x16b: {  	[tilespmem:$0x8060] =	vst v1  }
0x16c: {  	v1 =	vld.idx.msk [tilespmem:v2+s16+$0x0], $0xffff  }
0x16d: {  	v2 =	vor.u32 $0xF, v0;
	_ =	sdelay $0x3  }
0x16e: {  	[tilespmem:$0x8070] =	vst v1  }
0x16f: {  	v1 =	vld.idx.msk [tilespmem:v2+s16+$0x0], $0xffff  }
0x170: {  	v2 =	vor.u32 $0x10F, v0;
	_ =	sdelay $0x3  }
0x171: {  	[tilespmem:$0x8080] =	vst v1  }
0x172: {  	v1 =	vld.idx.msk [tilespmem:v2+s16+$0x0], $0xffff  }
0x173: {  	v2 =	vor.u32 $0x20F, v0;
	_ =	sdelay $0x3  }
0x174: {  	[tilespmem:$0x8090] =	vst v1  }
0x175: {  	v1 =	vld.idx.msk [tilespmem:v2+s16+$0x0], $0xffff  }
0x176: {  	v2 =	vor.u32 $0x30F, v0;
	_ =	sdelay $0x3  }
0x177: {  	[tilespmem:$0x80A0] =	vst v1  }
0x178: {  	v1 =	vld.idx.msk [tilespmem:v2+s16+$0x0], $0xffff  }
0x179: {  	v2 =	vor.u32 $0x40F, v0;
	_ =	sdelay $0x3  }
0x17a: {  	[tilespmem:$0x80B0] =	vst v1  }
0x17b: {  	v1 =	vld.idx.msk [tilespmem:v2+s16+$0x0], $0xffff  }
0x17c: {  	v2 =	vor.u32 $0x50F, v0;
	_ =	sdelay $0x3  }
0x17d: {  	[tilespmem:$0x80C0] =	vst v1  }
0x17e: {  	v1 =	vld.idx.msk [tilespmem:v2+s16+$0x0], $0xffff  }
0x17f: {  	v2 =	vor.u32 $0x60F, v0;
	_ =	sdelay $0x3  }
0x180: {  	[tilespmem:$0x80D0] =	vst v1  }
0x181: {  	v1 =	vld.idx.msk [tilespmem:v2+s16+$0x0], $0xffff  }
0x182: {  	v2 =	vor.u32 $0x70F, v0;
	_ =	sdelay $0x3  }
0x183: {  	[tilespmem:$0x80E0] =	vst v1  }
0x184: {  	v1 =	vld.idx.msk [tilespmem:v2+s16+$0x0], $0xffff;
	_ =	sdelay $0x4  }
0x185: {  	s20 =	rddreg [dreg:$0x8];
	[tilespmem:$0x80F0] =	vst v1  }
0x186: {  	[tilespmem:s17], [sflag:$0x1] =	stream.indirect.gather [hbm4b:s20+s11], $0x10, s1, s11, $0xb8;
	[tilespmem:$0x10100] =	vst v63  }
0x187: {  	s22 =	simm.s32 $0x8900  }
0x188: {  	[tilespmem:s22], [sflag:$0x1] =	stream.indirect.gather [hbm4b:s20+s11], $0x10, s11, s11, $0xb8;
	[tilespmem:$0x10100] =	vst v63  }
0x189: {  	s23 =	simm.s32 $0x100  }
0x18a: {  	[tilespmem:s24], [sflag:$0x2] =	stream.indirect.gather [hbm4b:s20+s11], $0x10, s23, s11, $0xb8;
	[tilespmem:$0x10100] =	vst v63  }
0x18b: {  	s25 =	simm.s32 $0x180;
	s26 =	simm.s32 $0x9900  }
0x18c: {  	[tilespmem:s26], [sflag:$0x2] =	stream.indirect.gather [hbm4b:s20+s11], $0x10, s25, s11, $0xb8;
	[tilespmem:$0x10100] =	vst v63  }
0x18d: {  	s28 =	simm.s32 $0x200  }
0x18e: {  	[tilespmem:s29], [sflag:$0x3] =	stream.indirect.gather [hbm4b:s20+s11], $0x10, s28, s11, $0xb8;
	[tilespmem:$0x10100] =	vst v63  }
0x18f: {  	s30 =	simm.s32 $0x280;
	s31 =	simm.s32 $0xA900;
	s5 =	simm.s32 $0x0  }
0x190: {  	[tilespmem:s31], [sflag:$0x3] =	stream.indirect.gather [hbm4b:s20+s11], $0x10, s30, s11, $0xb8;
	[tilespmem:$0x10100] =	vst v63  }
.LBB2_2:
0x191: {  	[dreg:$0x13] =	wrdreg s5;
	s1 =	sshllo.u32 s5, $0x2  }
0x192: {  	s2 =	rddreg [dreg:$0x8];
	s3 =	simm.s32 $0x80;
	s4 =	simm.s32 $0xB900  }
0x193: {  	s7 =	simm.s32 $0x0;
	[dreg:$0x14] =	wrdreg s1;
	s1 =	sshll.u32 s1, $0x8  }
0x194: {  	p0 =	seq.s32 s5, $0x0;
	s19 =	sand.u32 $0x80, s7;
	s1 =	sand.u32 $0x3FFFFF00, s1  }
0x195: {  	[tilespmem:s0], [sflag:$0x4] =	stream.indirect.gather [hbm4b:s2+s3], $0x10, s1, s3, $0xb8;
	[tilespmem:$0x10100] =	vst v63  }
0x196: {  	s23 =	sor.u32 $0x10, s19;
	s8 =	sor.u32 $0x20, s19;
	s1 =	sor.u32 $0x80, s1  }
0x197: {  	[tilespmem:s4], [sflag:$0x4] =	stream.indirect.gather [hbm4b:s2+s3], $0x10, s1, s3, $0xb8;
	[tilespmem:$0x10100] =	vst v63  }
0x198: {  	s25 =	sor.u32 $0x30, s19;
	s26 =	sor.u32 $0x40, s19;
	v3 =	vmov s23;
	v5 =	vmov s8;
	s1 =	simm.s32 @!p0 $0x5  }
0x199: {  	s13 =	simm.s32 $0x0;
	s9 =	sor.u32 $0x50, s19;
	v6 =	vmov s25;
	v7 =	vmov s26;
	v3 =	vshll.u32 v3, $0x4;
	_ =	swait.ge @!p0 [sflag:s1], $0x1000  }
0x19a: {  	s31 =	sand.u32 $0xE, s13;
	v8 =	vmov s9;
	v5 =	vshll.u32 v5, $0x4;
	v3 =	vor.u32 v0, v3;
	[sflag:s1] =	ssyncset.done @!p0 $0x0  }
0x19b: {  	s15 =	simm.s32 $0x1;
	v6 =	vshll.u32 v6, $0x4;
	v5 =	vor.u32 v0, v5;
	v10 =	vor.u32 s31, v3;
	[sflag:s1] =	ssyncadd.s32 @!p0 $0xFFFFF000  }
0x19c: {  	s16 =	sshll.u32 s5, $0x3;
	v7 =	vshll.u32 v7, $0x4;
	v6 =	vor.u32 v0, v6;
	v11 =	vor.u32 s31, v5;
	_ =	swait.ge [sflag:s15], $0x1000  }
0x19d: {  	s6 =	simm.s32 $0x1;
	v8 =	vshll.u32 v8, $0x4;
	s3 =	simm.s32 $0xE0;
	v7 =	vor.u32 v0, v7;
	v12 =	vor.u32 s31, v6;
	[sflag:s15] =	ssyncset.done $0x0  }
0x19e: {  	v8 =	vor.u32 v0, v8;
	s8 =	sand.u32 $0x7E0, s3;
	v14 =	vor.u32 s31, v7;
	[dreg:$0x4] =	wrdreg s16;
	[sflag:s15] =	ssyncadd.s32 $0xFFFFF000  }
0x19f: {  	s22 =	sand.u32 $0xF, s6;
	v17 =	vor.u32 s31, v8;
	v16 =	vld [tilespmem:s8+$0x7900]  }
0x1a0: {  	v3 =	vor.u32 s22, v3;
	v10 =	vld.idx.msk [tilespmem:v10+s17+$0x0], $0xffff  }
0x1a1: {  	v5 =	vor.u32 s22, v5;
	v11 =	vld.idx.msk [tilespmem:v11+s17+$0x0], $0xffff  }
0x1a2: {  	s20 =	sor.u32 $0x60, s19;
	v19 =	vmov s19;
	v6 =	vor.u32 s22, v6;
	v12 =	vld.idx.msk [tilespmem:v12+s17+$0x0], $0xffff  }
0x1a3: {  	v1 =	vmov s20;
	v19 =	vshll.u32 v19, $0x4;
	v7 =	vor.u32 s22, v7;
	s1 =	rddreg [dreg:$0x4];
	v14 =	vld.idx.msk [tilespmem:v14+s17+$0x0], $0xffff  }
0x1a4: {  	v1 =	vshll.u32 v1, $0x4;
	v19 =	vor.u32 v0, v19;
	v8 =	vor.u32 s22, v8;
	s1 =	sadd.s32 $0x0, s1;
	v22 =	vld.idx.msk [tilespmem:v17+s17+$0x0], $0xffff  }
0x1a5: {  	v2 =	vmov s22;
	v1 =	vor.u32 v0, v1;
	v20 =	vor.u32 s31, v19;
	s1 =	sshll.u32 s1, $0x4;
	v3 =	vld.idx.msk [tilespmem:v3+s17+$0x0], $0xffff  }
0x1a6: {  	v5 =	vld.idx.msk [tilespmem:v5+s17+$0x0], $0xffff;
	v4 =	vor.u32 s1, v2;
	v2 =	vor.u32 s22, v1;
	v1 =	vor.u32 s31, v1  }
0x1a7: {  	v6 =	vld.idx.msk [tilespmem:v6+s17+$0x0], $0xffff  }
0x1a8: {  	v7 =	vld.idx.msk [tilespmem:v7+s17+$0x0], $0xffff  }
0x1a9: {  	s4 =	sor.u32 $0x70, s7;
	v24 =	vld.idx.msk [tilespmem:v8+s17+$0x0], $0xffff  }
0x1aa: {  	v17 =	vmov s4;
	v25 =	vld.idx.msk [tilespmem:v20+s17+$0x0], $0xffff  }
0x1ab: {  	v23 =	vld.idx.msk [tilespmem:v1+s17+$0x0], $0xffff;
	v1 =	vshll.u32 v17, $0x4;
	v17 =	vmov s31  }
0x1ac: {  	v9 =	vld.idx.msk [tilespmem:v4+s18+$0x0], $0xffff;
	v1 =	vor.u32 v0, v1;
	v17 =	vor.u32 s1, v17  }
0x1ad: {  	v2 =	vld.idx.msk [tilespmem:v2+s17+$0x0], $0xffff;
	v21 =	vor.u32 s31, v1  }
0x1ae: {  	v15 =	vld.idx.msk [tilespmem:v4+s18+$0x0], $0xffff  }
0x1af: {  	v19 =	vor.u32 s22, v19;
	v13 =	vld.idx.msk [tilespmem:v4+s18+$0x0], $0xffff  }
0x1b0: {  	s8 =	rddreg [dreg:$0x13];
	v18 =	vld.idx.msk [tilespmem:v4+s18+$0x0], $0xffff  }
0x1b1: {  	s5 =	sshll.u32 s8, $0x2;
	v26 =	vld.idx.msk [tilespmem:v17+s18+$0x0], $0xffff  }
0x1b2: {  	v27 =	vld.idx.msk [tilespmem:v21+s17+$0x0], $0xffff;
	[dreg:$0x16] =	wrdreg s5  }
0x1b3: {  	s10 =	simm.s32 $0x30;
	s11 =	simm.s32 $0x40;
	v8 =	vld.idx.msk [tilespmem:v4+s18+$0x0], $0xffff  }
0x1b4: {  	s12 =	simm.s32 $0x50;
	s14 =	simm.s32 $0x60;
	s30 =	simm.s32 $0xD0;
	v2 =	vadd.f32 v9, v2;
	v9 =	vor.u32 s22, v1;
	v28 =	vld.idx.msk [tilespmem:v19+s17+$0x0], $0xffff  }
0x1b5: {  	s6 =	simm.s32 $0x0;
	s10 =	sand.u32 $0x730, s10;
	s11 =	sand.u32 $0x740, s11;
	v29 =	vld.idx.msk [tilespmem:v4+s18+$0x0], $0xffff  }
0x1b6: {  	s30 =	sand.u32 $0x7D0, s30;
	s9 =	simm.s32 $0x10;
	s23 =	sand.u32 $0x700, s6;
	v1 =	vadd.f32 v13, v3;
	v31 =	vld.idx.msk [tilespmem:v4+s18+$0x0], $0xffff  }
0x1b7: {  	s19 =	simm.s32 $0x90;
	s20 =	simm.s32 $0xF0;
	s6 =	sand.u32 $0x710, s9;
	v30 =	vadd.f32 v16, v2;
	v2 =	vadd.f32 v18, v5;
	v19 =	vld [tilespmem:s23+$0x7900]  }
0x1b8: {  	s25 =	simm.s32 $0x80;
	s28 =	sand.u32 $0x790, s19;
	s16 =	simm.s32 $0x20;
	v21 =	vld [tilespmem:s6+$0x7900];
	v17 =	vadd.f32 v10, v26;
	v16 =	vadd.f32 v11, v26  }
0x1b9: {  	s2 =	sand.u32 $0x750, s12;
	s26 =	sand.u32 $0x720, s16;
	s15 =	simm.s32 $0x70;
	v11 =	vadd.f32 v12, v26;
	v12 =	vld.idx.msk [tilespmem:v9+s17+$0x0], $0xffff;
	v9 =	vadd.f32 v14, v26  }
0x1ba: {  	s16 =	sand.u32 $0x760, s14;
	s15 =	sand.u32 $0x770, s15;
	s1 =	simm.s32 $0xC180;
	v20 =	vld [tilespmem:s26+$0x7900];
	v10 =	vadd.f32 v22, v26;
	v22 =	vadd.f32 v26, v25  }
0x1bb: {  	s31 =	simm.s32 $0xC0;
	s22 =	simm.s32 $0xA0;
	s23 =	simm.s32 $0xB0;
	v13 =	vld.idx.msk [tilespmem:v4+s18+$0x0], $0xffff;
	v4 =	vadd.f32 v27, v26;
	v3 =	vadd.f32 v8, v6  }
0x1bc: {  	s26 =	sand.u32 $0x780, s25;
	s6 =	sand.u32 $0x7A0, s22;
	s25 =	sand.u32 $0x7C0, s31;
	v14 =	vld [tilespmem:s10+$0x7900];
	v8 =	vadd.f32 v23, v26;
	v6 =	vadd.f32 v29, v7  }
0x1bd: {  	s22 =	simm.s32 $0xC180;
	s14 =	sand.u32 $0x7B0, s23;
	[tilespmem:s1+$0x60] =	vst v30;
	s23 =	sand.u32 $0x7F0, s20;
	v5 =	vadd.f32 v15, v28;
	v7 =	vadd.f32 v31, v24;
	v15 =	vld [tilespmem:s11+$0x7900]  }
.LBB2_3:
0x1be: {  	s7 =	sadd.s32 $0x10, s7;
	v25 =	vld [tilespmem:s28+$0x7900]  }
0x1bf: {  	v30 =	vld [tilespmem:s14+$0x7900];
	s10 =	sand.u32 $0x80, s7  }
0x1c0: {  	v32 =	vld [tilespmem:s25+$0x7900];
	s11 =	sor.u32 $0x60, s10;
	s19 =	sor.u32 $0x10, s10  }
0x1c1: {  	v33 =	vld [tilespmem:s30+$0x7900];
	s4 =	sor.u32 $0x40, s10;
	v23 =	vmov s11;
	v24 =	vmov s19  }
0x1c2: {  	v35 =	vld [tilespmem:s23+$0x7900];
	s20 =	sadd.s32 $0x100, s20;
	v28 =	vmov s4;
	v18 =	vadd.f32 v19, v22;
	v12 =	vadd.f32 v13, v12  }
0x1c3: {  	s13 =	sadd.s32 $0x2, s13;
	s12 =	sor.u32 $0x70, s7;
	s14 =	sadd.s32 $0xFFFFFFF0, s20;
	v22 =	vld [tilespmem:s2+$0x7900];
	v13 =	vadd.f32 v21, v17;
	v17 =	vmov s10;
	v24 =	vshll.u32 v24, $0x4  }
0x1c4: {  	s3 =	sand.u32 $0xE, s13;
	s11 =	sand.u32 $0x7E0, s14;
	v19 =	vld [tilespmem:s16+$0x7900];
	v21 =	vmov s12;
	s12 =	sor.u32 $0x30, s10;
	v28 =	vshll.u32 v28, $0x4;
	v24 =	vor.u32 v0, v24  }
0x1c5: {  	s5 =	rddreg [dreg:$0x4];
	s9 =	sshrl.u32 s7, $0x7;
	s16 =	sadd.s32 $0x1, s13;
	v44 =	vld [tilespmem:s11+$0x7900];
	v27 =	vmov s12;
	v28 =	vor.u32 v0, v28;
	v38 =	vor.u32 s3, v24  }
0x1c6: {  	s5 =	sadd.s32 s5, s9;
	s2 =	sand.u32 $0xF, s16;
	[tilespmem:s1+$0xFFFFFF80] =	vst v18;
	v18 =	vadd.f32 v20, v16;
	v16 =	vld [tilespmem:s15+$0x7900];
	v20 =	vshll.u32 v17, $0x4;
	v41 =	vor.u32 s3, v28  }
0x1c7: {  	s5 =	sshll.u32 s5, $0x4;
	s12 =	sadd.s32 $0xFFFFFF10, s20;
	[tilespmem:s1+$0xFFFFFF90] =	vst v13;
	v17 =	vld [tilespmem:s26+$0x7900];
	v13 =	vshll.u32 v23, $0x4;
	v23 =	vmov s2;
	v24 =	vor.u32 s2, v24  }
0x1c8: {  	s12 =	sand.u32 $0x700, s12;
	v26 =	vor.u32 v0, v13;
	v13 =	vor.u32 s5, v23;
	v23 =	vld [tilespmem:s6+$0x7900]  }
0x1c9: {  	s31 =	sor.u32 $0x20, s10;
	s10 =	sor.u32 $0x50, s10;
	v8 =	vadd.f32 v19, v8;
	v19 =	vld [tilespmem:s12+$0x7900]  }
0x1ca: {  	v9 =	vadd.f32 v15, v9;
	v31 =	vmov s10;
	v38 =	vld.idx.msk [tilespmem:v38+s17+$0x0], $0xffff  }
0x1cb: {  	v27 =	vshll.u32 v27, $0x4;
	v31 =	vshll.u32 v31, $0x4;
	[tilespmem:s1+$0xFFFFFFA0] =	vst v18;
	v15 =	vld.idx.msk [tilespmem:v41+s17+$0x0], $0xffff  }
0x1cc: {  	v27 =	vor.u32 v0, v27;
	v18 =	vmov s31;
	v29 =	vor.u32 s2, v26;
	[tilespmem:s22+$0xFFFFFFC0] =	vst v9;
	v9 =	vld.idx.msk [tilespmem:v24+s17+$0x0], $0xffff  }
0x1cd: {  	v31 =	vor.u32 v0, v31;
	v40 =	vor.u32 s3, v27;
	v18 =	vshll.u32 v18, $0x4;
	v36 =	vld.idx.msk [tilespmem:v13+s18+$0x0], $0xffff  }
0x1ce: {  	v42 =	vor.u32 s3, v31;
	v34 =	vor.u32 v0, v18;
	v18 =	vld.idx.msk [tilespmem:v13+s18+$0x0], $0xffff  }
0x1cf: {  	v26 =	vor.u32 s3, v26;
	v43 =	vld.idx.msk [tilespmem:v13+s18+$0x0], $0xffff  }
0x1d0: {  	v27 =	vor.u32 s2, v27;
	v46 =	vld.idx.msk [tilespmem:v13+s18+$0x0], $0xffff  }
0x1d1: {  	v28 =	vor.u32 s2, v28;
	v20 =	vor.u32 v0, v20;
	v29 =	vld.idx.msk [tilespmem:v29+s17+$0x0], $0xffff  }
0x1d2: {  	v37 =	vmov s3;
	v11 =	vadd.f32 v14, v11;
	v45 =	vor.u32 s3, v20;
	v14 =	vld.idx.msk [tilespmem:v40+s17+$0x0], $0xffff  }
0x1d3: {  	v37 =	vor.u32 s5, v37;
	v40 =	vld.idx.msk [tilespmem:v42+s17+$0x0], $0xffff  }
0x1d4: {  	v21 =	vshll.u32 v21, $0x4;
	v39 =	vor.u32 s3, v34;
	v2 =	vadd.f32 v23, v2;
	v23 =	vld.idx.msk [tilespmem:v26+s17+$0x0], $0xffff  }
0x1d5: {  	v3 =	vadd.f32 v30, v3;
	v21 =	vor.u32 v0, v21;
	v34 =	vor.u32 s2, v34;
	v41 =	vld.idx.msk [tilespmem:v27+s17+$0x0], $0xffff  }
0x1d6: {  	v6 =	vadd.f32 v32, v6;
	v47 =	vor.u32 s3, v21;
	v21 =	vor.u32 s2, v21;
	[tilespmem:s22+$0xFFFFFFE0] =	vst v8;
	v42 =	vld.idx.msk [tilespmem:v28+s17+$0x0], $0xffff  }
0x1d7: {  	v31 =	vor.u32 s2, v31;
	v10 =	vadd.f32 v22, v10;
	[tilespmem:s22+$0x30] =	vst v3;
	v3 =	vld.idx.msk [tilespmem:v45+s17+$0x0], $0xffff  }
0x1d8: {  	v8 =	vadd.f32 v35, v12;
	[tilespmem:s22+$0x40] =	vst v6;
	v6 =	vld.idx.msk [tilespmem:v37+s18+$0x0], $0xffff  }
0x1d9: {  	[tilespmem:s22+$0xFFFFFFD0] =	vst v10;
	v39 =	vld.idx.msk [tilespmem:v39+s17+$0x0], $0xffff  }
0x1da: {  	v1 =	vadd.f32 v25, v1;
	v20 =	vor.u32 s2, v20;
	[tilespmem:s22+$0x70] =	vst v8;
	v10 =	vld.idx.msk [tilespmem:v34+s17+$0x0], $0xffff;
	v29 =	vadd.f32 v36, v29  }
0x1db: {  	v7 =	vadd.f32 v33, v7;
	v12 =	vld.idx.msk [tilespmem:v21+s17+$0x0], $0xffff  }
0x1dc: {  	p0 =	slt.u32 s7, $0xF0;
	v4 =	vadd.f32 v16, v4;
	[tilespmem:s22+$0x10] =	vst v1;
	v22 =	vadd.f32 v44, v29;
	v44 =	vld.idx.msk [tilespmem:v31+s17+$0x0], $0xffff  }
0x1dd: {  	s23 =	sadd.s32 $0xFFFFFF60, s20;
	s25 =	sadd.s32 $0xFFFFFF70, s20;
	s28 =	sadd.s32 $0xFFFFFFA0, s20;
	[tilespmem:s22+$0x50] =	vst v7;
	v7 =	vld.idx.msk [tilespmem:v47+s17+$0x0], $0xffff  }
0x1de: {  	s30 =	sadd.s32 $0xFFFFFFB0, s20;
	s28 =	sand.u32 $0x790, s28;
	s4 =	sadd.s32 $0xFFFFFF20, s20;
	v5 =	vadd.f32 v17, v5;
	[tilespmem:s22+$0xFFFFFFF0] =	vst v4;
	v4 =	vld.idx.msk [tilespmem:v13+s18+$0x0], $0xffff  }
0x1df: {  	s19 =	sadd.s32 $0xFFFFFF50, s20;
	s9 =	sand.u32 $0x710, s4;
	s4 =	sadd.s32 $0xFFFFFFE0, s20;
	[tilespmem:s22+$0x20] =	vst v2;
	v2 =	vadd.f32 v46, v10;
	v46 =	vld.idx.msk [tilespmem:v20+s17+$0x0], $0xffff  }
0x1e0: {  	s19 =	sand.u32 $0x740, s19;
	s16 =	sadd.s32 $0xFFFFFF40, s20;
	s15 =	sadd.s32 $0xFFFFFF30, s20;
	v1 =	vadd.f32 v43, v9;
	[tilespmem:s22+$0x0] =	vst v5;
	v5 =	vld.idx.msk [tilespmem:v13+s18+$0x0], $0xffff  }
0x1e1: {  	s26 =	sadd.s32 $0xFFFFFF90, s20;
	s10 =	sand.u32 $0x730, s16;
	s16 =	sand.u32 $0x760, s25;
	[tilespmem:s1+$0xFFFFFFB0] =	vst v11;
	v17 =	vadd.f32 v38, v6;
	v11 =	vadd.f32 v14, v6;
	v47 =	vld.idx.msk [tilespmem:v13+s18+$0x0], $0xffff  }
.Ltmp0:
0x1e2: {  	s5 =	sadd.s32 $0xFFFFFF80, s20;
	s11 =	sand.u32 $0x720, s15;
	v21 =	vld [tilespmem:s9+$0x7900];
	v9 =	vadd.f32 v15, v6;
	v8 =	vadd.f32 v23, v6;
	(pc) =	sbr.rel @p0 .LBB2_3-.Ltmp0, $4  }
0x1e3: {  	s26 =	sand.u32 $0x780, s26;
	s6 =	sand.u32 $0x7A0, s30;
	s1 =	sadd.s32 $0x100, s1;
	v14 =	vld [tilespmem:s10+$0x7900];
	v16 =	vadd.f32 v39, v6;
	v10 =	vadd.f32 v40, v6  }
0x1e4: {  	s30 =	sand.u32 $0x7D0, s4;
	s31 =	sadd.s32 $0xFFFFFFC0, s20;
	s15 =	sand.u32 $0x770, s5;
	v15 =	vld [tilespmem:s19+$0x7900];
	[tilespmem:s1+$0x60] =	vst v22;
	v22 =	vadd.f32 v6, v3;
	v3 =	vadd.f32 v4, v41  }
0x1e5: {  	s14 =	sand.u32 $0x7B0, s31;
	s3 =	sadd.s32 $0xFFFFFFD0, s20;
	s2 =	sand.u32 $0x750, s23;
	v13 =	vld.idx.msk [tilespmem:v13+s18+$0x0], $0xffff;
	v4 =	vadd.f32 v7, v6;
	v6 =	vadd.f32 v5, v42  }
0x1e6: {  	s23 =	sand.u32 $0x7F0, s20;
	s25 =	sand.u32 $0x7C0, s3;
	s22 =	smov.u32 s1;
	v20 =	vld [tilespmem:s11+$0x7900];
	v5 =	vadd.f32 v18, v46;
	v7 =	vadd.f32 v47, v44  }
0x1e7: {  	v18 =	vadd.f32 v19, v22;
	v19 =	vld [tilespmem:s2+$0x7900]  }
0x1e8: {  	v17 =	vadd.f32 v21, v17;
	v21 =	vld [tilespmem:s16+$0x7900]  }
0x1e9: {  	v11 =	vadd.f32 v14, v11;
	v14 =	vld [tilespmem:s14+$0x7900];
	[tilespmem:s1+$0xFFFFFF80] =	vst v18  }
0x1ea: {  	v18 =	vld [tilespmem:s28+$0x7900];
	[tilespmem:s1+$0xFFFFFF90] =	vst v17;
	v9 =	vadd.f32 v15, v9  }
0x1eb: {  	v17 =	vld [tilespmem:s6+$0x7900];
	[tilespmem:s1+$0xFFFFFFB0] =	vst v11;
	v16 =	vadd.f32 v20, v16  }
0x1ec: {  	v15 =	vld [tilespmem:s25+$0x7900];
	[tilespmem:s22+$0xFFFFFFC0] =	vst v9;
	v10 =	vadd.f32 v19, v10  }
0x1ed: {  	v11 =	vld [tilespmem:s30+$0x7900];
	v8 =	vadd.f32 v21, v8;
	[tilespmem:s1+$0xFFFFFFA0] =	vst v16  }
0x1ee: {  	v9 =	vld [tilespmem:s15+$0x7900];
	v3 =	vadd.f32 v14, v3;
	[tilespmem:s22+$0xFFFFFFD0] =	vst v10  }
0x1ef: {  	v1 =	vadd.f32 v18, v1;
	v10 =	vld [tilespmem:s26+$0x7900];
	[tilespmem:s22+$0xFFFFFFE0] =	vst v8  }
0x1f0: {  	v2 =	vadd.f32 v17, v2;
	[tilespmem:s22+$0x30] =	vst v3  }
0x1f1: {  	v8 =	vld [tilespmem:s23+$0x7900];
	[tilespmem:s22+$0x10] =	vst v1;
	v1 =	vadd.f32 v15, v6  }
0x1f2: {  	[tilespmem:s22+$0x20] =	vst v2;
	v2 =	vadd.f32 v11, v7  }
0x1f3: {  	v4 =	vadd.f32 v9, v4;
	[tilespmem:s22+$0x40] =	vst v1  }
0x1f4: {  	v3 =	vadd.f32 v13, v12;
	[tilespmem:s22+$0x50] =	vst v2;
	v1 =	vadd.f32 v10, v5  }
0x1f5: {  	[tilespmem:s22+$0xFFFFFFF0] =	vst v4  }
0x1f6: {  	v2 =	vadd.f32 v8, v3;
	[tilespmem:s22+$0x0] =	vst v1  }
0x1f7: {  	s3 =	sshll.u32 s8, $0x10;
	s4 =	rddreg [dreg:$0xd]  }
0x1f8: {  	[tilespmem:s22+$0x70] =	vst v2;
	s1 =	sor.u32 s4, s3;
	s3 =	simm.s32 $0x0  }
0x1f9: {  	s4 =	simm.s32 $0xC100;
	s5 =	rddreg [dreg:$0xe];
	s2 =	sadd.s32 s21, s1  }
0x1fa: {  	[hbm4b:s2+s3] =	stream.linear.scatter [tilespmem:s4], [sflag:$0x5], $0x400, $0x38;
	[tilespmem:$0x10100] =	vst v63  }
0x1fb: {  	s6 =	simm.s32 $0xC500;
	s7 =	rddreg [dreg:$0xf];
	s2 =	sadd.s32 s1, s5  }
0x1fc: {  	[hbm4b:s2+s3] =	stream.linear.scatter [tilespmem:s6], [sflag:$0x5], $0x400, $0x38;
	[tilespmem:$0x10100] =	vst v63  }
0x1fd: {  	s9 =	simm.s32 $0xC900;
	s10 =	rddreg [dreg:$0x10];
	s2 =	sadd.s32 s1, s7  }
0x1fe: {  	[hbm4b:s2+s3] =	stream.linear.scatter [tilespmem:s9], [sflag:$0x5], $0x400, $0x38;
	[tilespmem:$0x10100] =	vst v63  }
0x1ff: {  	s11 =	simm.s32 $0xCD00;
	p0 =	seq.s32 s8, $0x18;
	s1 =	sadd.s32 s1, s10  }
0x200: {  	[hbm4b:s1+s3] =	stream.linear.scatter [tilespmem:s11], [sflag:$0x5], $0x400, $0x38;
	[tilespmem:$0x10100] =	vst v63  }
0x201: {  	s1 =	sshll.u32 @!p0 s8, $0xA  }
0x202: {  	p1 =	seq.s32 @!p0 s8, $0x0;
	s4 =	rddreg [dreg:$0x8];
	s5 =	sand.u32 @!p0 $0x3FFFFC00, s1  }
0x203: {  	s2 =	simm.s32 @!p0 $0x80;
	s3 =	simm.s32 @!p0 $0x8100;
	s1 =	sadd.s32 @!p0 $0x400, s5  }
0x204: {  	[tilespmem:s3], [sflag:$0x1] =	stream.indirect.gather @!p0 [hbm4b:s4+s2], $0x10, s1, s2, $0xb8;
	[tilespmem:$0x10100] =	vst v63  }
0x205: {  	p1 =	por p0, !p1;
	s1 =	sadd.s32 @!p0 $0x480, s5;
	s3 =	simm.s32 @!p0 $0x8900  }
0x206: {  	[tilespmem:s3], [sflag:$0x1] =	stream.indirect.gather @!p0 [hbm4b:s4+s2], $0x10, s1, s2, $0xb8;
	[tilespmem:$0x10100] =	vst v63  }
0x207: {  	[dreg:$0x15] =	wrdreg s5;
	s1 =	simm.s32 @p1 $0x6  }
0x208: {  	_ =	swait.ge @p1 [sflag:s1], $0x1000  }
0x209: {  	[sflag:s1] =	ssyncset.done @p1 $0x0;
	s12 =	rddreg [dreg:$0x16]  }
0x20a: {  	s20 =	simm.s32 $0x0;
	[sflag:s1] =	ssyncadd.s32 @p1 $0xFFFFF000;
	s1 =	sor.u32 $0x1, s12  }
0x20b: {  	s7 =	simm.s32 $0x2;
	s21 =	smov.u32 s1;
	s1 =	sshll.u32 s1, $0x1  }
0x20c: {  	s13 =	sand.u32 $0x80, s20;
	_ =	swait.ge [sflag:s7], $0x1000;
	[dreg:$0x5] =	wrdreg s1  }
0x20d: {  	s14 =	sor.u32 $0x60, s13;
	s15 =	simm.s32 $0x1;
	s1 =	rddreg [dreg:$0x5]  }
0x20e: {  	s16 =	sand.u32 $0xF, s15;
	v1 =	vmov s14;
	s1 =	sadd.s32 $0x0, s1  }
0x20f: {  	v1 =	vshll.u32 v1, $0x4;
	v2 =	vmov s16;
	s17 =	sshll.u32 s1, $0x4  }
0x210: {  	v1 =	vor.u32 v0, v1;
	v3 =	vor.u32 s17, v2  }
0x211: {  	[sflag:s7] =	ssyncset.done $0x0;
	v2 =	vor.u32 s16, v1  }
0x212: {  	[sflag:s7] =	ssyncadd.s32 $0xFFFFF000;
	s7 =	simm.s32 $0xE0  }
0x213: {  	s6 =	sand.u32 $0x7E0, s7  }
0x214: {  	s19 =	sor.u32 $0x10, s13;
	s23 =	sor.u32 $0x30, s13;
	v16 =	vld [tilespmem:s6+$0x7900]  }
0x215: {  	s25 =	sor.u32 $0x40, s13;
	v6 =	vmov s23;
	v4 =	vmov s19;
	s22 =	sor.u32 $0x20, s13;
	v9 =	vld.idx.msk [tilespmem:v3+s18+$0x0], $0xffff  }
0x216: {  	v7 =	vmov s25;
	v4 =	vshll.u32 v4, $0x4;
	v5 =	vmov s22;
	s1 =	simm.s32 $0x0;
	v2 =	vld.idx.msk [tilespmem:v2+s24+$0x0], $0xffff  }
0x217: {  	v6 =	vshll.u32 v6, $0x4;
	v4 =	vor.u32 v0, v4;
	v5 =	vshll.u32 v5, $0x4;
	s26 =	sand.u32 $0xE, s1;
	v15 =	vld.idx.msk [tilespmem:v3+s18+$0x0], $0xffff  }
0x218: {  	v7 =	vshll.u32 v7, $0x4;
	v5 =	vor.u32 v0, v5;
	s9 =	sor.u32 $0x50, s13;
	v10 =	vor.u32 s26, v4;
	v13 =	vld.idx.msk [tilespmem:v3+s18+$0x0], $0xffff  }
0x219: {  	v6 =	vor.u32 v0, v6;
	v8 =	vmov s9;
	v11 =	vor.u32 s26, v5;
	v18 =	vld.idx.msk [tilespmem:v3+s18+$0x0], $0xffff  }
0x21a: {  	v7 =	vor.u32 v0, v7;
	v8 =	vshll.u32 v8, $0x4;
	v12 =	vor.u32 s26, v6;
	v27 =	vld.idx.msk [tilespmem:v3+s18+$0x0], $0xffff  }
0x21b: {  	v8 =	vor.u32 v0, v8;
	v14 =	vor.u32 s26, v7;
	v28 =	vld.idx.msk [tilespmem:v3+s18+$0x0], $0xffff  }
0x21c: {  	v17 =	vor.u32 s26, v8;
	v30 =	vld.idx.msk [tilespmem:v3+s18+$0x0], $0xffff  }
0x21d: {  	v1 =	vor.u32 s26, v1;
	v10 =	vld.idx.msk [tilespmem:v10+s24+$0x0], $0xffff  }
0x21e: {  	v4 =	vor.u32 s16, v4;
	v11 =	vld.idx.msk [tilespmem:v11+s24+$0x0], $0xffff  }
0x21f: {  	v5 =	vor.u32 s16, v5;
	v19 =	vld.idx.msk [tilespmem:v12+s24+$0x0], $0xffff  }
0x220: {  	v6 =	vor.u32 s16, v6;
	v14 =	vld.idx.msk [tilespmem:v14+s24+$0x0], $0xffff  }
0x221: {  	s8 =	sor.u32 $0x70, s20;
	v8 =	vor.u32 s16, v8;
	v20 =	vld.idx.msk [tilespmem:v17+s24+$0x0], $0xffff  }
0x222: {  	v7 =	vor.u32 s16, v7;
	v12 =	vmov s13;
	v17 =	vmov s8;
	v21 =	vld.idx.msk [tilespmem:v1+s24+$0x0], $0xffff  }
0x223: {  	v4 =	vld.idx.msk [tilespmem:v4+s24+$0x0], $0xffff;
	v12 =	vshll.u32 v12, $0x4;
	v1 =	vshll.u32 v17, $0x4;
	v17 =	vmov s26  }
0x224: {  	v5 =	vld.idx.msk [tilespmem:v5+s24+$0x0], $0xffff;
	v12 =	vor.u32 v0, v12;
	v17 =	vor.u32 s17, v17  }
0x225: {  	v6 =	vld.idx.msk [tilespmem:v6+s24+$0x0], $0xffff;
	v1 =	vor.u32 v0, v1;
	v22 =	vor.u32 s26, v12  }
0x226: {  	v24 =	vld.idx.msk [tilespmem:v8+s24+$0x0], $0xffff;
	v23 =	vor.u32 s26, v1;
	v8 =	vor.u32 s16, v1;
	v1 =	vadd.f32 v9, v2  }
0x227: {  	v7 =	vld.idx.msk [tilespmem:v7+s24+$0x0], $0xffff;
	v12 =	vor.u32 s16, v12  }
0x228: {  	s15 =	simm.s32 $0x30;
	s19 =	simm.s32 $0x50;
	v29 =	vadd.f32 v16, v1;
	v1 =	vadd.f32 v13, v4;
	v13 =	vld.idx.msk [tilespmem:v3+s18+$0x0], $0xffff  }
0x229: {  	s23 =	simm.s32 $0xF0;
	s25 =	simm.s32 $0x90;
	s19 =	sand.u32 $0x750, s19;
	v25 =	vld.idx.msk [tilespmem:v17+s18+$0x0], $0xffff  }
0x22a: {  	s14 =	simm.s32 $0x20;
	s22 =	simm.s32 $0xD180;
	s11 =	simm.s32 $0x70;
	v22 =	vld.idx.msk [tilespmem:v22+s24+$0x0], $0xffff  }
0x22b: {  	s10 =	simm.s32 $0x60;
	s9 =	simm.s32 $0x0;
	s28 =	sand.u32 $0x770, s11;
	v23 =	vld.idx.msk [tilespmem:v23+s24+$0x0], $0xffff  }
0x22c: {  	s5 =	sand.u32 $0x730, s15;
	s2 =	sand.u32 $0x700, s9;
	s12 =	simm.s32 $0x80;
	v2 =	vadd.f32 v18, v5;
	v26 =	vld.idx.msk [tilespmem:v12+s24+$0x0], $0xffff  }
0x22d: {  	s4 =	sand.u32 $0x720, s14;
	s31 =	sand.u32 $0x780, s12;
	s13 =	simm.s32 $0x10;
	v5 =	vadd.f32 v27, v6;
	v6 =	vadd.f32 v28, v7;
	v12 =	vld.idx.msk [tilespmem:v8+s24+$0x0], $0xffff  }
0x22e: {  	s7 =	simm.s32 $0xB0;
	s6 =	sand.u32 $0x790, s25;
	s3 =	sand.u32 $0x710, s13;
	v16 =	vadd.f32 v11, v25;
	v11 =	vadd.f32 v19, v25;
	v19 =	vld [tilespmem:s2+$0x7900]  }
0x22f: {  	s15 =	sand.u32 $0x7B0, s7;
	s25 =	simm.s32 $0xD180;
	s8 =	simm.s32 $0xC0;
	v7 =	vadd.f32 v30, v24;
	v8 =	vadd.f32 v21, v25;
	v21 =	vld [tilespmem:s3+$0x7900]  }
0x230: {  	s30 =	sand.u32 $0x7C0, s8;
	s17 =	simm.s32 $0xD0;
	s16 =	simm.s32 $0x40;
	v17 =	vadd.f32 v10, v25;
	v10 =	vadd.f32 v20, v25;
	v20 =	vld [tilespmem:s4+$0x7900]  }
0x231: {  	s26 =	simm.s32 $0xA0;
	s14 =	sand.u32 $0x7D0, s17;
	s13 =	sand.u32 $0x740, s16;
	v9 =	vadd.f32 v14, v25;
	v14 =	vld [tilespmem:s5+$0x7900];
	v22 =	vadd.f32 v25, v22  }
0x232: {  	s16 =	sand.u32 $0x7A0, s26;
	s26 =	sand.u32 $0x7F0, s23;
	[tilespmem:s22+$0x60] =	vst v29;
	s2 =	sand.u32 $0x760, s10;
	v3 =	vadd.f32 v23, v25;
	v4 =	vadd.f32 v15, v26;
	v15 =	vld [tilespmem:s13+$0x7900]  }
.LBB2_5:
0x233: {  	s20 =	sadd.s32 $0x10, s20;
	v25 =	vld [tilespmem:s6+$0x7900]  }
0x234: {  	v30 =	vld [tilespmem:s15+$0x7900];
	s4 =	sand.u32 $0x80, s20  }
0x235: {  	v32 =	vld [tilespmem:s30+$0x7900];
	s8 =	sor.u32 $0x60, s4  }
0x236: {  	v33 =	vld [tilespmem:s14+$0x7900];
	s9 =	sor.u32 $0x10, s4;
	v23 =	vmov s8  }
0x237: {  	s3 =	rddreg [dreg:$0x5];
	s1 =	sadd.s32 $0x2, s1;
	v35 =	vld [tilespmem:s26+$0x7900];
	s23 =	sadd.s32 $0x100, s23;
	v24 =	vmov s9;
	v18 =	vadd.f32 v19, v22;
	v12 =	vadd.f32 v13, v12  }
0x238: {  	s5 =	sor.u32 $0x70, s20;
	s12 =	sshrl.u32 s20, $0x7;
	s13 =	sadd.s32 $0x1, s1;
	v22 =	vld [tilespmem:s19+$0x7900];
	v13 =	vadd.f32 v21, v17;
	v17 =	vmov s4;
	v24 =	vshll.u32 v24, $0x4  }
0x239: {  	s7 =	sand.u32 $0xE, s1;
	s3 =	sadd.s32 s3, s12;
	v19 =	vld [tilespmem:s2+$0x7900];
	v21 =	vmov s5;
	s2 =	sand.u32 $0xF, s13;
	v24 =	vor.u32 v0, v24;
	[tilespmem:s22+$0xFFFFFF80] =	vst v18;
	v18 =	vadd.f32 v20, v16  }
0x23a: {  	s5 =	sshll.u32 s3, $0x4;
	s13 =	sadd.s32 $0xFFFFFFF0, s23;
	v16 =	vld [tilespmem:s28+$0x7900];
	[tilespmem:s22+$0xFFFFFF90] =	vst v13;
	v13 =	vshll.u32 v23, $0x4;
	v23 =	vmov s2;
	v38 =	vor.u32 s7, v24  }
0x23b: {  	s9 =	sor.u32 $0x40, s4;
	s8 =	sand.u32 $0x7E0, s13;
	v20 =	vshll.u32 v17, $0x4;
	v17 =	vld [tilespmem:s31+$0x7900];
	v26 =	vor.u32 v0, v13;
	v13 =	vor.u32 s5, v23  }
0x23c: {  	s10 =	sadd.s32 $0xFFFFFF10, s23;
	v37 =	vmov s7;
	s19 =	sor.u32 $0x30, s4;
	v28 =	vmov s9;
	v44 =	vld [tilespmem:s8+$0x7900]  }
0x23d: {  	s17 =	sor.u32 $0x20, s4;
	s4 =	sor.u32 $0x50, s4;
	v27 =	vmov s19;
	v28 =	vshll.u32 v28, $0x4;
	v37 =	vor.u32 s5, v37;
	v23 =	vld [tilespmem:s16+$0x7900];
	s5 =	sand.u32 $0x700, s10  }
0x23e: {  	v31 =	vmov s4;
	v28 =	vor.u32 v0, v28;
	v8 =	vadd.f32 v19, v8;
	v19 =	vld [tilespmem:s5+$0x7900]  }
0x23f: {  	v27 =	vshll.u32 v27, $0x4;
	v41 =	vor.u32 s7, v28;
	[tilespmem:s22+$0xFFFFFFA0] =	vst v18;
	v18 =	vmov s17;
	v38 =	vld.idx.msk [tilespmem:v38+s24+$0x0], $0xffff  }
0x240: {  	v31 =	vshll.u32 v31, $0x4;
	v24 =	vor.u32 s2, v24;
	v18 =	vshll.u32 v18, $0x4;
	v36 =	vld.idx.msk [tilespmem:v13+s18+$0x0], $0xffff  }
0x241: {  	v27 =	vor.u32 v0, v27;
	v29 =	vor.u32 s2, v26;
	v34 =	vor.u32 v0, v18;
	v18 =	vld.idx.msk [tilespmem:v13+s18+$0x0], $0xffff  }
0x242: {  	v31 =	vor.u32 v0, v31;
	v40 =	vor.u32 s7, v27;
	v43 =	vld.idx.msk [tilespmem:v13+s18+$0x0], $0xffff  }
0x243: {  	v9 =	vadd.f32 v15, v9;
	v42 =	vor.u32 s7, v31;
	v46 =	vld.idx.msk [tilespmem:v13+s18+$0x0], $0xffff  }
0x244: {  	v26 =	vor.u32 s7, v26;
	v15 =	vld.idx.msk [tilespmem:v41+s24+$0x0], $0xffff  }
0x245: {  	v27 =	vor.u32 s2, v27;
	[tilespmem:s25+$0xFFFFFFC0] =	vst v9;
	v9 =	vld.idx.msk [tilespmem:v24+s24+$0x0], $0xffff  }
0x246: {  	v20 =	vor.u32 v0, v20;
	v28 =	vor.u32 s2, v28;
	v29 =	vld.idx.msk [tilespmem:v29+s24+$0x0], $0xffff  }
0x247: {  	v11 =	vadd.f32 v14, v11;
	v45 =	vor.u32 s7, v20;
	v14 =	vld.idx.msk [tilespmem:v40+s24+$0x0], $0xffff  }
0x248: {  	v40 =	vld.idx.msk [tilespmem:v42+s24+$0x0], $0xffff  }
0x249: {  	v21 =	vshll.u32 v21, $0x4;
	v39 =	vor.u32 s7, v34;
	v2 =	vadd.f32 v23, v2;
	v23 =	vld.idx.msk [tilespmem:v26+s24+$0x0], $0xffff  }
0x24a: {  	v5 =	vadd.f32 v30, v5;
	v21 =	vor.u32 v0, v21;
	v34 =	vor.u32 s2, v34;
	v41 =	vld.idx.msk [tilespmem:v27+s24+$0x0], $0xffff  }
0x24b: {  	v6 =	vadd.f32 v32, v6;
	v47 =	vor.u32 s7, v21;
	v21 =	vor.u32 s2, v21;
	[tilespmem:s25+$0xFFFFFFE0] =	vst v8;
	v42 =	vld.idx.msk [tilespmem:v28+s24+$0x0], $0xffff  }
0x24c: {  	v31 =	vor.u32 s2, v31;
	v10 =	vadd.f32 v22, v10;
	[tilespmem:s25+$0x30] =	vst v5;
	v5 =	vld.idx.msk [tilespmem:v45+s24+$0x0], $0xffff  }
0x24d: {  	v8 =	vadd.f32 v35, v12;
	[tilespmem:s25+$0x40] =	vst v6;
	v6 =	vld.idx.msk [tilespmem:v37+s18+$0x0], $0xffff  }
0x24e: {  	[tilespmem:s25+$0xFFFFFFD0] =	vst v10;
	v39 =	vld.idx.msk [tilespmem:v39+s24+$0x0], $0xffff  }
0x24f: {  	v1 =	vadd.f32 v25, v1;
	v20 =	vor.u32 s2, v20;
	[tilespmem:s25+$0x70] =	vst v8;
	v10 =	vld.idx.msk [tilespmem:v34+s24+$0x0], $0xffff;
	v29 =	vadd.f32 v36, v29  }
0x250: {  	v7 =	vadd.f32 v33, v7;
	v12 =	vld.idx.msk [tilespmem:v21+s24+$0x0], $0xffff  }
0x251: {  	p2 =	slt.u32 s20, $0xF0;
	v3 =	vadd.f32 v16, v3;
	[tilespmem:s25+$0x10] =	vst v1;
	v22 =	vadd.f32 v44, v29;
	v44 =	vld.idx.msk [tilespmem:v31+s24+$0x0], $0xffff  }
0x252: {  	s14 =	sadd.s32 $0xFFFFFF30, s23;
	s11 =	sadd.s32 $0xFFFFFF40, s23;
	s15 =	sadd.s32 $0xFFFFFF70, s23;
	[tilespmem:s25+$0x50] =	vst v7;
	v7 =	vld.idx.msk [tilespmem:v47+s24+$0x0], $0xffff  }
0x253: {  	s26 =	sadd.s32 $0xFFFFFFA0, s23;
	s30 =	sadd.s32 $0xFFFFFFB0, s23;
	s12 =	sadd.s32 $0xFFFFFF20, s23;
	v4 =	vadd.f32 v17, v4;
	[tilespmem:s25+$0xFFFFFFF0] =	vst v3;
	v3 =	vld.idx.msk [tilespmem:v13+s18+$0x0], $0xffff  }
0x254: {  	s11 =	sand.u32 $0x730, s11;
	s6 =	sand.u32 $0x790, s26;
	s26 =	sand.u32 $0x7F0, s23;
	[tilespmem:s25+$0x20] =	vst v2;
	v2 =	vadd.f32 v46, v10;
	v46 =	vld.idx.msk [tilespmem:v20+s24+$0x0], $0xffff  }
0x255: {  	s13 =	sadd.s32 $0xFFFFFF50, s23;
	s19 =	sadd.s32 $0xFFFFFF60, s23;
	s4 =	sadd.s32 $0xFFFFFFE0, s23;
	v1 =	vadd.f32 v43, v9;
	[tilespmem:s25+$0x0] =	vst v4;
	v4 =	vld.idx.msk [tilespmem:v13+s18+$0x0], $0xffff  }
0x256: {  	s8 =	sadd.s32 $0xFFFFFF80, s23;
	s13 =	sand.u32 $0x740, s13;
	s10 =	sand.u32 $0x710, s12;
	[tilespmem:s22+$0xFFFFFFB0] =	vst v11;
	v17 =	vadd.f32 v38, v6;
	v11 =	vadd.f32 v14, v6;
	v47 =	vld.idx.msk [tilespmem:v13+s18+$0x0], $0xffff  }
.Ltmp1:
0x257: {  	s19 =	sand.u32 $0x750, s19;
	s16 =	sadd.s32 $0xFFFFFF90, s23;
	v21 =	vld [tilespmem:s10+$0x7900];
	v9 =	vadd.f32 v15, v6;
	v8 =	vadd.f32 v23, v6;
	(pc) =	sbr.rel @p2 .LBB2_5-.Ltmp1, $4  }
0x258: {  	s12 =	sand.u32 $0x720, s14;
	s28 =	sand.u32 $0x770, s8;
	s22 =	sadd.s32 $0x100, s22;
	v14 =	vld [tilespmem:s11+$0x7900];
	v16 =	vadd.f32 v39, v6;
	v10 =	vadd.f32 v40, v6  }
0x259: {  	s14 =	sand.u32 $0x7D0, s4;
	s17 =	sadd.s32 $0xFFFFFFD0, s23;
	s31 =	sand.u32 $0x780, s16;
	v15 =	vld [tilespmem:s13+$0x7900];
	[tilespmem:s22+$0x60] =	vst v22;
	v22 =	vadd.f32 v6, v5;
	v5 =	vadd.f32 v3, v41  }
0x25a: {  	s16 =	sand.u32 $0x7A0, s30;
	s30 =	sand.u32 $0x7C0, s17;
	s7 =	sadd.s32 $0xFFFFFFC0, s23;
	v13 =	vld.idx.msk [tilespmem:v13+s18+$0x0], $0xffff;
	v3 =	vadd.f32 v7, v6;
	v6 =	vadd.f32 v4, v42  }
0x25b: {  	s2 =	sand.u32 $0x760, s15;
	s15 =	sand.u32 $0x7B0, s7;
	s25 =	smov.u32 s22;
	v20 =	vld [tilespmem:s12+$0x7900];
	v4 =	vadd.f32 v18, v46;
	v7 =	vadd.f32 v47, v44  }
0x25c: {  	v18 =	vadd.f32 v19, v22;
	v19 =	vld [tilespmem:s19+$0x7900]  }
0x25d: {  	v17 =	vadd.f32 v21, v17;
	v21 =	vld [tilespmem:s2+$0x7900]  }
0x25e: {  	v11 =	vadd.f32 v14, v11;
	v14 =	vld [tilespmem:s15+$0x7900];
	[tilespmem:s22+$0xFFFFFF80] =	vst v18  }
0x25f: {  	v18 =	vld [tilespmem:s6+$0x7900];
	[tilespmem:s22+$0xFFFFFF90] =	vst v17;
	v9 =	vadd.f32 v15, v9  }
0x260: {  	v17 =	vld [tilespmem:s16+$0x7900];
	[tilespmem:s22+$0xFFFFFFB0] =	vst v11;
	v16 =	vadd.f32 v20, v16  }
0x261: {  	v15 =	vld [tilespmem:s30+$0x7900];
	[tilespmem:s25+$0xFFFFFFC0] =	vst v9;
	v10 =	vadd.f32 v19, v10  }
0x262: {  	v11 =	vld [tilespmem:s14+$0x7900];
	v8 =	vadd.f32 v21, v8;
	[tilespmem:s22+$0xFFFFFFA0] =	vst v16  }
0x263: {  	v9 =	vld [tilespmem:s28+$0x7900];
	v5 =	vadd.f32 v14, v5;
	[tilespmem:s25+$0xFFFFFFD0] =	vst v10  }
0x264: {  	v1 =	vadd.f32 v18, v1;
	v10 =	vld [tilespmem:s31+$0x7900];
	[tilespmem:s25+$0xFFFFFFE0] =	vst v8  }
0x265: {  	v2 =	vadd.f32 v17, v2;
	v8 =	vld [tilespmem:s26+$0x7900];
	[tilespmem:s25+$0x30] =	vst v5  }
0x266: {  	[tilespmem:s25+$0x10] =	vst v1;
	v1 =	vadd.f32 v15, v6  }
0x267: {  	[tilespmem:s25+$0x20] =	vst v2;
	v2 =	vadd.f32 v11, v7  }
0x268: {  	v5 =	vadd.f32 v13, v12;
	v3 =	vadd.f32 v9, v3;
	[tilespmem:s25+$0x40] =	vst v1  }
0x269: {  	[tilespmem:s25+$0x50] =	vst v2;
	v1 =	vadd.f32 v10, v4  }
0x26a: {  	[tilespmem:s25+$0xFFFFFFF0] =	vst v3;
	v2 =	vadd.f32 v8, v5  }
0x26b: {  	s1 =	sshll.u32 s21, $0xE;
	s21 =	rddreg [dreg:$0x2];
	[tilespmem:s25+$0x0] =	vst v1  }
0x26c: {  	s4 =	rddreg [dreg:$0xd];
	[tilespmem:s25+$0x70] =	vst v2  }
0x26d: {  	s3 =	simm.s32 $0x0;
	s1 =	sor.u32 s4, s1;
	s5 =	rddreg [dreg:$0xe]  }
0x26e: {  	s4 =	simm.s32 $0xD100;
	s7 =	rddreg [dreg:$0xf];
	s2 =	sadd.s32 s21, s1  }
0x26f: {  	[hbm4b:s2+s3] =	stream.linear.scatter [tilespmem:s4], [sflag:$0x6], $0x400, $0x38;
	[tilespmem:$0x10100] =	vst v63  }
0x270: {  	s6 =	simm.s32 $0xD500;
	s9 =	rddreg [dreg:$0x10];
	s2 =	sadd.s32 s1, s5  }
0x271: {  	[hbm4b:s2+s3] =	stream.linear.scatter [tilespmem:s6], [sflag:$0x6], $0x400, $0x38;
	[tilespmem:$0x10100] =	vst v63  }
0x272: {  	s8 =	simm.s32 $0xD900;
	s5 =	rddreg [dreg:$0x15];
	s2 =	sadd.s32 s1, s7  }
0x273: {  	[hbm4b:s2+s3] =	stream.linear.scatter [tilespmem:s8], [sflag:$0x6], $0x400, $0x38;
	[tilespmem:$0x10100] =	vst v63  }
0x274: {  	s10 =	simm.s32 $0xDD00;
	s4 =	rddreg [dreg:$0x8];
	s1 =	sadd.s32 s1, s9  }
0x275: {  	[hbm4b:s1+s3] =	stream.linear.scatter [tilespmem:s10], [sflag:$0x6], $0x400, $0x38;
	[tilespmem:$0x10100] =	vst v63  }
0x276: {  	s2 =	simm.s32 @!p0 $0x80;
	s1 =	sadd.s32 @!p0 $0x500, s5;
	s3 =	simm.s32 @!p0 $0x9100  }
0x277: {  	[tilespmem:s3], [sflag:$0x2] =	stream.indirect.gather @!p0 [hbm4b:s4+s2], $0x10, s1, s2, $0xb8;
	[tilespmem:$0x10100] =	vst v63  }
0x278: {  	s1 =	sadd.s32 @!p0 $0x580, s5;
	s3 =	simm.s32 @!p0 $0x9900  }
0x279: {  	[tilespmem:s3], [sflag:$0x2] =	stream.indirect.gather @!p0 [hbm4b:s4+s2], $0x10, s1, s2, $0xb8;
	[tilespmem:$0x10100] =	vst v63  }
0x27a: {  	s1 =	simm.s32 @p1 $0x7  }
0x27b: {  	_ =	swait.ge @p1 [sflag:s1], $0x1000  }
0x27c: {  	s13 =	simm.s32 $0x0;
	[sflag:s1] =	ssyncset.done @p1 $0x0;
	s11 =	rddreg [dreg:$0x16]  }
0x27d: {  	s7 =	simm.s32 $0x3;
	[sflag:s1] =	ssyncadd.s32 @p1 $0xFFFFF000;
	s1 =	sor.u32 $0x2, s11  }
0x27e: {  	_ =	swait.ge [sflag:s7], $0x1000;
	[dreg:$0x17] =	wrdreg s1;
	s1 =	sshll.u32 s1, $0x1  }
0x27f: {  	s12 =	sand.u32 $0x80, s13;
	[dreg:$0x6] =	wrdreg s1  }
0x280: {  	s15 =	simm.s32 $0x1;
	s14 =	sor.u32 $0x60, s12;
	s1 =	rddreg [dreg:$0x6]  }
0x281: {  	s16 =	sand.u32 $0xF, s15;
	v1 =	vmov s14;
	s1 =	sadd.s32 $0x0, s1  }
0x282: {  	v1 =	vshll.u32 v1, $0x4;
	v2 =	vmov s16;
	s17 =	sshll.u32 s1, $0x4  }
0x283: {  	v1 =	vor.u32 v0, v1;
	v3 =	vor.u32 s17, v2  }
0x284: {  	v2 =	vor.u32 s16, v1  }
0x285: {  	s31 =	simm.s32 $0xE0;
	[sflag:s7] =	ssyncset.done $0x0  }
0x286: {  	s6 =	sand.u32 $0x7E0, s31;
	[sflag:s7] =	ssyncadd.s32 $0xFFFFF000  }
0x287: {  	s19 =	sor.u32 $0x10, s12;
	s22 =	sor.u32 $0x30, s12;
	v16 =	vld [tilespmem:s6+$0x7900]  }
0x288: {  	s20 =	sor.u32 $0x20, s12;
	s23 =	sor.u32 $0x40, s12;
	v6 =	vmov s22;
	v4 =	vmov s19;
	v9 =	vld.idx.msk [tilespmem:v3+s18+$0x0], $0xffff  }
0x289: {  	v7 =	vmov s23;
	v5 =	vmov s20;
	v4 =	vshll.u32 v4, $0x4;
	s1 =	simm.s32 $0x0;
	v2 =	vld.idx.msk [tilespmem:v2+s29+$0x0], $0xffff  }
0x28a: {  	v6 =	vshll.u32 v6, $0x4;
	v5 =	vshll.u32 v5, $0x4;
	v4 =	vor.u32 v0, v4;
	s26 =	sand.u32 $0xE, s1;
	v15 =	vld.idx.msk [tilespmem:v3+s18+$0x0], $0xffff  }
0x28b: {  	v7 =	vshll.u32 v7, $0x4;
	v5 =	vor.u32 v0, v5;
	s25 =	sor.u32 $0x50, s12;
	v10 =	vor.u32 s26, v4;
	v13 =	vld.idx.msk [tilespmem:v3+s18+$0x0], $0xffff  }
0x28c: {  	v6 =	vor.u32 v0, v6;
	v8 =	vmov s25;
	v11 =	vor.u32 s26, v5;
	v18 =	vld.idx.msk [tilespmem:v3+s18+$0x0], $0xffff  }
0x28d: {  	v7 =	vor.u32 v0, v7;
	v8 =	vshll.u32 v8, $0x4;
	v12 =	vor.u32 s26, v6;
	v27 =	vld.idx.msk [tilespmem:v3+s18+$0x0], $0xffff  }
0x28e: {  	v8 =	vor.u32 v0, v8;
	v14 =	vor.u32 s26, v7;
	v28 =	vld.idx.msk [tilespmem:v3+s18+$0x0], $0xffff  }
0x28f: {  	v17 =	vor.u32 s26, v8;
	v30 =	vld.idx.msk [tilespmem:v3+s18+$0x0], $0xffff  }
0x290: {  	v1 =	vor.u32 s26, v1;
	v10 =	vld.idx.msk [tilespmem:v10+s29+$0x0], $0xffff  }
0x291: {  	v4 =	vor.u32 s16, v4;
	v11 =	vld.idx.msk [tilespmem:v11+s29+$0x0], $0xffff  }
0x292: {  	v5 =	vor.u32 s16, v5;
	v19 =	vld.idx.msk [tilespmem:v12+s29+$0x0], $0xffff  }
0x293: {  	v6 =	vor.u32 s16, v6;
	v14 =	vld.idx.msk [tilespmem:v14+s29+$0x0], $0xffff  }
0x294: {  	s6 =	sor.u32 $0x70, s13;
	v8 =	vor.u32 s16, v8;
	v20 =	vld.idx.msk [tilespmem:v17+s29+$0x0], $0xffff  }
0x295: {  	v7 =	vor.u32 s16, v7;
	v12 =	vmov s12;
	v17 =	vmov s6;
	v21 =	vld.idx.msk [tilespmem:v1+s29+$0x0], $0xffff  }
0x296: {  	v4 =	vld.idx.msk [tilespmem:v4+s29+$0x0], $0xffff;
	v12 =	vshll.u32 v12, $0x4;
	v1 =	vshll.u32 v17, $0x4;
	v17 =	vmov s26  }
0x297: {  	v5 =	vld.idx.msk [tilespmem:v5+s29+$0x0], $0xffff;
	v12 =	vor.u32 v0, v12;
	v17 =	vor.u32 s17, v17  }
0x298: {  	v6 =	vld.idx.msk [tilespmem:v6+s29+$0x0], $0xffff;
	v1 =	vor.u32 v0, v1;
	v22 =	vor.u32 s26, v12  }
0x299: {  	v24 =	vld.idx.msk [tilespmem:v8+s29+$0x0], $0xffff;
	v23 =	vor.u32 s26, v1;
	v8 =	vor.u32 s16, v1;
	v1 =	vadd.f32 v9, v2  }
0x29a: {  	v7 =	vld.idx.msk [tilespmem:v7+s29+$0x0], $0xffff;
	v12 =	vor.u32 s16, v12  }
0x29b: {  	s15 =	simm.s32 $0x30;
	s22 =	simm.s32 $0xF0;
	v29 =	vadd.f32 v16, v1;
	v1 =	vadd.f32 v13, v4;
	v13 =	vld.idx.msk [tilespmem:v3+s18+$0x0], $0xffff  }
0x29c: {  	s23 =	simm.s32 $0xD0;
	s20 =	simm.s32 $0xE180;
	s19 =	simm.s32 $0x50;
	v25 =	vld.idx.msk [tilespmem:v17+s18+$0x0], $0xffff  }
0x29d: {  	s19 =	sand.u32 $0x750, s19;
	s14 =	simm.s32 $0x20;
	s25 =	simm.s32 $0xA0;
	v22 =	vld.idx.msk [tilespmem:v22+s29+$0x0], $0xffff  }
0x29e: {  	s9 =	simm.s32 $0x60;
	s8 =	simm.s32 $0x10;
	s10 =	simm.s32 $0x70;
	v23 =	vld.idx.msk [tilespmem:v23+s29+$0x0], $0xffff  }
0x29f: {  	s28 =	sand.u32 $0x770, s10;
	s5 =	sand.u32 $0x730, s15;
	s7 =	simm.s32 $0x0;
	v2 =	vadd.f32 v18, v5;
	v26 =	vld.idx.msk [tilespmem:v12+s29+$0x0], $0xffff  }
0x2a0: {  	s3 =	sand.u32 $0x710, s8;
	s4 =	sand.u32 $0x720, s14;
	s2 =	sand.u32 $0x700, s7;
	v5 =	vadd.f32 v27, v6;
	v6 =	vadd.f32 v28, v7;
	v12 =	vld.idx.msk [tilespmem:v8+s29+$0x0], $0xffff  }
0x2a1: {  	s14 =	sand.u32 $0x7D0, s23;
	s11 =	simm.s32 $0x80;
	s12 =	simm.s32 $0x90;
	v16 =	vadd.f32 v11, v25;
	v11 =	vadd.f32 v19, v25;
	v19 =	vld [tilespmem:s2+$0x7900]  }
0x2a2: {  	s23 =	simm.s32 $0xE180;
	s30 =	sand.u32 $0x780, s11;
	s6 =	sand.u32 $0x790, s12;
	v7 =	vadd.f32 v30, v24;
	v8 =	vadd.f32 v21, v25;
	v21 =	vld [tilespmem:s3+$0x7900]  }
0x2a3: {  	s17 =	simm.s32 $0xC0;
	s16 =	simm.s32 $0x40;
	s26 =	simm.s32 $0xB0;
	v17 =	vadd.f32 v10, v25;
	v10 =	vadd.f32 v20, v25;
	v20 =	vld [tilespmem:s4+$0x7900]  }
0x2a4: {  	s8 =	sand.u32 $0x740, s16;
	s16 =	sand.u32 $0x7A0, s25;
	s15 =	sand.u32 $0x7B0, s26;
	v9 =	vadd.f32 v14, v25;
	v14 =	vld [tilespmem:s5+$0x7900];
	v22 =	vadd.f32 v25, v22  }
0x2a5: {  	s26 =	sand.u32 $0x7C0, s17;
	s25 =	sand.u32 $0x7F0, s22;
	[tilespmem:s20+$0x60] =	vst v29;
	s2 =	sand.u32 $0x760, s9;
	v3 =	vadd.f32 v23, v25;
	v4 =	vadd.f32 v15, v26;
	v15 =	vld [tilespmem:s8+$0x7900]  }
.LBB2_7:
0x2a6: {  	s13 =	sadd.s32 $0x10, s13;
	v25 =	vld [tilespmem:s6+$0x7900]  }
0x2a7: {  	s1 =	sadd.s32 $0x2, s1;
	v30 =	vld [tilespmem:s15+$0x7900];
	s4 =	sand.u32 $0x80, s13  }
0x2a8: {  	v32 =	vld [tilespmem:s26+$0x7900];
	s31 =	sand.u32 $0xE, s1;
	s7 =	sor.u32 $0x60, s4  }
0x2a9: {  	v33 =	vld [tilespmem:s14+$0x7900];
	s9 =	sor.u32 $0x10, s4;
	s8 =	sor.u32 $0x40, s4;
	v37 =	vmov s31;
	v23 =	vmov s7  }
0x2aa: {  	v35 =	vld [tilespmem:s25+$0x7900];
	v24 =	vmov s9;
	v28 =	vmov s8;
	v18 =	vadd.f32 v19, v22  }
0x2ab: {  	s3 =	rddreg [dreg:$0x6];
	v22 =	vld [tilespmem:s19+$0x7900];
	v12 =	vadd.f32 v13, v12;
	v13 =	vadd.f32 v21, v17;
	v24 =	vshll.u32 v24, $0x4  }
0x2ac: {  	s22 =	sadd.s32 $0x100, s22;
	s5 =	sor.u32 $0x70, s13;
	s12 =	sadd.s32 $0x1, s1;
	v19 =	vld [tilespmem:s2+$0x7900];
	v17 =	vmov s4;
	v28 =	vshll.u32 v28, $0x4;
	v24 =	vor.u32 v0, v24  }
0x2ad: {  	s11 =	sshrl.u32 s13, $0x7;
	s2 =	sand.u32 $0xF, s12;
	s12 =	sadd.s32 $0xFFFFFFF0, s22;
	v28 =	vor.u32 v0, v28;
	[tilespmem:s20+$0xFFFFFF80] =	vst v18;
	v18 =	vadd.f32 v20, v16;
	v16 =	vld [tilespmem:s28+$0x7900];
	v38 =	vor.u32 s31, v24  }
0x2ae: {  	s3 =	sadd.s32 s3, s11;
	v21 =	vmov s5;
	s7 =	sand.u32 $0x7E0, s12;
	v20 =	vshll.u32 v17, $0x4;
	v17 =	vld [tilespmem:s30+$0x7900];
	v41 =	vor.u32 s31, v28  }
0x2af: {  	s9 =	sadd.s32 $0xFFFFFF10, s22;
	s5 =	sshll.u32 s3, $0x4;
	[tilespmem:s20+$0xFFFFFF90] =	vst v13;
	v13 =	vshll.u32 v23, $0x4;
	v23 =	vmov s2;
	v24 =	vor.u32 s2, v24;
	v44 =	vld [tilespmem:s7+$0x7900]  }
0x2b0: {  	v37 =	vor.u32 s5, v37;
	v26 =	vor.u32 v0, v13;
	v13 =	vor.u32 s5, v23;
	v23 =	vld [tilespmem:s16+$0x7900];
	s5 =	sand.u32 $0x700, s9  }
0x2b1: {  	s17 =	sor.u32 $0x20, s4;
	s19 =	sor.u32 $0x30, s4;
	s4 =	sor.u32 $0x50, s4;
	v8 =	vadd.f32 v19, v8;
	v19 =	vld [tilespmem:s5+$0x7900]  }
0x2b2: {  	v9 =	vadd.f32 v15, v9;
	v27 =	vmov s19;
	v31 =	vmov s4;
	v38 =	vld.idx.msk [tilespmem:v38+s29+$0x0], $0xffff  }
0x2b3: {  	v27 =	vshll.u32 v27, $0x4;
	v31 =	vshll.u32 v31, $0x4;
	[tilespmem:s20+$0xFFFFFFA0] =	vst v18;
	v15 =	vld.idx.msk [tilespmem:v41+s29+$0x0], $0xffff  }
0x2b4: {  	v27 =	vor.u32 v0, v27;
	v18 =	vmov s17;
	v29 =	vor.u32 s2, v26;
	[tilespmem:s23+$0xFFFFFFC0] =	vst v9;
	v9 =	vld.idx.msk [tilespmem:v24+s29+$0x0], $0xffff  }
0x2b5: {  	v31 =	vor.u32 v0, v31;
	v40 =	vor.u32 s31, v27;
	v18 =	vshll.u32 v18, $0x4;
	v36 =	vld.idx.msk [tilespmem:v13+s18+$0x0], $0xffff  }
0x2b6: {  	v42 =	vor.u32 s31, v31;
	v34 =	vor.u32 v0, v18;
	v18 =	vld.idx.msk [tilespmem:v13+s18+$0x0], $0xffff  }
0x2b7: {  	v26 =	vor.u32 s31, v26;
	v43 =	vld.idx.msk [tilespmem:v13+s18+$0x0], $0xffff  }
0x2b8: {  	v27 =	vor.u32 s2, v27;
	v46 =	vld.idx.msk [tilespmem:v13+s18+$0x0], $0xffff  }
0x2b9: {  	v28 =	vor.u32 s2, v28;
	v20 =	vor.u32 v0, v20;
	v29 =	vld.idx.msk [tilespmem:v29+s29+$0x0], $0xffff  }
0x2ba: {  	v11 =	vadd.f32 v14, v11;
	v45 =	vor.u32 s31, v20;
	v14 =	vld.idx.msk [tilespmem:v40+s29+$0x0], $0xffff  }
0x2bb: {  	v40 =	vld.idx.msk [tilespmem:v42+s29+$0x0], $0xffff  }
0x2bc: {  	v21 =	vshll.u32 v21, $0x4;
	v39 =	vor.u32 s31, v34;
	v2 =	vadd.f32 v23, v2;
	v23 =	vld.idx.msk [tilespmem:v26+s29+$0x0], $0xffff  }
0x2bd: {  	v5 =	vadd.f32 v30, v5;
	v21 =	vor.u32 v0, v21;
	v34 =	vor.u32 s2, v34;
	v41 =	vld.idx.msk [tilespmem:v27+s29+$0x0], $0xffff  }
0x2be: {  	v6 =	vadd.f32 v32, v6;
	v47 =	vor.u32 s31, v21;
	v21 =	vor.u32 s2, v21;
	[tilespmem:s23+$0xFFFFFFE0] =	vst v8;
	v42 =	vld.idx.msk [tilespmem:v28+s29+$0x0], $0xffff  }
0x2bf: {  	v31 =	vor.u32 s2, v31;
	v10 =	vadd.f32 v22, v10;
	[tilespmem:s23+$0x30] =	vst v5;
	v5 =	vld.idx.msk [tilespmem:v45+s29+$0x0], $0xffff  }
0x2c0: {  	v8 =	vadd.f32 v35, v12;
	[tilespmem:s23+$0x40] =	vst v6;
	v6 =	vld.idx.msk [tilespmem:v37+s18+$0x0], $0xffff  }
0x2c1: {  	[tilespmem:s23+$0xFFFFFFD0] =	vst v10;
	v39 =	vld.idx.msk [tilespmem:v39+s29+$0x0], $0xffff  }
0x2c2: {  	v1 =	vadd.f32 v25, v1;
	v20 =	vor.u32 s2, v20;
	[tilespmem:s23+$0x70] =	vst v8;
	v10 =	vld.idx.msk [tilespmem:v34+s29+$0x0], $0xffff;
	v29 =	vadd.f32 v36, v29  }
0x2c3: {  	v7 =	vadd.f32 v33, v7;
	v12 =	vld.idx.msk [tilespmem:v21+s29+$0x0], $0xffff  }
0x2c4: {  	p2 =	slt.u32 s13, $0xF0;
	v3 =	vadd.f32 v16, v3;
	[tilespmem:s23+$0x10] =	vst v1;
	v22 =	vadd.f32 v44, v29;
	v44 =	vld.idx.msk [tilespmem:v31+s29+$0x0], $0xffff  }
0x2c5: {  	s10 =	sadd.s32 $0xFFFFFF20, s22;
	s14 =	sadd.s32 $0xFFFFFF30, s22;
	s15 =	sadd.s32 $0xFFFFFF50, s22;
	[tilespmem:s23+$0x50] =	vst v7;
	v7 =	vld.idx.msk [tilespmem:v47+s29+$0x0], $0xffff  }
0x2c6: {  	s25 =	sadd.s32 $0xFFFFFFA0, s22;
	s26 =	sadd.s32 $0xFFFFFFB0, s22;
	s11 =	sadd.s32 $0xFFFFFF40, s22;
	v4 =	vadd.f32 v17, v4;
	[tilespmem:s23+$0xFFFFFFF0] =	vst v3;
	v3 =	vld.idx.msk [tilespmem:v13+s18+$0x0], $0xffff  }
0x2c7: {  	s10 =	sand.u32 $0x710, s10;
	s6 =	sand.u32 $0x790, s25;
	s25 =	sand.u32 $0x7F0, s22;
	[tilespmem:s23+$0x20] =	vst v2;
	v2 =	vadd.f32 v46, v10;
	v46 =	vld.idx.msk [tilespmem:v20+s29+$0x0], $0xffff  }
0x2c8: {  	s8 =	sadd.s32 $0xFFFFFFD0, s22;
	s11 =	sand.u32 $0x730, s11;
	s3 =	sadd.s32 $0xFFFFFFE0, s22;
	v1 =	vadd.f32 v43, v9;
	[tilespmem:s23+$0x0] =	vst v4;
	v4 =	vld.idx.msk [tilespmem:v13+s18+$0x0], $0xffff  }
0x2c9: {  	s19 =	sadd.s32 $0xFFFFFF60, s22;
	s12 =	sand.u32 $0x720, s14;
	s4 =	sand.u32 $0x740, s15;
	[tilespmem:s20+$0xFFFFFFB0] =	vst v11;
	v17 =	vadd.f32 v38, v6;
	v11 =	vadd.f32 v14, v6;
	v47 =	vld.idx.msk [tilespmem:v13+s18+$0x0], $0xffff  }
.Ltmp2:
0x2ca: {  	s14 =	sand.u32 $0x7D0, s3;
	s7 =	sadd.s32 $0xFFFFFF80, s22;
	v21 =	vld [tilespmem:s10+$0x7900];
	v9 =	vadd.f32 v15, v6;
	v8 =	vadd.f32 v23, v6;
	(pc) =	sbr.rel @p2 .LBB2_7-.Ltmp2, $4  }
0x2cb: {  	s19 =	sand.u32 $0x750, s19;
	s17 =	sadd.s32 $0xFFFFFF90, s22;
	s20 =	sadd.s32 $0x100, s20;
	v14 =	vld [tilespmem:s11+$0x7900];
	v16 =	vadd.f32 v39, v6;
	v10 =	vadd.f32 v40, v6  }
0x2cc: {  	s16 =	sadd.s32 $0xFFFFFF70, s22;
	s28 =	sand.u32 $0x770, s7;
	s30 =	sand.u32 $0x780, s17;
	v15 =	vld [tilespmem:s4+$0x7900];
	[tilespmem:s20+$0x60] =	vst v22;
	v22 =	vadd.f32 v6, v5;
	v5 =	vadd.f32 v3, v41  }
0x2cd: {  	s31 =	sadd.s32 $0xFFFFFFC0, s22;
	s2 =	sand.u32 $0x760, s16;
	s16 =	sand.u32 $0x7A0, s26;
	v13 =	vld.idx.msk [tilespmem:v13+s18+$0x0], $0xffff;
	v3 =	vadd.f32 v7, v6;
	v6 =	vadd.f32 v4, v42  }
0x2ce: {  	s26 =	sand.u32 $0x7C0, s8;
	s15 =	sand.u32 $0x7B0, s31;
	s23 =	smov.u32 s20;
	v20 =	vld [tilespmem:s12+$0x7900];
	v4 =	vadd.f32 v18, v46;
	v7 =	vadd.f32 v47, v44  }
0x2cf: {  	v18 =	vadd.f32 v19, v22;
	v19 =	vld [tilespmem:s19+$0x7900]  }
0x2d0: {  	v17 =	vadd.f32 v21, v17;
	v21 =	vld [tilespmem:s2+$0x7900]  }
0x2d1: {  	v11 =	vadd.f32 v14, v11;
	v14 =	vld [tilespmem:s15+$0x7900];
	[tilespmem:s20+$0xFFFFFF80] =	vst v18  }
0x2d2: {  	v18 =	vld [tilespmem:s6+$0x7900];
	[tilespmem:s20+$0xFFFFFF90] =	vst v17;
	v9 =	vadd.f32 v15, v9  }
0x2d3: {  	v17 =	vld [tilespmem:s16+$0x7900];
	[tilespmem:s20+$0xFFFFFFB0] =	vst v11;
	v16 =	vadd.f32 v20, v16  }
0x2d4: {  	v15 =	vld [tilespmem:s26+$0x7900];
	[tilespmem:s23+$0xFFFFFFC0] =	vst v9;
	v10 =	vadd.f32 v19, v10  }
0x2d5: {  	v11 =	vld [tilespmem:s14+$0x7900];
	v8 =	vadd.f32 v21, v8;
	[tilespmem:s20+$0xFFFFFFA0] =	vst v16  }
0x2d6: {  	v9 =	vld [tilespmem:s28+$0x7900];
	v5 =	vadd.f32 v14, v5;
	[tilespmem:s23+$0xFFFFFFD0] =	vst v10  }
0x2d7: {  	v1 =	vadd.f32 v18, v1;
	v10 =	vld [tilespmem:s30+$0x7900];
	[tilespmem:s23+$0xFFFFFFE0] =	vst v8  }
0x2d8: {  	v2 =	vadd.f32 v17, v2;
	v8 =	vld [tilespmem:s25+$0x7900];
	[tilespmem:s23+$0x30] =	vst v5  }
0x2d9: {  	[tilespmem:s23+$0x10] =	vst v1;
	v1 =	vadd.f32 v15, v6  }
0x2da: {  	[tilespmem:s23+$0x20] =	vst v2;
	v2 =	vadd.f32 v11, v7  }
0x2db: {  	v5 =	vadd.f32 v13, v12;
	v3 =	vadd.f32 v9, v3;
	[tilespmem:s23+$0x40] =	vst v1  }
0x2dc: {  	[tilespmem:s23+$0x50] =	vst v2;
	v1 =	vadd.f32 v10, v4  }
0x2dd: {  	[tilespmem:s23+$0xFFFFFFF0] =	vst v3;
	v2 =	vadd.f32 v8, v5  }
0x2de: {  	s1 =	rddreg [dreg:$0x17];
	[tilespmem:s23+$0x0] =	vst v1  }
0x2df: {  	s1 =	sshll.u32 s1, $0xE;
	s12 =	rddreg [dreg:$0xd];
	[tilespmem:s23+$0x70] =	vst v2  }
0x2e0: {  	s3 =	simm.s32 $0x0;
	s1 =	sor.u32 s12, s1;
	s13 =	rddreg [dreg:$0xe]  }
0x2e1: {  	s4 =	simm.s32 $0xE100;
	s15 =	rddreg [dreg:$0xf];
	s2 =	sadd.s32 s21, s1  }
0x2e2: {  	[hbm4b:s2+s3] =	stream.linear.scatter [tilespmem:s4], [sflag:$0x7], $0x400, $0x38;
	[tilespmem:$0x10100] =	vst v63  }
0x2e3: {  	s14 =	simm.s32 $0xE500;
	s17 =	rddreg [dreg:$0x10];
	s2 =	sadd.s32 s1, s13  }
0x2e4: {  	[hbm4b:s2+s3] =	stream.linear.scatter [tilespmem:s14], [sflag:$0x7], $0x400, $0x38;
	[tilespmem:$0x10100] =	vst v63  }
0x2e5: {  	s16 =	simm.s32 $0xE900;
	s5 =	rddreg [dreg:$0x15];
	s2 =	sadd.s32 s1, s15  }
0x2e6: {  	[hbm4b:s2+s3] =	stream.linear.scatter [tilespmem:s16], [sflag:$0x7], $0x400, $0x38;
	[tilespmem:$0x10100] =	vst v63  }
0x2e7: {  	s19 =	simm.s32 $0xED00;
	s4 =	rddreg [dreg:$0x8];
	s1 =	sadd.s32 s1, s17  }
0x2e8: {  	[hbm4b:s1+s3] =	stream.linear.scatter [tilespmem:s19], [sflag:$0x7], $0x400, $0x38;
	[tilespmem:$0x10100] =	vst v63  }
0x2e9: {  	s2 =	simm.s32 @!p0 $0x80;
	s1 =	sadd.s32 @!p0 $0x600, s5;
	s3 =	simm.s32 @!p0 $0xA100  }
0x2ea: {  	[tilespmem:s3], [sflag:$0x3] =	stream.indirect.gather @!p0 [hbm4b:s4+s2], $0x10, s1, s2, $0xb8;
	[tilespmem:$0x10100] =	vst v63  }
0x2eb: {  	s1 =	sadd.s32 @!p0 $0x680, s5;
	s3 =	simm.s32 @!p0 $0xA900  }
0x2ec: {  	[tilespmem:s3], [sflag:$0x3] =	stream.indirect.gather @!p0 [hbm4b:s4+s2], $0x10, s1, s2, $0xb8;
	[tilespmem:$0x10100] =	vst v63  }
0x2ed: {  	s1 =	simm.s32 @p1 $0x8  }
0x2ee: {  	_ =	swait.ge @p1 [sflag:s1], $0x1000  }
0x2ef: {  	[sflag:s1] =	ssyncset.done @p1 $0x0  }
0x2f0: {  	s8 =	simm.s32 $0x4;
	[sflag:s1] =	ssyncadd.s32 @p1 $0xFFFFF000  }
0x2f1: {  	_ =	swait.ge [sflag:s8], $0x1000  }
0x2f2: {  	s20 =	rddreg [dreg:$0x14]  }
0x2f3: {  	s7 =	simm.s32 $0x0;
	s1 =	sshll.u32 s20, $0x1  }
0x2f4: {  	s21 =	sand.u32 $0x80, s7;
	[dreg:$0x7] =	wrdreg s1  }
0x2f5: {  	s23 =	simm.s32 $0x1;
	s22 =	sor.u32 $0x60, s21;
	s1 =	rddreg [dreg:$0x7]  }
0x2f6: {  	s25 =	sand.u32 $0xF, s23;
	v1 =	vmov s22;
	s1 =	sadd.s32 $0x0, s1  }
0x2f7: {  	v2 =	vmov s25;
	v1 =	vshll.u32 v1, $0x4;
	s26 =	sshll.u32 s1, $0x4  }
0x2f8: {  	v1 =	vor.u32 v0, v1;
	v3 =	vor.u32 s26, v2  }
0x2f9: {  	v2 =	vor.u32 s25, v1  }
0x2fa: {  	s12 =	simm.s32 $0xE0;
	[sflag:s8] =	ssyncset.done $0x0  }
0x2fb: {  	s6 =	sand.u32 $0x7E0, s12;
	[sflag:s8] =	ssyncadd.s32 $0xFFFFF000  }
0x2fc: {  	s28 =	sor.u32 $0x10, s21;
	s30 =	sor.u32 $0x20, s21;
	v16 =	vld [tilespmem:s6+$0x7900]  }
0x2fd: {  	s31 =	sor.u32 $0x30, s21;
	s9 =	sor.u32 $0x40, s21;
	v4 =	vmov s28;
	v5 =	vmov s30;
	v9 =	vld.idx.msk [tilespmem:v3+s18+$0x0], $0xffff  }
0x2fe: {  	s10 =	sor.u32 $0x50, s21;
	v6 =	vmov s31;
	v7 =	vmov s9;
	v4 =	vshll.u32 v4, $0x4;
	s1 =	simm.s32 $0x0;
	v2 =	vld.idx.msk [tilespmem:v2+s0+$0x0], $0xffff  }
0x2ff: {  	v8 =	vmov s10;
	v5 =	vshll.u32 v5, $0x4;
	v4 =	vor.u32 v0, v4;
	s11 =	sand.u32 $0xE, s1;
	v15 =	vld.idx.msk [tilespmem:v3+s18+$0x0], $0xffff  }
0x300: {  	v6 =	vshll.u32 v6, $0x4;
	v5 =	vor.u32 v0, v5;
	v10 =	vor.u32 s11, v4;
	v13 =	vld.idx.msk [tilespmem:v3+s18+$0x0], $0xffff  }
0x301: {  	v7 =	vshll.u32 v7, $0x4;
	v6 =	vor.u32 v0, v6;
	v11 =	vor.u32 s11, v5;
	v18 =	vld.idx.msk [tilespmem:v3+s18+$0x0], $0xffff  }
0x302: {  	v8 =	vshll.u32 v8, $0x4;
	v7 =	vor.u32 v0, v7;
	v12 =	vor.u32 s11, v6;
	v27 =	vld.idx.msk [tilespmem:v3+s18+$0x0], $0xffff  }
0x303: {  	v8 =	vor.u32 v0, v8;
	v14 =	vor.u32 s11, v7;
	v28 =	vld.idx.msk [tilespmem:v3+s18+$0x0], $0xffff  }
0x304: {  	v17 =	vor.u32 s11, v8;
	v30 =	vld.idx.msk [tilespmem:v3+s18+$0x0], $0xffff  }
0x305: {  	v1 =	vor.u32 s11, v1;
	v10 =	vld.idx.msk [tilespmem:v10+s0+$0x0], $0xffff  }
0x306: {  	v4 =	vor.u32 s25, v4;
	v11 =	vld.idx.msk [tilespmem:v11+s0+$0x0], $0xffff  }
0x307: {  	v5 =	vor.u32 s25, v5;
	v19 =	vld.idx.msk [tilespmem:v12+s0+$0x0], $0xffff  }
0x308: {  	v6 =	vor.u32 s25, v6;
	v14 =	vld.idx.msk [tilespmem:v14+s0+$0x0], $0xffff  }
0x309: {  	s13 =	sor.u32 $0x70, s7;
	v8 =	vor.u32 s25, v8;
	v20 =	vld.idx.msk [tilespmem:v17+s0+$0x0], $0xffff  }
0x30a: {  	v7 =	vor.u32 s25, v7;
	v12 =	vmov s21;
	v17 =	vmov s13;
	v21 =	vld.idx.msk [tilespmem:v1+s0+$0x0], $0xffff  }
0x30b: {  	v4 =	vld.idx.msk [tilespmem:v4+s0+$0x0], $0xffff;
	v12 =	vshll.u32 v12, $0x4;
	v1 =	vshll.u32 v17, $0x4;
	v17 =	vmov s11  }
0x30c: {  	v5 =	vld.idx.msk [tilespmem:v5+s0+$0x0], $0xffff;
	v12 =	vor.u32 v0, v12;
	v17 =	vor.u32 s26, v17  }
0x30d: {  	v6 =	vld.idx.msk [tilespmem:v6+s0+$0x0], $0xffff;
	v1 =	vor.u32 v0, v1;
	v22 =	vor.u32 s11, v12  }
0x30e: {  	v24 =	vld.idx.msk [tilespmem:v8+s0+$0x0], $0xffff;
	v23 =	vor.u32 s11, v1;
	v8 =	vor.u32 s25, v1;
	v1 =	vadd.f32 v9, v2  }
0x30f: {  	v7 =	vld.idx.msk [tilespmem:v7+s0+$0x0], $0xffff;
	v12 =	vor.u32 s25, v12  }
0x310: {  	s23 =	simm.s32 $0xA0;
	s12 =	simm.s32 $0x80;
	v29 =	vadd.f32 v16, v1;
	v1 =	vadd.f32 v13, v4;
	v13 =	vld.idx.msk [tilespmem:v3+s18+$0x0], $0xffff  }
0x311: {  	s9 =	simm.s32 $0x50;
	s10 =	simm.s32 $0x60;
	s30 =	simm.s32 $0xC0;
	v25 =	vld.idx.msk [tilespmem:v17+s18+$0x0], $0xffff  }
0x312: {  	s22 =	simm.s32 $0xD0;
	s14 =	simm.s32 $0x0;
	s15 =	simm.s32 $0x10;
	v22 =	vld.idx.msk [tilespmem:v22+s0+$0x0], $0xffff  }
0x313: {  	s17 =	simm.s32 $0xB0;
	s16 =	simm.s32 $0x20;
	s19 =	simm.s32 $0x30;
	v23 =	vld.idx.msk [tilespmem:v23+s0+$0x0], $0xffff  }
0x314: {  	s5 =	sand.u32 $0x730, s19;
	s19 =	sand.u32 $0x750, s9;
	s2 =	sand.u32 $0x700, s14;
	v2 =	vadd.f32 v18, v5;
	v26 =	vld.idx.msk [tilespmem:v12+s0+$0x0], $0xffff  }
0x315: {  	s3 =	sand.u32 $0x710, s15;
	s4 =	sand.u32 $0x720, s16;
	s16 =	sand.u32 $0x7A0, s23;
	v5 =	vadd.f32 v27, v6;
	v6 =	vadd.f32 v28, v7;
	v12 =	vld.idx.msk [tilespmem:v8+s0+$0x0], $0xffff  }
0x316: {  	s15 =	sand.u32 $0x7B0, s17;
	s23 =	sand.u32 $0x7C0, s30;
	s20 =	simm.s32 $0x40;
	v16 =	vadd.f32 v11, v25;
	v11 =	vadd.f32 v19, v25;
	v19 =	vld [tilespmem:s2+$0x7900]  }
0x317: {  	s14 =	sand.u32 $0x7D0, s22;
	s8 =	simm.s32 $0xF180;
	s31 =	sand.u32 $0x740, s20;
	v7 =	vadd.f32 v30, v24;
	v8 =	vadd.f32 v21, v25;
	v21 =	vld [tilespmem:s3+$0x7900]  }
0x318: {  	s20 =	simm.s32 $0xF180;
	s13 =	simm.s32 $0xF0;
	s21 =	simm.s32 $0x90;
	v17 =	vadd.f32 v10, v25;
	v10 =	vadd.f32 v20, v25;
	v20 =	vld [tilespmem:s4+$0x7900]  }
0x319: {  	s6 =	sand.u32 $0x790, s21;
	s22 =	sand.u32 $0x7F0, s13;
	s11 =	simm.s32 $0x70;
	v9 =	vadd.f32 v14, v25;
	v14 =	vld [tilespmem:s5+$0x7900];
	v22 =	vadd.f32 v25, v22  }
0x31a: {  	s25 =	sand.u32 $0x780, s12;
	s26 =	sand.u32 $0x770, s11;
	[tilespmem:s8+$0x60] =	vst v29;
	s2 =	sand.u32 $0x760, s10;
	v3 =	vadd.f32 v23, v25;
	v4 =	vadd.f32 v15, v26;
	v15 =	vld [tilespmem:s31+$0x7900]  }
.LBB2_9:
0x31b: {  	s7 =	sadd.s32 $0x10, s7  }
0x31c: {  	v25 =	vld [tilespmem:s6+$0x7900];
	s4 =	sand.u32 $0x80, s7  }
0x31d: {  	v30 =	vld [tilespmem:s15+$0x7900];
	s9 =	sor.u32 $0x60, s4  }
0x31e: {  	v32 =	vld [tilespmem:s23+$0x7900];
	s10 =	sor.u32 $0x10, s4;
	s31 =	sor.u32 $0x30, s4;
	v23 =	vmov s9  }
0x31f: {  	v33 =	vld [tilespmem:s14+$0x7900];
	s11 =	sor.u32 $0x40, s4;
	v24 =	vmov s10;
	v27 =	vmov s31;
	v18 =	vadd.f32 v19, v22  }
0x320: {  	v35 =	vld [tilespmem:s22+$0x7900];
	s13 =	sadd.s32 $0x100, s13;
	s5 =	sor.u32 $0x70, s7;
	v28 =	vmov s11;
	v12 =	vadd.f32 v13, v12;
	v13 =	vadd.f32 v21, v17  }
0x321: {  	s1 =	sadd.s32 $0x2, s1;
	s15 =	sadd.s32 $0xFFFFFFF0, s13;
	v22 =	vld [tilespmem:s19+$0x7900];
	v17 =	vmov s4;
	v21 =	vmov s5;
	v24 =	vshll.u32 v24, $0x4  }
0x322: {  	s10 =	sand.u32 $0xE, s1;
	s9 =	sand.u32 $0x7E0, s15;
	v19 =	vld [tilespmem:s2+$0x7900];
	v27 =	vshll.u32 v27, $0x4;
	v28 =	vshll.u32 v28, $0x4;
	v24 =	vor.u32 v0, v24  }
0x323: {  	s3 =	rddreg [dreg:$0x7];
	s21 =	sadd.s32 $0x1, s1;
	s19 =	sshrl.u32 s7, $0x7;
	v44 =	vld [tilespmem:s9+$0x7900];
	v27 =	vor.u32 v0, v27;
	v28 =	vor.u32 v0, v28;
	v38 =	vor.u32 s10, v24  }
0x324: {  	s3 =	sadd.s32 s3, s19;
	[tilespmem:s8+$0xFFFFFF80] =	vst v18;
	v18 =	vadd.f32 v20, v16;
	v16 =	vld [tilespmem:s26+$0x7900];
	v20 =	vshll.u32 v17, $0x4;
	s26 =	sand.u32 $0xF, s21;
	v40 =	vor.u32 s10, v27  }
0x325: {  	s12 =	sadd.s32 $0xFFFFFF10, s13;
	[tilespmem:s8+$0xFFFFFF90] =	vst v13;
	v17 =	vld [tilespmem:s25+$0x7900];
	s28 =	sshll.u32 s3, $0x4;
	v13 =	vshll.u32 v23, $0x4;
	v41 =	vor.u32 s10, v28;
	v23 =	vmov s26  }
0x326: {  	s5 =	sand.u32 $0x700, s12;
	v26 =	vor.u32 v0, v13;
	v24 =	vor.u32 s26, v24;
	v13 =	vor.u32 s28, v23;
	v23 =	vld [tilespmem:s16+$0x7900]  }
0x327: {  	v27 =	vor.u32 s26, v27;
	v8 =	vadd.f32 v19, v8;
	v19 =	vld [tilespmem:s5+$0x7900]  }
0x328: {  	v38 =	vld.idx.msk [tilespmem:v38+s0+$0x0], $0xffff  }
0x329: {  	s30 =	sor.u32 $0x20, s4;
	s4 =	sor.u32 $0x50, s4;
	v11 =	vadd.f32 v14, v11;
	v9 =	vadd.f32 v15, v9;
	v29 =	vor.u32 s26, v26;
	v14 =	vld.idx.msk [tilespmem:v40+s0+$0x0], $0xffff  }
0x32a: {  	v31 =	vmov s4;
	v15 =	vld.idx.msk [tilespmem:v41+s0+$0x0], $0xffff  }
0x32b: {  	v31 =	vshll.u32 v31, $0x4;
	[tilespmem:s20+$0xFFFFFFC0] =	vst v9;
	v9 =	vld.idx.msk [tilespmem:v24+s0+$0x0], $0xffff  }
0x32c: {  	v31 =	vor.u32 v0, v31;
	v41 =	vld.idx.msk [tilespmem:v27+s0+$0x0], $0xffff  }
0x32d: {  	[tilespmem:s8+$0xFFFFFFA0] =	vst v18;
	v18 =	vmov s30;
	v42 =	vor.u32 s10, v31;
	v36 =	vld.idx.msk [tilespmem:v13+s18+$0x0], $0xffff  }
0x32e: {  	v26 =	vor.u32 s10, v26;
	v18 =	vshll.u32 v18, $0x4;
	v29 =	vld.idx.msk [tilespmem:v29+s0+$0x0], $0xffff  }
0x32f: {  	v20 =	vor.u32 v0, v20;
	v28 =	vor.u32 s26, v28;
	v34 =	vor.u32 v0, v18;
	v18 =	vld.idx.msk [tilespmem:v13+s18+$0x0], $0xffff  }
0x330: {  	v37 =	vmov s10;
	v45 =	vor.u32 s10, v20;
	v43 =	vld.idx.msk [tilespmem:v13+s18+$0x0], $0xffff  }
0x331: {  	v37 =	vor.u32 s28, v37;
	v46 =	vld.idx.msk [tilespmem:v13+s18+$0x0], $0xffff  }
0x332: {  	v21 =	vshll.u32 v21, $0x4;
	v5 =	vadd.f32 v30, v5;
	v39 =	vor.u32 s10, v34;
	v40 =	vld.idx.msk [tilespmem:v42+s0+$0x0], $0xffff  }
0x333: {  	v21 =	vor.u32 v0, v21;
	v34 =	vor.u32 s26, v34;
	v2 =	vadd.f32 v23, v2;
	v23 =	vld.idx.msk [tilespmem:v26+s0+$0x0], $0xffff  }
0x334: {  	v6 =	vadd.f32 v32, v6;
	v47 =	vor.u32 s10, v21;
	v21 =	vor.u32 s26, v21;
	[tilespmem:s20+$0x30] =	vst v5;
	v42 =	vld.idx.msk [tilespmem:v28+s0+$0x0], $0xffff  }
0x335: {  	v31 =	vor.u32 s26, v31;
	v10 =	vadd.f32 v22, v10;
	[tilespmem:s20+$0xFFFFFFE0] =	vst v8;
	v5 =	vld.idx.msk [tilespmem:v45+s0+$0x0], $0xffff  }
0x336: {  	v8 =	vadd.f32 v35, v12;
	[tilespmem:s20+$0x40] =	vst v6;
	v6 =	vld.idx.msk [tilespmem:v37+s18+$0x0], $0xffff  }
0x337: {  	[tilespmem:s20+$0xFFFFFFD0] =	vst v10;
	v39 =	vld.idx.msk [tilespmem:v39+s0+$0x0], $0xffff  }
0x338: {  	v1 =	vadd.f32 v25, v1;
	v20 =	vor.u32 s26, v20;
	[tilespmem:s20+$0x70] =	vst v8;
	v10 =	vld.idx.msk [tilespmem:v34+s0+$0x0], $0xffff;
	v29 =	vadd.f32 v36, v29  }
0x339: {  	v7 =	vadd.f32 v33, v7;
	v12 =	vld.idx.msk [tilespmem:v21+s0+$0x0], $0xffff  }
0x33a: {  	p0 =	slt.u32 s7, $0xF0;
	v3 =	vadd.f32 v16, v3;
	[tilespmem:s20+$0x10] =	vst v1;
	v22 =	vadd.f32 v44, v29;
	v44 =	vld.idx.msk [tilespmem:v31+s0+$0x0], $0xffff  }
0x33b: {  	s14 =	sadd.s32 $0xFFFFFF20, s13;
	s22 =	sadd.s32 $0xFFFFFF60, s13;
	s17 =	sadd.s32 $0xFFFFFF70, s13;
	[tilespmem:s20+$0x50] =	vst v7;
	v7 =	vld.idx.msk [tilespmem:v47+s0+$0x0], $0xffff  }
0x33c: {  	s23 =	sadd.s32 $0xFFFFFF80, s13;
	s11 =	sadd.s32 $0xFFFFFF30, s13;
	s31 =	sadd.s32 $0xFFFFFFC0, s13;
	v4 =	vadd.f32 v17, v4;
	[tilespmem:s20+$0xFFFFFFF0] =	vst v3;
	v3 =	vld.idx.msk [tilespmem:v13+s18+$0x0], $0xffff  }
0x33d: {  	s12 =	sand.u32 $0x720, s11;
	s2 =	sand.u32 $0x760, s17;
	s15 =	sand.u32 $0x7B0, s31;
	[tilespmem:s20+$0x20] =	vst v2;
	v2 =	vadd.f32 v46, v10;
	v46 =	vld.idx.msk [tilespmem:v20+s0+$0x0], $0xffff  }
0x33e: {  	s19 =	sadd.s32 $0xFFFFFF50, s13;
	s25 =	sadd.s32 $0xFFFFFF90, s13;
	s21 =	sadd.s32 $0xFFFFFFD0, s13;
	v1 =	vadd.f32 v43, v9;
	[tilespmem:s20+$0x0] =	vst v4;
	v4 =	vld.idx.msk [tilespmem:v13+s18+$0x0], $0xffff  }
0x33f: {  	s3 =	sadd.s32 $0xFFFFFFE0, s13;
	s16 =	sadd.s32 $0xFFFFFF40, s13;
	s10 =	sand.u32 $0x710, s14;
	[tilespmem:s8+$0xFFFFFFB0] =	vst v11;
	v17 =	vadd.f32 v38, v6;
	v11 =	vadd.f32 v14, v6;
	v47 =	vld.idx.msk [tilespmem:v13+s18+$0x0], $0xffff  }
.Ltmp3:
0x340: {  	s4 =	sand.u32 $0x740, s19;
	s9 =	sand.u32 $0x730, s16;
	v21 =	vld [tilespmem:s10+$0x7900];
	v9 =	vadd.f32 v15, v6;
	v8 =	vadd.f32 v23, v6;
	(pc) =	sbr.rel @p0 .LBB2_9-.Ltmp3, $4  }
0x341: {  	s19 =	sand.u32 $0x750, s22;
	s22 =	sand.u32 $0x7F0, s13;
	s8 =	sadd.s32 $0x100, s8;
	v14 =	vld [tilespmem:s9+$0x7900];
	v16 =	vadd.f32 v39, v6;
	v10 =	vadd.f32 v40, v6  }
0x342: {  	s25 =	sand.u32 $0x780, s25;
	s28 =	sadd.s32 $0xFFFFFFA0, s13;
	s30 =	sadd.s32 $0xFFFFFFB0, s13;
	v15 =	vld [tilespmem:s4+$0x7900];
	[tilespmem:s8+$0x60] =	vst v22;
	v22 =	vadd.f32 v6, v5;
	v5 =	vadd.f32 v3, v41  }
0x343: {  	s6 =	sand.u32 $0x790, s28;
	s16 =	sand.u32 $0x7A0, s30;
	s26 =	sand.u32 $0x770, s23;
	v13 =	vld.idx.msk [tilespmem:v13+s18+$0x0], $0xffff;
	v3 =	vadd.f32 v7, v6;
	v6 =	vadd.f32 v4, v42  }
0x344: {  	s23 =	sand.u32 $0x7C0, s21;
	s14 =	sand.u32 $0x7D0, s3;
	s20 =	smov.u32 s8;
	v20 =	vld [tilespmem:s12+$0x7900];
	v4 =	vadd.f32 v18, v46;
	v7 =	vadd.f32 v47, v44  }
0x345: {  	v18 =	vadd.f32 v19, v22;
	v37 =	vld [tilespmem:s19+$0x7900]  }
0x346: {  	v17 =	vadd.f32 v21, v17;
	v38 =	vld [tilespmem:s2+$0x7900]  }
0x347: {  	v39 =	vld [tilespmem:s6+$0x7900];
	v11 =	vadd.f32 v14, v11;
	[tilespmem:s8+$0xFFFFFF80] =	vst v18  }
0x348: {  	v40 =	vld [tilespmem:s16+$0x7900];
	[tilespmem:s8+$0xFFFFFF90] =	vst v17;
	v9 =	vadd.f32 v15, v9  }
0x349: {  	v41 =	vld [tilespmem:s15+$0x7900];
	[tilespmem:s8+$0xFFFFFFB0] =	vst v11;
	v16 =	vadd.f32 v20, v16  }
0x34a: {  	v44 =	vld [tilespmem:s26+$0x7900];
	[tilespmem:s20+$0xFFFFFFC0] =	vst v9;
	v10 =	vadd.f32 v37, v10  }
0x34b: {  	v42 =	vld [tilespmem:s23+$0x7900];
	v8 =	vadd.f32 v38, v8;
	[tilespmem:s8+$0xFFFFFFA0] =	vst v16  }
0x34c: {  	v43 =	vld [tilespmem:s14+$0x7900];
	v1 =	vadd.f32 v39, v1;
	[tilespmem:s20+$0xFFFFFFD0] =	vst v10  }
0x34d: {  	v45 =	vld [tilespmem:s25+$0x7900];
	v2 =	vadd.f32 v40, v2;
	[tilespmem:s20+$0xFFFFFFE0] =	vst v8  }
0x34e: {  	v46 =	vld [tilespmem:s22+$0x7900];
	v5 =	vadd.f32 v41, v5;
	[tilespmem:s20+$0x10] =	vst v1  }
0x34f: {  	v3 =	vadd.f32 v44, v3;
	[tilespmem:s20+$0x20] =	vst v2  }
0x350: {  	v1 =	vadd.f32 v42, v6;
	[tilespmem:s20+$0x30] =	vst v5  }
0x351: {  	v47 =	vadd.f32 v13, v12;
	v2 =	vadd.f32 v43, v7;
	[tilespmem:s20+$0xFFFFFFF0] =	vst v3  }
0x352: {  	[tilespmem:s20+$0x40] =	vst v1;
	v1 =	vadd.f32 v45, v4  }
0x353: {  	s21 =	rddreg [dreg:$0x2];
	[tilespmem:s20+$0x50] =	vst v2;
	v2 =	vadd.f32 v46, v47  }
0x354: {  	s1 =	rddreg [dreg:$0x14];
	[tilespmem:s20+$0x0] =	vst v1  }
0x355: {  	s3 =	simm.s32 $0x0;
	s1 =	sshll.u32 s1, $0xE;
	s22 =	rddreg [dreg:$0xd];
	[tilespmem:s20+$0x70] =	vst v2  }
0x356: {  	s4 =	simm.s32 $0xF100;
	s1 =	sor.u32 s22, s1;
	s5 =	rddreg [dreg:$0x13]  }
0x357: {  	s23 =	rddreg [dreg:$0xe];
	s2 =	sadd.s32 s21, s1;
	s5 =	sadd.s32 $0x1, s5  }
0x358: {  	[hbm4b:s2+s3] =	stream.linear.scatter [tilespmem:s4], [sflag:$0x8], $0x400, $0x38;
	[tilespmem:$0x10100] =	vst v63  }
0x359: {  	s25 =	simm.s32 $0xF500;
	s2 =	sadd.s32 s1, s23;
	p0 =	sne.s32 s5, $0x19  }
0x35a: {  	[hbm4b:s2+s3] =	stream.linear.scatter [tilespmem:s25], [sflag:$0x8], $0x400, $0x38;
	[tilespmem:$0x10100] =	vst v63  }
.Ltmp4:
0x35b: {  	s26 =	rddreg [dreg:$0xf];
	(pc) =	sbr.rel @p0 .LBB2_2-.Ltmp4, $4  }
0x35c: {  	s28 =	simm.s32 $0xF900;
	s30 =	rddreg [dreg:$0x10];
	s2 =	sadd.s32 s1, s26  }
0x35d: {  	[hbm4b:s2+s3] =	stream.linear.scatter [tilespmem:s28], [sflag:$0x8], $0x400, $0x38;
	[tilespmem:$0x10100] =	vst v63  }
0x35e: {  	s31 =	simm.s32 $0xFD00;
	s17 =	simm.s32 $0x8100;
	s1 =	sadd.s32 s1, s30  }
0x35f: {  	[hbm4b:s1+s3] =	stream.linear.scatter [tilespmem:s31], [sflag:$0x8], $0x400, $0x38;
	[tilespmem:$0x10100] =	vst v63  }
0x360: {  	s1 =	simm.s32 $0x5  }
0x361: {  	_ =	swait.ge [sflag:s1], $0x1000  }
0x362: {  	[sflag:s1] =	ssyncset.done $0x0  }
0x363: {  	s28 =	simm.s32 $0x6;
	[sflag:s1] =	ssyncadd.s32 $0xFFFFF000  }
0x364: {  	_ =	swait.ge [sflag:s28], $0x1000  }
0x365: {  	[sflag:s28] =	ssyncset.done $0x0  }
0x366: {  	s30 =	simm.s32 $0x7;
	[sflag:s28] =	ssyncadd.s32 $0xFFFFF000  }
0x367: {  	_ =	swait.ge [sflag:s30], $0x1000  }
0x368: {  	[sflag:s30] =	ssyncset.done $0x0  }
0x369: {  	s2 =	simm.s32 $0x8;
	[sflag:s30] =	ssyncadd.s32 $0xFFFFF000  }
0x36a: {  	_ =	swait.ge [sflag:s2], $0x1000  }
0x36b: {  	s3 =	rddreg [dreg:$0x12]  }
0x36c: {  	s31 =	rddreg [dreg:$0x11];
	s3 =	sadd.s32 $0x1, s3  }
0x36d: {  	p0 =	sne.s32 s3, s31  }
.Ltmp5:
0x36e: {  	_ = 	snop;
	(pc) =	sbr.rel @p0 .LBB2_1-.Ltmp5, $3  }
0x36f: {  	_ =	sdelay $0x1  }
0x370: {  	[sflag:s2] =	ssyncset.done $0x0  }
0x371: {  	[sflag:s2] =	ssyncadd.s32 $0xFFFFF000  }
0x372: {  	_ =	sfence.sel $0x180000  }
0x373: {  	[bflag:$0x0] =	sbarrier.arrive $0xFFFF  }
0x374: {  	_ =	strace $0x90000047  }
0x375: {  	s0 =	stileid.u32;
	[bflag:$0x2] =	sbarrier.arrive $0xFFFF  }
0x376: {  	p0 =	sne.s32 s0, $0x0;
	s0 =	rddreg [dreg:$0x3]  }
0x377: {  	s0 =	sadd.s32 @!p0 $0x100000, s0  }
0x378: {  	[sflag:s0] =	ssyncadd.tile.s32 @!p0 $0x1;
	_ =	shalt  }
.Lfunc_end2:
_tile_overlayer_lowered:
.L_overlay_start_2:
0x379: {  	(tag) =	ssettag $0x2  }
0x37a: {  	s0 =	rddreg [dreg:$0x0];
	s2 =	stileid.u32  }
0x37b: {  	s1 =	rddreg [dreg:$0x1];
	p0 =	sne.s32 s2, $0x0  }
0x37c: {  	s3 =	rddreg [dreg:$0x2];
	[bflag:$0x3] =	sbarrier.arrive $0xFFFF;
	s2 =	simm.s32 @!p0 $0x1C0A  }
0x37d: {  	[timem:s3], [sflag:s2] =	dma.local @!p0 [hbm:s0], s1  }
0x37e: {  	s0 =	simm.s32 @!p0 $0xA  }
0x37f: {  	_ =	swait.ge @!p0 [sflag:s0], s1  }
0x380: {  	s1 =	ssub.s32 @!p0 $0x0, s1;
	[sflag:s0] =	ssyncset.done @!p0 $0x0  }
0x381: {  	[sflag:s0] =	ssyncadd.s32 @!p0 s1  }
0x382: {  	[bflag:$0x3] =	sbarrier.arrive $0xFFFF  }
0x383: {  	_ =	shalt  }

</sc_bundles>
